<compile_context>
chip_gen: v7x
topology: tpu7x:2x2x1
jax: 0.10.2.dev20260603
libtpu: 0.0.44.dev20260713+nightly
codegen_flags: <defaults>
</compile_context>

<pallas_src>
import functools

import jax
import jax.numpy as jnp
from jax import lax
from jax.experimental import pallas as pl
from jax.experimental.pallas import tpu as pltpu
from jax.experimental.pallas import tpu_sc as plsc

N = 10000
E = 320000
D_IN = 128
D_HID = 128
D_OUT = 64

NC = 2
NS = 16
NW = NC * NS
CH = 128
NCH = 80
E_PAD = NW * NCH * CH
N_ACC = 10112
ROWS_PER_TILE_ACC = N_ACC // NS

_mesh = plsc.VectorSubcoreMesh(core_axis_name="c", subcore_axis_name="s")


_NBUF = 2
_G = 8
_NGRP = NCH // _G


def _make_edge_kernel(d):
    @functools.partial(
        pl.kernel,
        out_type=jax.ShapeDtypeStruct((NC, N_ACC, d), jnp.float32),
        mesh=_mesh,
        compiler_params=pltpu.CompilerParams(use_tc_tiling_on_sc=False),
        scratch_types=[
            pltpu.VMEM((_G, CH), jnp.int32),
            pltpu.VMEM((_G, CH), jnp.int32),
            [pltpu.VMEM((CH, d), jnp.float32)] * _NBUF,
            pltpu.VMEM_SHARED((N_ACC, d), jnp.float32),
            [pltpu.SemaphoreType.DMA] * _NBUF,
            [pltpu.SemaphoreType.DMA] * _NBUF,
        ],
    )
    def edge_kernel(tab_hbm, src_hbm, dst_hbm, zeros_hbm, out_hbm,
                    src_v, dst_v, bufs, acc, gsems, ssems):
        c = lax.axis_index("c")
        s = lax.axis_index("s")
        w = c * NS + s
        base = s * ROWS_PER_TILE_ACC
        pltpu.sync_copy(zeros_hbm, acc.at[pl.ds(base, ROWS_PER_TILE_ACC)])
        plsc.subcore_barrier()

        def group(g, _):
            pltpu.sync_copy(src_hbm.at[pl.ds(w * NCH + g * _G, _G)], src_v)
            pltpu.sync_copy(dst_hbm.at[pl.ds(w * NCH + g * _G, _G)], dst_v)
            for t in range(_G // _NBUF):
                gds = []
                for u in range(_NBUF):
                    def drain(u=u):
                        pltpu.make_async_copy(tab_hbm.at[pl.ds(0, CH)],
                                              bufs[u], ssems[u]).wait()
                    if t == 0:
                        pl.when(g > 0)(drain)
                    else:
                        drain()
                    j = t * _NBUF + u
                    gds.append(pltpu.async_copy(tab_hbm.at[src_v.at[j]],
                                                bufs[u], gsems[u]))
                for u in range(_NBUF):
                    j = t * _NBUF + u
                    gds[u].wait()
                    pltpu.async_copy(bufs[u], acc.at[dst_v.at[j]], ssems[u],
                                     add=True)
            return 0

        lax.fori_loop(0, _NGRP, group, 0)
        for u in range(_NBUF):
            pltpu.make_async_copy(tab_hbm.at[pl.ds(0, CH)], bufs[u],
                                  ssems[u]).wait()
        plsc.subcore_barrier()
        pltpu.sync_copy(acc.at[pl.ds(base, ROWS_PER_TILE_ACC)],
                        out_hbm.at[c, pl.ds(base, ROWS_PER_TILE_ACC)])

    return edge_kernel


_edge_kernel_128 = _make_edge_kernel(D_HID)
_edge_kernel_64 = _make_edge_kernel(D_OUT)


_DEGW = 32

@functools.partial(
    pl.kernel,
    out_type=jax.ShapeDtypeStruct((NC, N_ACC, _DEGW), jnp.float32),
    mesh=_mesh,
    compiler_params=pltpu.CompilerParams(use_tc_tiling_on_sc=False),
    scratch_types=[
        [pltpu.VMEM((_G, CH), jnp.int32)] * 2,
        pltpu.VMEM((CH, _DEGW), jnp.float32),
        pltpu.VMEM_SHARED((N_ACC, _DEGW), jnp.float32),
        pltpu.SemaphoreType.DMA,
    ],
)
def _deg_kernel(dst_hbm, ones_hbm, zeros_hbm, out_hbm, dst_v, buf, acc, sem):
    c = lax.axis_index("c")
    s = lax.axis_index("s")
    w = c * NS + s
    base = s * ROWS_PER_TILE_ACC
    pltpu.sync_copy(zeros_hbm, acc.at[pl.ds(base, ROWS_PER_TILE_ACC)])
    pltpu.sync_copy(ones_hbm, buf)
    plsc.subcore_barrier()

    def group(g, _):
        for r in range(2):
            @pl.when(jnp.logical_and(g >= 2, g % 2 == r))
            def _():
                for _k in range(_G):
                    pltpu.make_async_copy(ones_hbm, buf, sem).wait()
                pltpu.sync_copy(dst_hbm.at[pl.ds(w * NCH + g * _G, _G)],
                                dst_v[r])

        @pl.when(g < 2)
        def _():
            for r in range(2):
                @pl.when(g == r)
                def _():
                    pltpu.sync_copy(dst_hbm.at[pl.ds(w * NCH + g * _G, _G)],
                                    dst_v[r])

        for r in range(2):
            @pl.when(g % 2 == r)
            def _():
                for j in range(_G):
                    pltpu.async_copy(buf, acc.at[dst_v[r].at[j]], sem,
                                     add=True)
        return 0

    lax.fori_loop(0, _NGRP, group, 0)
    for _k in range(2 * _G):
        pltpu.make_async_copy(ones_hbm, buf, sem).wait()
    plsc.subcore_barrier()
    pltpu.sync_copy(acc.at[pl.ds(base, ROWS_PER_TILE_ACC)],
                    out_hbm.at[c, pl.ds(base, ROWS_PER_TILE_ACC)])


_BLK = 400
_GRID = N // _BLK


def _tc1_body(deg_ref, x_ref, w_ref, dis_ref, hp_ref):
    deg = deg_ref[0] + deg_ref[1] + 1.0
    dis = lax.rsqrt(deg)
    dis_ref[...] = dis
    h = jnp.dot(x_ref[...], w_ref[...], preferred_element_type=jnp.float32)
    hp_ref[...] = h * dis[:, 0:1]


def _tc_mid_body(acc_ref, hp_ref, dis_ref, b_ref, w_ref, out_ref):
    dis = dis_ref[...][:, 0:1]
    t = (acc_ref[0] + acc_ref[1] + hp_ref[...]) * dis + b_ref[...]
    t = jnp.maximum(t, 0.0)
    out_ref[...] = jnp.dot(t, w_ref[...], preferred_element_type=jnp.float32) * dis


def _tc_final_body(acc_ref, hp_ref, dis_ref, b_ref, out_ref):
    dis = dis_ref[...][:, 0:1]
    out_ref[...] = (acc_ref[0] + acc_ref[1] + hp_ref[...]) * dis + b_ref[...]


def _tc1(deg, x, w):
    return pl.pallas_call(
        _tc1_body,
        grid=(_GRID,),
        in_specs=[
            pl.BlockSpec((NC, _BLK, 16), lambda i: (0, i, 0)),
            pl.BlockSpec((_BLK, D_IN), lambda i: (i, 0)),
            pl.BlockSpec((D_IN, D_HID), lambda i: (0, 0)),
        ],
        out_specs=[
            pl.BlockSpec((_BLK, 16), lambda i: (i, 0)),
            pl.BlockSpec((_BLK, D_HID), lambda i: (i, 0)),
        ],
        out_shape=[
            jax.ShapeDtypeStruct((N, 16), jnp.float32),
            jax.ShapeDtypeStruct((N, D_HID), jnp.float32),
        ],
    )(deg, x, w)


def _tc_mid(acc, hp, dis, b, w):
    d_in, d_out = w.shape
    return pl.pallas_call(
        _tc_mid_body,
        grid=(_GRID,),
        in_specs=[
            pl.BlockSpec((NC, _BLK, d_in), lambda i: (0, i, 0)),
            pl.BlockSpec((_BLK, d_in), lambda i: (i, 0)),
            pl.BlockSpec((_BLK, 16), lambda i: (i, 0)),
            pl.BlockSpec((1, d_in), lambda i: (0, 0)),
            pl.BlockSpec((d_in, d_out), lambda i: (0, 0)),
        ],
        out_specs=pl.BlockSpec((_BLK, d_out), lambda i: (i, 0)),
        out_shape=jax.ShapeDtypeStruct((N, d_out), jnp.float32),
    )(acc, hp, dis, b, w)


def _tc_final(acc, hp, dis, b):
    d = hp.shape[1]
    return pl.pallas_call(
        _tc_final_body,
        grid=(_GRID,),
        in_specs=[
            pl.BlockSpec((NC, _BLK, d), lambda i: (0, i, 0)),
            pl.BlockSpec((_BLK, d), lambda i: (i, 0)),
            pl.BlockSpec((_BLK, 16), lambda i: (i, 0)),
            pl.BlockSpec((1, d), lambda i: (0, 0)),
        ],
        out_specs=pl.BlockSpec((_BLK, d), lambda i: (i, 0)),
        out_shape=jax.ShapeDtypeStruct((N, d), jnp.float32),
    )(acc, hp, dis, b)


def kernel(x, edge_index, W1, b1, W2, b2, W_out, b_out):
    pad = E_PAD - E
    pad_i = jnp.arange(pad, dtype=jnp.int32)
    src = jnp.concatenate([edge_index[0], pad_i % N])
    dst = jnp.concatenate([edge_index[1], N + pad_i % (N_ACC - N)])
    src = src.reshape(NW * NCH, CH)
    dst = dst.reshape(NW * NCH, CH)
    zeros128 = jnp.zeros((ROWS_PER_TILE_ACC, D_HID), jnp.float32)
    ones_deg = jnp.ones((CH, _DEGW), jnp.float32)

    deg = _deg_kernel(dst, ones_deg, zeros128[:, :_DEGW])[:, :N, :16]
    dis, h1p = _tc1(deg, x, W1)
    acc1 = _edge_kernel_128(h1p, src, dst, zeros128)[:, :N]
    h2p = _tc_mid(acc1, h1p, dis, b1.reshape(1, D_HID), W2)
    acc2 = _edge_kernel_128(h2p, src, dst, zeros128)[:, :N]
    h3p = _tc_mid(acc2, h2p, dis, b2.reshape(1, D_HID), W_out)
    acc3 = _edge_kernel_64(h3p, src, dst, zeros128[:, :D_OUT])[:, :N]
    out = _tc_final(acc3, h3p, dis, b_out.reshape(1, D_OUT))
    return out

# --- scband reference (transcript-rebuilt; emitter-appended) ---
"""Pipeline reference for scband-gcnclassifier-2448131358809 (READ-ONLY COPY).

The authoritative reference and input builder live on the scoring server;
editing this copy changes nothing except your own understanding.
"""

import jax, jax.numpy as jnp
import numpy as np

N = 10000
E = 320000
D_IN = 128
D_HID = 128
D_OUT = 64


def gcn_conv(x, edge_index, W, b):
    # Faithful PyG GCNConv: add self-loops, symmetric normalization D^-1/2 A D^-1/2,
    # linear transform, scatter-add aggregation over dst nodes, then bias.
    n = x.shape[0]
    loop = jnp.arange(n, dtype=edge_index.dtype)
    src = jnp.concatenate([edge_index[0], loop])
    dst = jnp.concatenate([edge_index[1], loop])
    deg = jnp.zeros((n,), dtype=x.dtype).at[dst].add(1.0)
    deg_inv_sqrt = jnp.where(deg > 0, jax.lax.rsqrt(deg), 0.0)
    norm = deg_inv_sqrt[src] * deg_inv_sqrt[dst]
    h = x @ W
    msg = h[src] * norm[:, None]
    out = jnp.zeros((n, h.shape[1]), dtype=x.dtype).at[dst].add(msg)
    return out + b


def setup_inputs(seed: int = 0):
    key = jax.random.key(seed)
    ks = jax.random.split(key, 10)
    x = jax.random.normal(ks[0], (N, D_IN), dtype=jnp.float32)
    edge_index = jax.random.randint(ks[1], (2, E), 0, N, dtype=jnp.int32)
    W1 = jax.random.normal(ks[2], (D_IN, D_HID), dtype=jnp.float32) * 0.05
    b1 = jnp.zeros((D_HID,), dtype=jnp.float32)
    W2 = jax.random.normal(ks[3], (D_HID, D_HID), dtype=jnp.float32) * 0.05
    b2 = jnp.zeros((D_HID,), dtype=jnp.float32)
    W_out = jax.random.normal(ks[4], (D_HID, D_OUT), dtype=jnp.float32) * 0.05
    b_out = jnp.zeros((D_OUT,), dtype=jnp.float32)
    return {"x": x, "edge_index": edge_index, "W1": W1, "b1": b1, "W2": W2, "b2": b2, "W_out": W_out, "b_out": b_out}


def reference(x, edge_index, W1, b1, W2, b2, W_out, b_out):
    h = jax.nn.relu(gcn_conv(x, edge_index, W1, b1))
    h = jax.nn.relu(gcn_conv(h, edge_index, W2, b2))
    out = gcn_conv(h, edge_index, W_out, b_out)
    return out

if __name__ == "__main__":
    import jax
    _d = setup_inputs()
    print(jax.jit(kernel)(*tuple(_d.values())))

</pallas_src>

<mosaic_0001>
#map = affine_map<(d0, d1) -> (0, 0)>
#map1 = affine_map<(d0, d1) -> (0, 0, 0)>
module attributes {stable_mosaic.version = 14 : i64} {
  func.func @edge_kernel(%arg0: i32, %arg1: i32, %arg2: memref<10000x128xf32, #tpu.memory_space<hbm>>, %arg3: memref<2560x128xi32, #tpu.memory_space<hbm>>, %arg4: memref<2560x128xi32, #tpu.memory_space<hbm>>, %arg5: memref<632x128xf32, #tpu.memory_space<hbm>>, %arg6: memref<2x10112x128xf32, #tpu.memory_space<hbm>>, %arg7: memref<8x128xi32, #tpu.memory_space<vmem>>, %arg8: memref<8x128xi32, #tpu.memory_space<vmem>>, %arg9: memref<128x128xf32, #tpu.memory_space<vmem>>, %arg10: memref<128x128xf32, #tpu.memory_space<vmem>>, %arg11: memref<10112x128xf32, #tpu.memory_space<vmem_shared>>, %arg12: memref<!tpu.dma_semaphore, #tpu.memory_space<semaphore_mem>>, %arg13: memref<!tpu.dma_semaphore, #tpu.memory_space<semaphore_mem>>, %arg14: memref<!tpu.dma_semaphore, #tpu.memory_space<semaphore_mem>>, %arg15: memref<!tpu.dma_semaphore, #tpu.memory_space<semaphore_mem>>) attributes {dimension_semantics = [#tpu.dimension_semantics<core_parallel>, #tpu.dimension_semantics<subcore_parallel>], iteration_bounds = array<i64: 2, 16>, scalar_prefetch = 0 : i64, scratch_operands = 9 : i64, tpu.core_type = #tpu.core_type<sc_vector_subcore>, window_params = [{transform_indices = #map}, {transform_indices = #map}, {transform_indices = #map}, {transform_indices = #map}, {transform_indices = #map1}]} {
    %mul3A = arith.constant 16 : i32
    %mul3A_0 = arith.muli %arg0, %mul3A : i32
    %add3A = arith.addi %mul3A_0, %arg1 : i32
    %mul3A_1 = arith.constant 632 : i32
    %mul3A_2 = arith.muli %arg1, %mul3A_1 : i32
    "tpu.region"() ({
      %run_scoped3A = tpu.sem_alloc : memref<!tpu.dma_semaphore, #tpu.memory_space<semaphore_mem>>
      %dma_start3A = arith.constant 0 : i32
      %dma_start3A_21 = tpu.memref_slice %arg11[%mul3A_2, %dma_start3A] : memref<10112x128xf32, #tpu.memory_space<vmem_shared>> -> memref<632x128xf32, #tpu.memory_space<vmem_shared>>
      tpu.enqueue_dma source(%arg5 : memref<632x128xf32, #tpu.memory_space<hbm>>) target(%dma_start3A_21 : memref<632x128xf32, #tpu.memory_space<vmem_shared>>) target_semaphore(%run_scoped3A : memref<!tpu.dma_semaphore, #tpu.memory_space<semaphore_mem>>)
      %dma_wait3A_22 = arith.constant 0 : i32
      %dma_wait3A_23 = tpu.memref_slice %arg11[%mul3A_2, %dma_wait3A_22] : memref<10112x128xf32, #tpu.memory_space<vmem_shared>> -> memref<632x128xf32, #tpu.memory_space<vmem_shared>>
      tpu.wait_dma2 semaphore(%run_scoped3A : memref<!tpu.dma_semaphore, #tpu.memory_space<semaphore_mem>>) src(%arg5 : memref<632x128xf32, #tpu.memory_space<hbm>>) dst(%dma_wait3A_23 : memref<632x128xf32, #tpu.memory_space<vmem_shared>>)
      tpu.yield
    }) : () -> ()
    %barrier3A = arith.constant 0 : index
    tpu.barrier barrier_id(%barrier3A)
    %scan3A = arith.constant 0 : i32
    %scan3A_3 = arith.constant 0 : i32
    %scan3A_4 = arith.constant 10 : i32
    %scan3A_5 = arith.addi %scan3A_3, %scan3A_4 : i32
    %scan3A_6 = arith.constant 1 : i32
    %scan3A_7 = scf.for %scan3A_21 = %scan3A_3 to %scan3A_5 step %scan3A_6 iter_args(%scan3A_22 = %scan3A) -> (i32)  : i32 {
      %mul3A_23 = arith.constant 80 : i32
      %mul3A_24 = arith.muli %add3A, %mul3A_23 : i32
      %mul3A_25 = arith.constant 8 : i32
      %mul3A_26 = arith.muli %scan3A_21, %mul3A_25 : i32
      %add3A_27 = arith.addi %mul3A_24, %mul3A_26 : i32
      "tpu.region"() ({
        %run_scoped3A = tpu.sem_alloc : memref<!tpu.dma_semaphore, #tpu.memory_space<semaphore_mem>>
        %dma_start3A_244 = arith.constant 0 : i32
        %dma_start3A_245 = tpu.memref_slice %arg3[%add3A_27, %dma_start3A_244] : memref<2560x128xi32, #tpu.memory_space<hbm>> -> memref<8x128xi32, #tpu.memory_space<hbm>>
        %dma_start3A_246 = arith.constant 0 : i32
        %dma_start3A_247 = tpu.memref_slice %arg3[%add3A_27, %dma_start3A_246] : memref<2560x128xi32, #tpu.memory_space<hbm>> -> memref<8x128xi32, #tpu.memory_space<hbm>>
        tpu.enqueue_dma source(%dma_start3A_247 : memref<8x128xi32, #tpu.memory_space<hbm>>) target(%arg7 : memref<8x128xi32, #tpu.memory_space<vmem>>) target_semaphore(%run_scoped3A : memref<!tpu.dma_semaphore, #tpu.memory_space<semaphore_mem>>)
        %dma_wait3A_248 = arith.constant 0 : i32
        %dma_wait3A_249 = tpu.memref_slice %arg3[%add3A_27, %dma_wait3A_248] : memref<2560x128xi32, #tpu.memory_space<hbm>> -> memref<8x128xi32, #tpu.memory_space<hbm>>
        %dma_wait3A_250 = arith.constant 0 : i32
        %dma_wait3A_251 = tpu.memref_slice %arg3[%add3A_27, %dma_wait3A_250] : memref<2560x128xi32, #tpu.memory_space<hbm>> -> memref<8x128xi32, #tpu.memory_space<hbm>>
        tpu.wait_dma2 semaphore(%run_scoped3A : memref<!tpu.dma_semaphore, #tpu.memory_space<semaphore_mem>>) src(%dma_wait3A_251 : memref<8x128xi32, #tpu.memory_space<hbm>>) dst(%arg7 : memref<8x128xi32, #tpu.memory_space<vmem>>)
        tpu.yield
      }) : () -> ()
      %mul3A_28 = arith.constant 80 : i32
      %mul3A_29 = arith.muli %add3A, %mul3A_28 : i32
      %mul3A_30 = arith.constant 8 : i32
      %mul3A_31 = arith.muli %scan3A_21, %mul3A_30 : i32
      %add3A_32 = arith.addi %mul3A_29, %mul3A_31 : i32
      "tpu.region"() ({
        %run_scoped3A = tpu.sem_alloc : memref<!tpu.dma_semaphore, #tpu.memory_space<semaphore_mem>>
        %dma_start3A_244 = arith.constant 0 : i32
        %dma_start3A_245 = tpu.memref_slice %arg4[%add3A_32, %dma_start3A_244] : memref<2560x128xi32, #tpu.memory_space<hbm>> -> memref<8x128xi32, #tpu.memory_space<hbm>>
        %dma_start3A_246 = arith.constant 0 : i32
        %dma_start3A_247 = tpu.memref_slice %arg4[%add3A_32, %dma_start3A_246] : memref<2560x128xi32, #tpu.memory_space<hbm>> -> memref<8x128xi32, #tpu.memory_space<hbm>>
        tpu.enqueue_dma source(%dma_start3A_247 : memref<8x128xi32, #tpu.memory_space<hbm>>) target(%arg8 : memref<8x128xi32, #tpu.memory_space<vmem>>) target_semaphore(%run_scoped3A : memref<!tpu.dma_semaphore, #tpu.memory_space<semaphore_mem>>)
        %dma_wait3A_248 = arith.constant 0 : i32
        %dma_wait3A_249 = tpu.memref_slice %arg4[%add3A_32, %dma_wait3A_248] : memref<2560x128xi32, #tpu.memory_space<hbm>> -> memref<8x128xi32, #tpu.memory_space<hbm>>
        %dma_wait3A_250 = arith.constant 0 : i32
        %dma_wait3A_251 = tpu.memref_slice %arg4[%add3A_32, %dma_wait3A_250] : memref<2560x128xi32, #tpu.memory_space<hbm>> -> memref<8x128xi32, #tpu.memory_space<hbm>>
        tpu.wait_dma2 semaphore(%run_scoped3A : memref<!tpu.dma_semaphore, #tpu.memory_space<semaphore_mem>>) src(%dma_wait3A_251 : memref<8x128xi32, #tpu.memory_space<hbm>>) dst(%arg8 : memref<8x128xi32, #tpu.memory_space<vmem>>)
        tpu.yield
      }) : () -> ()
      %gt3A = arith.constant 0 : i32
      %gt3A_33 = arith.cmpi sgt, %scan3A_21, %gt3A : i32
      %convert_element_type3A = arith.extui %gt3A_33 : i1 to i32
      %cond3A = arith.constant 0 : i32
      %cond3A_34 = arith.cmpi ne, %convert_element_type3A, %cond3A : i32
      scf.if %cond3A_34 {
        %dma_wait3A_244 = arith.constant 0 : i32
        %dma_wait3A_245 = arith.constant 0 : i32
        %dma_wait3A_246 = tpu.memref_slice %arg2[%dma_wait3A_244, %dma_wait3A_245] : memref<10000x128xf32, #tpu.memory_space<hbm>> -> memref<128x128xf32, #tpu.memory_space<hbm>>
        %dma_wait3A_247 = arith.constant 0 : i32
        %dma_wait3A_248 = arith.constant 0 : i32
        %dma_wait3A_249 = tpu.memref_slice %arg2[%dma_wait3A_247, %dma_wait3A_248] : memref<10000x128xf32, #tpu.memory_space<hbm>> -> memref<128x128xf32, #tpu.memory_space<hbm>>
        tpu.wait_dma2 semaphore(%arg14 : memref<!tpu.dma_semaphore, #tpu.memory_space<semaphore_mem>>) src(%dma_wait3A_249 : memref<128x128xf32, #tpu.memory_space<hbm>>) dst(%arg9 : memref<128x128xf32, #tpu.memory_space<vmem>>)
      } else {
      }
      %dma_start3A = arith.constant 0 : i32
      %dma_start3A_35 = arith.constant 0 : i32
      %dma_start3A_36 = tpu.memref_slice %arg7[%dma_start3A, %dma_start3A_35] : memref<8x128xi32, #tpu.memory_space<vmem>> -> memref<1x128xi32, #tpu.memory_space<vmem>>
      %dma_start3A_37 = tpu.memref_squeeze %dma_start3A_36 : memref<1x128xi32, #tpu.memory_space<vmem>> -> memref<128xi32, #tpu.memory_space<vmem>>
      %dma_start3A_38 = arith.constant 0 : i32
      %dma_start3A_39 = arith.constant 0 : i32
      %dma_start3A_40 = tpu.memref_slice %arg2[%dma_start3A_38, %dma_start3A_39] : memref<10000x128xf32, #tpu.memory_space<hbm>> -> memref<10000x128xf32, #tpu.memory_space<hbm>>
      tpu.enqueue_indirect_dma source(%dma_start3A_40 : memref<10000x128xf32, #tpu.memory_space<hbm>>) target(%arg9 : memref<128x128xf32, #tpu.memory_space<vmem>>) offsets(%dma_start3A_37 : memref<128xi32, #tpu.memory_space<vmem>>) semaphore(%arg12 : memref<!tpu.dma_semaphore, #tpu.memory_space<semaphore_mem>>)
      %gt3A_41 = arith.constant 0 : i32
      %gt3A_42 = arith.cmpi sgt, %scan3A_21, %gt3A_41 : i32
      %convert_element_type3A_43 = arith.extui %gt3A_42 : i1 to i32
      %cond3A_44 = arith.constant 0 : i32
      %cond3A_45 = arith.cmpi ne, %convert_element_type3A_43, %cond3A_44 : i32
      scf.if %cond3A_45 {
        %dma_wait3A_244 = arith.constant 0 : i32
        %dma_wait3A_245 = arith.constant 0 : i32
        %dma_wait3A_246 = tpu.memref_slice %arg2[%dma_wait3A_244, %dma_wait3A_245] : memref<10000x128xf32, #tpu.memory_space<hbm>> -> memref<128x128xf32, #tpu.memory_space<hbm>>
        %dma_wait3A_247 = arith.constant 0 : i32
        %dma_wait3A_248 = arith.constant 0 : i32
        %dma_wait3A_249 = tpu.memref_slice %arg2[%dma_wait3A_247, %dma_wait3A_248] : memref<10000x128xf32, #tpu.memory_space<hbm>> -> memref<128x128xf32, #tpu.memory_space<hbm>>
        tpu.wait_dma2 semaphore(%arg15 : memref<!tpu.dma_semaphore, #tpu.memory_space<semaphore_mem>>) src(%dma_wait3A_249 : memref<128x128xf32, #tpu.memory_space<hbm>>) dst(%arg10 : memref<128x128xf32, #tpu.memory_space<vmem>>)
      } else {
      }
      %dma_start3A_46 = arith.constant 1 : i32
      %dma_start3A_47 = arith.constant 0 : i32
      %dma_start3A_48 = tpu.memref_slice %arg7[%dma_start3A_46, %dma_start3A_47] : memref<8x128xi32, #tpu.memory_space<vmem>> -> memref<1x128xi32, #tpu.memory_space<vmem>>
      %dma_start3A_49 = tpu.memref_squeeze %dma_start3A_48 : memref<1x128xi32, #tpu.memory_space<vmem>> -> memref<128xi32, #tpu.memory_space<vmem>>
      %dma_start3A_50 = arith.constant 0 : i32
      %dma_start3A_51 = arith.constant 0 : i32
      %dma_start3A_52 = tpu.memref_slice %arg2[%dma_start3A_50, %dma_start3A_51] : memref<10000x128xf32, #tpu.memory_space<hbm>> -> memref<10000x128xf32, #tpu.memory_space<hbm>>
      tpu.enqueue_indirect_dma source(%dma_start3A_52 : memref<10000x128xf32, #tpu.memory_space<hbm>>) target(%arg10 : memref<128x128xf32, #tpu.memory_space<vmem>>) offsets(%dma_start3A_49 : memref<128xi32, #tpu.memory_space<vmem>>) semaphore(%arg13 : memref<!tpu.dma_semaphore, #tpu.memory_space<semaphore_mem>>)
      %dma_wait3A_53 = arith.constant 0 : i32
      %dma_wait3A_54 = arith.constant 0 : i32
      %dma_wait3A_55 = tpu.memref_slice %arg7[%dma_wait3A_53, %dma_wait3A_54] : memref<8x128xi32, #tpu.memory_space<vmem>> -> memref<1x128xi32, #tpu.memory_space<vmem>>
      %dma_wait3A_56 = tpu.memref_squeeze %dma_wait3A_55 : memref<1x128xi32, #tpu.memory_space<vmem>> -> memref<128xi32, #tpu.memory_space<vmem>>
      %dma_wait3A_57 = arith.constant 0 : i32
      %dma_wait3A_58 = arith.constant 0 : i32
      %dma_wait3A_59 = tpu.memref_slice %arg2[%dma_wait3A_57, %dma_wait3A_58] : memref<10000x128xf32, #tpu.memory_space<hbm>> -> memref<10000x128xf32, #tpu.memory_space<hbm>>
      tpu.wait_indirect_dma semaphore(%arg12 : memref<!tpu.dma_semaphore, #tpu.memory_space<semaphore_mem>>) src(%dma_wait3A_59 : memref<10000x128xf32, #tpu.memory_space<hbm>>) dst(%arg9 : memref<128x128xf32, #tpu.memory_space<vmem>>)
      %dma_start3A_60 = arith.constant 0 : i32
      %dma_start3A_61 = arith.constant 0 : i32
      %dma_start3A_62 = tpu.memref_slice %arg8[%dma_start3A_60, %dma_start3A_61] : memref<8x128xi32, #tpu.memory_space<vmem>> -> memref<1x128xi32, #tpu.memory_space<vmem>>
      %dma_start3A_63 = tpu.memref_squeeze %dma_start3A_62 : memref<1x128xi32, #tpu.memory_space<vmem>> -> memref<128xi32, #tpu.memory_space<vmem>>
      %dma_start3A_64 = arith.constant 0 : i32
      %dma_start3A_65 = arith.constant 0 : i32
      %dma_start3A_66 = tpu.memref_slice %arg11[%dma_start3A_64, %dma_start3A_65] : memref<10112x128xf32, #tpu.memory_space<vmem_shared>> -> memref<10112x128xf32, #tpu.memory_space<vmem_shared>>
      tpu.enqueue_indirect_dma source(%arg9 : memref<128x128xf32, #tpu.memory_space<vmem>>) target(%dma_start3A_66 : memref<10112x128xf32, #tpu.memory_space<vmem_shared>>) offsets(%dma_start3A_63 : memref<128xi32, #tpu.memory_space<vmem>>) semaphore(%arg14 : memref<!tpu.dma_semaphore, #tpu.memory_space<semaphore_mem>>) {add = true}
      %dma_wait3A_67 = arith.constant 1 : i32
      %dma_wait3A_68 = arith.constant 0 : i32
      %dma_wait3A_69 = tpu.memref_slice %arg7[%dma_wait3A_67, %dma_wait3A_68] : memref<8x128xi32, #tpu.memory_space<vmem>> -> memref<1x128xi32, #tpu.memory_space<vmem>>
      %dma_wait3A_70 = tpu.memref_squeeze %dma_wait3A_69 : memref<1x128xi32, #tpu.memory_space<vmem>> -> memref<128xi32, #tpu.memory_space<vmem>>
      %dma_wait3A_71 = arith.constant 0 : i32
      %dma_wait3A_72 = arith.constant 0 : i32
      %dma_wait3A_73 = tpu.memref_slice %arg2[%dma_wait3A_71, %dma_wait3A_72] : memref<10000x128xf32, #tpu.memory_space<hbm>> -> memref<10000x128xf32, #tpu.memory_space<hbm>>
      tpu.wait_indirect_dma semaphore(%arg13 : memref<!tpu.dma_semaphore, #tpu.memory_space<semaphore_mem>>) src(%dma_wait3A_73 : memref<10000x128xf32, #tpu.memory_space<hbm>>) dst(%arg10 : memref<128x128xf32, #tpu.memory_space<vmem>>)
      %dma_start3A_74 = arith.constant 1 : i32
      %dma_start3A_75 = arith.constant 0 : i32
      %dma_start3A_76 = tpu.memref_slice %arg8[%dma_start3A_74, %dma_start3A_75] : memref<8x128xi32, #tpu.memory_space<vmem>> -> memref<1x128xi32, #tpu.memory_space<vmem>>
      %dma_start3A_77 = tpu.memref_squeeze %dma_start3A_76 : memref<1x128xi32, #tpu.memory_space<vmem>> -> memref<128xi32, #tpu.memory_space<vmem>>
      %dma_start3A_78 = arith.constant 0 : i32
      %dma_start3A_79 = arith.constant 0 : i32
      %dma_start3A_80 = tpu.memref_slice %arg11[%dma_start3A_78, %dma_start3A_79] : memref<10112x128xf32, #tpu.memory_space<vmem_shared>> -> memref<10112x128xf32, #tpu.memory_space<vmem_shared>>
      tpu.enqueue_indirect_dma source(%arg10 : memref<128x128xf32, #tpu.memory_space<vmem>>) target(%dma_start3A_80 : memref<10112x128xf32, #tpu.memory_space<vmem_shared>>) offsets(%dma_start3A_77 : memref<128xi32, #tpu.memory_space<vmem>>) semaphore(%arg15 : memref<!tpu.dma_semaphore, #tpu.memory_space<semaphore_mem>>) {add = true}
      %dma_wait3A_81 = arith.constant 0 : i32
      %dma_wait3A_82 = arith.constant 0 : i32
      %dma_wait3A_83 = tpu.memref_slice %arg2[%dma_wait3A_81, %dma_wait3A_82] : memref<10000x128xf32, #tpu.memory_space<hbm>> -> memref<128x128xf32, #tpu.memory_space<hbm>>
      %dma_wait3A_84 = arith.constant 0 : i32
      %dma_wait3A_85 = arith.constant 0 : i32
      %dma_wait3A_86 = tpu.memref_slice %arg2[%dma_wait3A_84, %dma_wait3A_85] : memref<10000x128xf32, #tpu.memory_space<hbm>> -> memref<128x128xf32, #tpu.memory_space<hbm>>
      tpu.wait_dma2 semaphore(%arg14 : memref<!tpu.dma_semaphore, #tpu.memory_space<semaphore_mem>>) src(%dma_wait3A_86 : memref<128x128xf32, #tpu.memory_space<hbm>>) dst(%arg9 : memref<128x128xf32, #tpu.memory_space<vmem>>)
      %dma_start3A_87 = arith.constant 2 : i32
      %dma_start3A_88 = arith.constant 0 : i32
      %dma_start3A_89 = tpu.memref_slice %arg7[%dma_start3A_87, %dma_start3A_88] : memref<8x128xi32, #tpu.memory_space<vmem>> -> memref<1x128xi32, #tpu.memory_space<vmem>>
      %dma_start3A_90 = tpu.memref_squeeze %dma_start3A_89 : memref<1x128xi32, #tpu.memory_space<vmem>> -> memref<128xi32, #tpu.memory_space<vmem>>
      %dma_start3A_91 = arith.constant 0 : i32
      %dma_start3A_92 = arith.constant 0 : i32
      %dma_start3A_93 = tpu.memref_slice %arg2[%dma_start3A_91, %dma_start3A_92] : memref<10000x128xf32, #tpu.memory_space<hbm>> -> memref<10000x128xf32, #tpu.memory_space<hbm>>
      tpu.enqueue_indirect_dma source(%dma_start3A_93 : memref<10000x128xf32, #tpu.memory_space<hbm>>) target(%arg9 : memref<128x128xf32, #tpu.memory_space<vmem>>) offsets(%dma_start3A_90 : memref<128xi32, #tpu.memory_space<vmem>>) semaphore(%arg12 : memref<!tpu.dma_semaphore, #tpu.memory_space<semaphore_mem>>)
      %dma_wait3A_94 = arith.constant 0 : i32
      %dma_wait3A_95 = arith.constant 0 : i32
      %dma_wait3A_96 = tpu.memref_slice %arg2[%dma_wait3A_94, %dma_wait3A_95] : memref<10000x128xf32, #tpu.memory_space<hbm>> -> memref<128x128xf32, #tpu.memory_space<hbm>>
      %dma_wait3A_97 = arith.constant 0 : i32
      %dma_wait3A_98 = arith.constant 0 : i32
      %dma_wait3A_99 = tpu.memref_slice %arg2[%dma_wait3A_97, %dma_wait3A_98] : memref<10000x128xf32, #tpu.memory_space<hbm>> -> memref<128x128xf32, #tpu.memory_space<hbm>>
      tpu.wait_dma2 semaphore(%arg15 : memref<!tpu.dma_semaphore, #tpu.memory_space<semaphore_mem>>) src(%dma_wait3A_99 : memref<128x128xf32, #tpu.memory_space<hbm>>) dst(%arg10 : memref<128x128xf32, #tpu.memory_space<vmem>>)
      %dma_start3A_100 = arith.constant 3 : i32
      %dma_start3A_101 = arith.constant 0 : i32
      %dma_start3A_102 = tpu.memref_slice %arg7[%dma_start3A_100, %dma_start3A_101] : memref<8x128xi32, #tpu.memory_space<vmem>> -> memref<1x128xi32, #tpu.memory_space<vmem>>
      %dma_start3A_103 = tpu.memref_squeeze %dma_start3A_102 : memref<1x128xi32, #tpu.memory_space<vmem>> -> memref<128xi32, #tpu.memory_space<vmem>>
      %dma_start3A_104 = arith.constant 0 : i32
      %dma_start3A_105 = arith.constant 0 : i32
      %dma_start3A_106 = tpu.memref_slice %arg2[%dma_start3A_104, %dma_start3A_105] : memref<10000x128xf32, #tpu.memory_space<hbm>> -> memref<10000x128xf32, #tpu.memory_space<hbm>>
      tpu.enqueue_indirect_dma source(%dma_start3A_106 : memref<10000x128xf32, #tpu.memory_space<hbm>>) target(%arg10 : memref<128x128xf32, #tpu.memory_space<vmem>>) offsets(%dma_start3A_103 : memref<128xi32, #tpu.memory_space<vmem>>) semaphore(%arg13 : memref<!tpu.dma_semaphore, #tpu.memory_space<semaphore_mem>>)
      %dma_wait3A_107 = arith.constant 2 : i32
      %dma_wait3A_108 = arith.constant 0 : i32
      %dma_wait3A_109 = tpu.memref_slice %arg7[%dma_wait3A_107, %dma_wait3A_108] : memref<8x128xi32, #tpu.memory_space<vmem>> -> memref<1x128xi32, #tpu.memory_space<vmem>>
      %dma_wait3A_110 = tpu.memref_squeeze %dma_wait3A_109 : memref<1x128xi32, #tpu.memory_space<vmem>> -> memref<128xi32, #tpu.memory_space<vmem>>
      %dma_wait3A_111 = arith.constant 0 : i32
      %dma_wait3A_112 = arith.constant 0 : i32
      %dma_wait3A_113 = tpu.memref_slice %arg2[%dma_wait3A_111, %dma_wait3A_112] : memref<10000x128xf32, #tpu.memory_space<hbm>> -> memref<10000x128xf32, #tpu.memory_space<hbm>>
      tpu.wait_indirect_dma semaphore(%arg12 : memref<!tpu.dma_semaphore, #tpu.memory_space<semaphore_mem>>) src(%dma_wait3A_113 : memref<10000x128xf32, #tpu.memory_space<hbm>>) dst(%arg9 : memref<128x128xf32, #tpu.memory_space<vmem>>)
      %dma_start3A_114 = arith.constant 2 : i32
      %dma_start3A_115 = arith.constant 0 : i32
      %dma_start3A_116 = tpu.memref_slice %arg8[%dma_start3A_114, %dma_start3A_115] : memref<8x128xi32, #tpu.memory_space<vmem>> -> memref<1x128xi32, #tpu.memory_space<vmem>>
      %dma_start3A_117 = tpu.memref_squeeze %dma_start3A_116 : memref<1x128xi32, #tpu.memory_space<vmem>> -> memref<128xi32, #tpu.memory_space<vmem>>
      %dma_start3A_118 = arith.constant 0 : i32
      %dma_start3A_119 = arith.constant 0 : i32
      %dma_start3A_120 = tpu.memref_slice %arg11[%dma_start3A_118, %dma_start3A_119] : memref<10112x128xf32, #tpu.memory_space<vmem_shared>> -> memref<10112x128xf32, #tpu.memory_space<vmem_shared>>
      tpu.enqueue_indirect_dma source(%arg9 : memref<128x128xf32, #tpu.memory_space<vmem>>) target(%dma_start3A_120 : memref<10112x128xf32, #tpu.memory_space<vmem_shared>>) offsets(%dma_start3A_117 : memref<128xi32, #tpu.memory_space<vmem>>) semaphore(%arg14 : memref<!tpu.dma_semaphore, #tpu.memory_space<semaphore_mem>>) {add = true}
      %dma_wait3A_121 = arith.constant 3 : i32
      %dma_wait3A_122 = arith.constant 0 : i32
      %dma_wait3A_123 = tpu.memref_slice %arg7[%dma_wait3A_121, %dma_wait3A_122] : memref<8x128xi32, #tpu.memory_space<vmem>> -> memref<1x128xi32, #tpu.memory_space<vmem>>
      %dma_wait3A_124 = tpu.memref_squeeze %dma_wait3A_123 : memref<1x128xi32, #tpu.memory_space<vmem>> -> memref<128xi32, #tpu.memory_space<vmem>>
      %dma_wait3A_125 = arith.constant 0 : i32
      %dma_wait3A_126 = arith.constant 0 : i32
      %dma_wait3A_127 = tpu.memref_slice %arg2[%dma_wait3A_125, %dma_wait3A_126] : memref<10000x128xf32, #tpu.memory_space<hbm>> -> memref<10000x128xf32, #tpu.memory_space<hbm>>
      tpu.wait_indirect_dma semaphore(%arg13 : memref<!tpu.dma_semaphore, #tpu.memory_space<semaphore_mem>>) src(%dma_wait3A_127 : memref<10000x128xf32, #tpu.memory_space<hbm>>) dst(%arg10 : memref<128x128xf32, #tpu.memory_space<vmem>>)
      %dma_start3A_128 = arith.constant 3 : i32
      %dma_start3A_129 = arith.constant 0 : i32
      %dma_start3A_130 = tpu.memref_slice %arg8[%dma_start3A_128, %dma_start3A_129] : memref<8x128xi32, #tpu.memory_space<vmem>> -> memref<1x128xi32, #tpu.memory_space<vmem>>
      %dma_start3A_131 = tpu.memref_squeeze %dma_start3A_130 : memref<1x128xi32, #tpu.memory_space<vmem>> -> memref<128xi32, #tpu.memory_space<vmem>>
      %dma_start3A_132 = arith.constant 0 : i32
      %dma_start3A_133 = arith.constant 0 : i32
      %dma_start3A_134 = tpu.memref_slice %arg11[%dma_start3A_132, %dma_start3A_133] : memref<10112x128xf32, #tpu.memory_space<vmem_shared>> -> memref<10112x128xf32, #tpu.memory_space<vmem_shared>>
      tpu.enqueue_indirect_dma source(%arg10 : memref<128x128xf32, #tpu.memory_space<vmem>>) target(%dma_start3A_134 : memref<10112x128xf32, #tpu.memory_space<vmem_shared>>) offsets(%dma_start3A_131 : memref<128xi32, #tpu.memory_space<vmem>>) semaphore(%arg15 : memref<!tpu.dma_semaphore, #tpu.memory_space<semaphore_mem>>) {add = true}
      %dma_wait3A_135 = arith.constant 0 : i32
      %dma_wait3A_136 = arith.constant 0 : i32
      %dma_wait3A_137 = tpu.memref_slice %arg2[%dma_wait3A_135, %dma_wait3A_136] : memref<10000x128xf32, #tpu.memory_space<hbm>> -> memref<128x128xf32, #tpu.memory_space<hbm>>
      %dma_wait3A_138 = arith.constant 0 : i32
      %dma_wait3A_139 = arith.constant 0 : i32
      %dma_wait3A_140 = tpu.memref_slice %arg2[%dma_wait3A_138, %dma_wait3A_139] : memref<10000x128xf32, #tpu.memory_space<hbm>> -> memref<128x128xf32, #tpu.memory_space<hbm>>
      tpu.wait_dma2 semaphore(%arg14 : memref<!tpu.dma_semaphore, #tpu.memory_space<semaphore_mem>>) src(%dma_wait3A_140 : memref<128x128xf32, #tpu.memory_space<hbm>>) dst(%arg9 : memref<128x128xf32, #tpu.memory_space<vmem>>)
      %dma_start3A_141 = arith.constant 4 : i32
      %dma_start3A_142 = arith.constant 0 : i32
      %dma_start3A_143 = tpu.memref_slice %arg7[%dma_start3A_141, %dma_start3A_142] : memref<8x128xi32, #tpu.memory_space<vmem>> -> memref<1x128xi32, #tpu.memory_space<vmem>>
      %dma_start3A_144 = tpu.memref_squeeze %dma_start3A_143 : memref<1x128xi32, #tpu.memory_space<vmem>> -> memref<128xi32, #tpu.memory_space<vmem>>
      %dma_start3A_145 = arith.constant 0 : i32
      %dma_start3A_146 = arith.constant 0 : i32
      %dma_start3A_147 = tpu.memref_slice %arg2[%dma_start3A_145, %dma_start3A_146] : memref<10000x128xf32, #tpu.memory_space<hbm>> -> memref<10000x128xf32, #tpu.memory_space<hbm>>
      tpu.enqueue_indirect_dma source(%dma_start3A_147 : memref<10000x128xf32, #tpu.memory_space<hbm>>) target(%arg9 : memref<128x128xf32, #tpu.memory_space<vmem>>) offsets(%dma_start3A_144 : memref<128xi32, #tpu.memory_space<vmem>>) semaphore(%arg12 : memref<!tpu.dma_semaphore, #tpu.memory_space<semaphore_mem>>)
      %dma_wait3A_148 = arith.constant 0 : i32
      %dma_wait3A_149 = arith.constant 0 : i32
      %dma_wait3A_150 = tpu.memref_slice %arg2[%dma_wait3A_148, %dma_wait3A_149] : memref<10000x128xf32, #tpu.memory_space<hbm>> -> memref<128x128xf32, #tpu.memory_space<hbm>>
      %dma_wait3A_151 = arith.constant 0 : i32
      %dma_wait3A_152 = arith.constant 0 : i32
      %dma_wait3A_153 = tpu.memref_slice %arg2[%dma_wait3A_151, %dma_wait3A_152] : memref<10000x128xf32, #tpu.memory_space<hbm>> -> memref<128x128xf32, #tpu.memory_space<hbm>>
      tpu.wait_dma2 semaphore(%arg15 : memref<!tpu.dma_semaphore, #tpu.memory_space<semaphore_mem>>) src(%dma_wait3A_153 : memref<128x128xf32, #tpu.memory_space<hbm>>) dst(%arg10 : memref<128x128xf32, #tpu.memory_space<vmem>>)
      %dma_start3A_154 = arith.constant 5 : i32
      %dma_start3A_155 = arith.constant 0 : i32
      %dma_start3A_156 = tpu.memref_slice %arg7[%dma_start3A_154, %dma_start3A_155] : memref<8x128xi32, #tpu.memory_space<vmem>> -> memref<1x128xi32, #tpu.memory_space<vmem>>
      %dma_start3A_157 = tpu.memref_squeeze %dma_start3A_156 : memref<1x128xi32, #tpu.memory_space<vmem>> -> memref<128xi32, #tpu.memory_space<vmem>>
      %dma_start3A_158 = arith.constant 0 : i32
      %dma_start3A_159 = arith.constant 0 : i32
      %dma_start3A_160 = tpu.memref_slice %arg2[%dma_start3A_158, %dma_start3A_159] : memref<10000x128xf32, #tpu.memory_space<hbm>> -> memref<10000x128xf32, #tpu.memory_space<hbm>>
      tpu.enqueue_indirect_dma source(%dma_start3A_160 : memref<10000x128xf32, #tpu.memory_space<hbm>>) target(%arg10 : memref<128x128xf32, #tpu.memory_space<vmem>>) offsets(%dma_start3A_157 : memref<128xi32, #tpu.memory_space<vmem>>) semaphore(%arg13 : memref<!tpu.dma_semaphore, #tpu.memory_space<semaphore_mem>>)
      %dma_wait3A_161 = arith.constant 4 : i32
      %dma_wait3A_162 = arith.constant 0 : i32
      %dma_wait3A_163 = tpu.memref_slice %arg7[%dma_wait3A_161, %dma_wait3A_162] : memref<8x128xi32, #tpu.memory_space<vmem>> -> memref<1x128xi32, #tpu.memory_space<vmem>>
      %dma_wait3A_164 = tpu.memref_squeeze %dma_wait3A_163 : memref<1x128xi32, #tpu.memory_space<vmem>> -> memref<128xi32, #tpu.memory_space<vmem>>
      %dma_wait3A_165 = arith.constant 0 : i32
      %dma_wait3A_166 = arith.constant 0 : i32
      %dma_wait3A_167 = tpu.memref_slice %arg2[%dma_wait3A_165, %dma_wait3A_166] : memref<10000x128xf32, #tpu.memory_space<hbm>> -> memref<10000x128xf32, #tpu.memory_space<hbm>>
      tpu.wait_indirect_dma semaphore(%arg12 : memref<!tpu.dma_semaphore, #tpu.memory_space<semaphore_mem>>) src(%dma_wait3A_167 : memref<10000x128xf32, #tpu.memory_space<hbm>>) dst(%arg9 : memref<128x128xf32, #tpu.memory_space<vmem>>)
      %dma_start3A_168 = arith.constant 4 : i32
      %dma_start3A_169 = arith.constant 0 : i32
      %dma_start3A_170 = tpu.memref_slice %arg8[%dma_start3A_168, %dma_start3A_169] : memref<8x128xi32, #tpu.memory_space<vmem>> -> memref<1x128xi32, #tpu.memory_space<vmem>>
      %dma_start3A_171 = tpu.memref_squeeze %dma_start3A_170 : memref<1x128xi32, #tpu.memory_space<vmem>> -> memref<128xi32, #tpu.memory_space<vmem>>
      %dma_start3A_172 = arith.constant 0 : i32
      %dma_start3A_173 = arith.constant 0 : i32
      %dma_start3A_174 = tpu.memref_slice %arg11[%dma_start3A_172, %dma_start3A_173] : memref<10112x128xf32, #tpu.memory_space<vmem_shared>> -> memref<10112x128xf32, #tpu.memory_space<vmem_shared>>
      tpu.enqueue_indirect_dma source(%arg9 : memref<128x128xf32, #tpu.memory_space<vmem>>) target(%dma_start3A_174 : memref<10112x128xf32, #tpu.memory_space<vmem_shared>>) offsets(%dma_start3A_171 : memref<128xi32, #tpu.memory_space<vmem>>) semaphore(%arg14 : memref<!tpu.dma_semaphore, #tpu.memory_space<semaphore_mem>>) {add = true}
      %dma_wait3A_175 = arith.constant 5 : i32
      %dma_wait3A_176 = arith.constant 0 : i32
      %dma_wait3A_177 = tpu.memref_slice %arg7[%dma_wait3A_175, %dma_wait3A_176] : memref<8x128xi32, #tpu.memory_space<vmem>> -> memref<1x128xi32, #tpu.memory_space<vmem>>
      %dma_wait3A_178 = tpu.memref_squeeze %dma_wait3A_177 : memref<1x128xi32, #tpu.memory_space<vmem>> -> memref<128xi32, #tpu.memory_space<vmem>>
      %dma_wait3A_179 = arith.constant 0 : i32
      %dma_wait3A_180 = arith.constant 0 : i32
      %dma_wait3A_181 = tpu.memref_slice %arg2[%dma_wait3A_179, %dma_wait3A_180] : memref<10000x128xf32, #tpu.memory_space<hbm>> -> memref<10000x128xf32, #tpu.memory_space<hbm>>
      tpu.wait_indirect_dma semaphore(%arg13 : memref<!tpu.dma_semaphore, #tpu.memory_space<semaphore_mem>>) src(%dma_wait3A_181 : memref<10000x128xf32, #tpu.memory_space<hbm>>) dst(%arg10 : memref<128x128xf32, #tpu.memory_space<vmem>>)
      %dma_start3A_182 = arith.constant 5 : i32
      %dma_start3A_183 = arith.constant 0 : i32
      %dma_start3A_184 = tpu.memref_slice %arg8[%dma_start3A_182, %dma_start3A_183] : memref<8x128xi32, #tpu.memory_space<vmem>> -> memref<1x128xi32, #tpu.memory_space<vmem>>
      %dma_start3A_185 = tpu.memref_squeeze %dma_start3A_184 : memref<1x128xi32, #tpu.memory_space<vmem>> -> memref<128xi32, #tpu.memory_space<vmem>>
      %dma_start3A_186 = arith.constant 0 : i32
      %dma_start3A_187 = arith.constant 0 : i32
      %dma_start3A_188 = tpu.memref_slice %arg11[%dma_start3A_186, %dma_start3A_187] : memref<10112x128xf32, #tpu.memory_space<vmem_shared>> -> memref<10112x128xf32, #tpu.memory_space<vmem_shared>>
      tpu.enqueue_indirect_dma source(%arg10 : memref<128x128xf32, #tpu.memory_space<vmem>>) target(%dma_start3A_188 : memref<10112x128xf32, #tpu.memory_space<vmem_shared>>) offsets(%dma_start3A_185 : memref<128xi32, #tpu.memory_space<vmem>>) semaphore(%arg15 : memref<!tpu.dma_semaphore, #tpu.memory_space<semaphore_mem>>) {add = true}
      %dma_wait3A_189 = arith.constant 0 : i32
      %dma_wait3A_190 = arith.constant 0 : i32
      %dma_wait3A_191 = tpu.memref_slice %arg2[%dma_wait3A_189, %dma_wait3A_190] : memref<10000x128xf32, #tpu.memory_space<hbm>> -> memref<128x128xf32, #tpu.memory_space<hbm>>
      %dma_wait3A_192 = arith.constant 0 : i32
      %dma_wait3A_193 = arith.constant 0 : i32
      %dma_wait3A_194 = tpu.memref_slice %arg2[%dma_wait3A_192, %dma_wait3A_193] : memref<10000x128xf32, #tpu.memory_space<hbm>> -> memref<128x128xf32, #tpu.memory_space<hbm>>
      tpu.wait_dma2 semaphore(%arg14 : memref<!tpu.dma_semaphore, #tpu.memory_space<semaphore_mem>>) src(%dma_wait3A_194 : memref<128x128xf32, #tpu.memory_space<hbm>>) dst(%arg9 : memref<128x128xf32, #tpu.memory_space<vmem>>)
      %dma_start3A_195 = arith.constant 6 : i32
      %dma_start3A_196 = arith.constant 0 : i32
      %dma_start3A_197 = tpu.memref_slice %arg7[%dma_start3A_195, %dma_start3A_196] : memref<8x128xi32, #tpu.memory_space<vmem>> -> memref<1x128xi32, #tpu.memory_space<vmem>>
      %dma_start3A_198 = tpu.memref_squeeze %dma_start3A_197 : memref<1x128xi32, #tpu.memory_space<vmem>> -> memref<128xi32, #tpu.memory_space<vmem>>
      %dma_start3A_199 = arith.constant 0 : i32
      %dma_start3A_200 = arith.constant 0 : i32
      %dma_start3A_201 = tpu.memref_slice %arg2[%dma_start3A_199, %dma_start3A_200] : memref<10000x128xf32, #tpu.memory_space<hbm>> -> memref<10000x128xf32, #tpu.memory_space<hbm>>
      tpu.enqueue_indirect_dma source(%dma_start3A_201 : memref<10000x128xf32, #tpu.memory_space<hbm>>) target(%arg9 : memref<128x128xf32, #tpu.memory_space<vmem>>) offsets(%dma_start3A_198 : memref<128xi32, #tpu.memory_space<vmem>>) semaphore(%arg12 : memref<!tpu.dma_semaphore, #tpu.memory_space<semaphore_mem>>)
      %dma_wait3A_202 = arith.constant 0 : i32
      %dma_wait3A_203 = arith.constant 0 : i32
      %dma_wait3A_204 = tpu.memref_slice %arg2[%dma_wait3A_202, %dma_wait3A_203] : memref<10000x128xf32, #tpu.memory_space<hbm>> -> memref<128x128xf32, #tpu.memory_space<hbm>>
      %dma_wait3A_205 = arith.constant 0 : i32
      %dma_wait3A_206 = arith.constant 0 : i32
      %dma_wait3A_207 = tpu.memref_slice %arg2[%dma_wait3A_205, %dma_wait3A_206] : memref<10000x128xf32, #tpu.memory_space<hbm>> -> memref<128x128xf32, #tpu.memory_space<hbm>>
      tpu.wait_dma2 semaphore(%arg15 : memref<!tpu.dma_semaphore, #tpu.memory_space<semaphore_mem>>) src(%dma_wait3A_207 : memref<128x128xf32, #tpu.memory_space<hbm>>) dst(%arg10 : memref<128x128xf32, #tpu.memory_space<vmem>>)
      %dma_start3A_208 = arith.constant 7 : i32
      %dma_start3A_209 = arith.constant 0 : i32
      %dma_start3A_210 = tpu.memref_slice %arg7[%dma_start3A_208, %dma_start3A_209] : memref<8x128xi32, #tpu.memory_space<vmem>> -> memref<1x128xi32, #tpu.memory_space<vmem>>
      %dma_start3A_211 = tpu.memref_squeeze %dma_start3A_210 : memref<1x128xi32, #tpu.memory_space<vmem>> -> memref<128xi32, #tpu.memory_space<vmem>>
      %dma_start3A_212 = arith.constant 0 : i32
      %dma_start3A_213 = arith.constant 0 : i32
      %dma_start3A_214 = tpu.memref_slice %arg2[%dma_start3A_212, %dma_start3A_213] : memref<10000x128xf32, #tpu.memory_space<hbm>> -> memref<10000x128xf32, #tpu.memory_space<hbm>>
      tpu.enqueue_indirect_dma source(%dma_start3A_214 : memref<10000x128xf32, #tpu.memory_space<hbm>>) target(%arg10 : memref<128x128xf32, #tpu.memory_space<vmem>>) offsets(%dma_start3A_211 : memref<128xi32, #tpu.memory_space<vmem>>) semaphore(%arg13 : memref<!tpu.dma_semaphore, #tpu.memory_space<semaphore_mem>>)
      %dma_wait3A_215 = arith.constant 6 : i32
      %dma_wait3A_216 = arith.constant 0 : i32
      %dma_wait3A_217 = tpu.memref_slice %arg7[%dma_wait3A_215, %dma_wait3A_216] : memref<8x128xi32, #tpu.memory_space<vmem>> -> memref<1x128xi32, #tpu.memory_space<vmem>>
      %dma_wait3A_218 = tpu.memref_squeeze %dma_wait3A_217 : memref<1x128xi32, #tpu.memory_space<vmem>> -> memref<128xi32, #tpu.memory_space<vmem>>
      %dma_wait3A_219 = arith.constant 0 : i32
      %dma_wait3A_220 = arith.constant 0 : i32
      %dma_wait3A_221 = tpu.memref_slice %arg2[%dma_wait3A_219, %dma_wait3A_220] : memref<10000x128xf32, #tpu.memory_space<hbm>> -> memref<10000x128xf32, #tpu.memory_space<hbm>>
      tpu.wait_indirect_dma semaphore(%arg12 : memref<!tpu.dma_semaphore, #tpu.memory_space<semaphore_mem>>) src(%dma_wait3A_221 : memref<10000x128xf32, #tpu.memory_space<hbm>>) dst(%arg9 : memref<128x128xf32, #tpu.memory_space<vmem>>)
      %dma_start3A_222 = arith.constant 6 : i32
      %dma_start3A_223 = arith.constant 0 : i32
      %dma_start3A_224 = tpu.memref_slice %arg8[%dma_start3A_222, %dma_start3A_223] : memref<8x128xi32, #tpu.memory_space<vmem>> -> memref<1x128xi32, #tpu.memory_space<vmem>>
      %dma_start3A_225 = tpu.memref_squeeze %dma_start3A_224 : memref<1x128xi32, #tpu.memory_space<vmem>> -> memref<128xi32, #tpu.memory_space<vmem>>
      %dma_start3A_226 = arith.constant 0 : i32
      %dma_start3A_227 = arith.constant 0 : i32
      %dma_start3A_228 = tpu.memref_slice %arg11[%dma_start3A_226, %dma_start3A_227] : memref<10112x128xf32, #tpu.memory_space<vmem_shared>> -> memref<10112x128xf32, #tpu.memory_space<vmem_shared>>
      tpu.enqueue_indirect_dma source(%arg9 : memref<128x128xf32, #tpu.memory_space<vmem>>) target(%dma_start3A_228 : memref<10112x128xf32, #tpu.memory_space<vmem_shared>>) offsets(%dma_start3A_225 : memref<128xi32, #tpu.memory_space<vmem>>) semaphore(%arg14 : memref<!tpu.dma_semaphore, #tpu.memory_space<semaphore_mem>>) {add = true}
      %dma_wait3A_229 = arith.constant 7 : i32
      %dma_wait3A_230 = arith.constant 0 : i32
      %dma_wait3A_231 = tpu.memref_slice %arg7[%dma_wait3A_229, %dma_wait3A_230] : memref<8x128xi32, #tpu.memory_space<vmem>> -> memref<1x128xi32, #tpu.memory_space<vmem>>
      %dma_wait3A_232 = tpu.memref_squeeze %dma_wait3A_231 : memref<1x128xi32, #tpu.memory_space<vmem>> -> memref<128xi32, #tpu.memory_space<vmem>>
      %dma_wait3A_233 = arith.constant 0 : i32
      %dma_wait3A_234 = arith.constant 0 : i32
      %dma_wait3A_235 = tpu.memref_slice %arg2[%dma_wait3A_233, %dma_wait3A_234] : memref<10000x128xf32, #tpu.memory_space<hbm>> -> memref<10000x128xf32, #tpu.memory_space<hbm>>
      tpu.wait_indirect_dma semaphore(%arg13 : memref<!tpu.dma_semaphore, #tpu.memory_space<semaphore_mem>>) src(%dma_wait3A_235 : memref<10000x128xf32, #tpu.memory_space<hbm>>) dst(%arg10 : memref<128x128xf32, #tpu.memory_space<vmem>>)
      %dma_start3A_236 = arith.constant 7 : i32
      %dma_start3A_237 = arith.constant 0 : i32
      %dma_start3A_238 = tpu.memref_slice %arg8[%dma_start3A_236, %dma_start3A_237] : memref<8x128xi32, #tpu.memory_space<vmem>> -> memref<1x128xi32, #tpu.memory_space<vmem>>
      %dma_start3A_239 = tpu.memref_squeeze %dma_start3A_238 : memref<1x128xi32, #tpu.memory_space<vmem>> -> memref<128xi32, #tpu.memory_space<vmem>>
      %dma_start3A_240 = arith.constant 0 : i32
      %dma_start3A_241 = arith.constant 0 : i32
      %dma_start3A_242 = tpu.memref_slice %arg11[%dma_start3A_240, %dma_start3A_241] : memref<10112x128xf32, #tpu.memory_space<vmem_shared>> -> memref<10112x128xf32, #tpu.memory_space<vmem_shared>>
      tpu.enqueue_indirect_dma source(%arg10 : memref<128x128xf32, #tpu.memory_space<vmem>>) target(%dma_start3A_242 : memref<10112x128xf32, #tpu.memory_space<vmem_shared>>) offsets(%dma_start3A_239 : memref<128xi32, #tpu.memory_space<vmem>>) semaphore(%arg15 : memref<!tpu.dma_semaphore, #tpu.memory_space<semaphore_mem>>) {add = true}
      %scan3A_243 = arith.constant 0 : i32
      scf.yield %scan3A_243 : i32
    }
    %scan3A_8 = arith.constant 10 : i32
    %dma_wait3A = arith.constant 0 : i32
    %dma_wait3A_9 = arith.constant 0 : i32
    %dma_wait3A_10 = tpu.memref_slice %arg2[%dma_wait3A, %dma_wait3A_9] : memref<10000x128xf32, #tpu.memory_space<hbm>> -> memref<128x128xf32, #tpu.memory_space<hbm>>
    %dma_wait3A_11 = arith.constant 0 : i32
    %dma_wait3A_12 = arith.constant 0 : i32
    %dma_wait3A_13 = tpu.memref_slice %arg2[%dma_wait3A_11, %dma_wait3A_12] : memref<10000x128xf32, #tpu.memory_space<hbm>> -> memref<128x128xf32, #tpu.memory_space<hbm>>
    tpu.wait_dma2 semaphore(%arg14 : memref<!tpu.dma_semaphore, #tpu.memory_space<semaphore_mem>>) src(%dma_wait3A_13 : memref<128x128xf32, #tpu.memory_space<hbm>>) dst(%arg9 : memref<128x128xf32, #tpu.memory_space<vmem>>)
    %dma_wait3A_14 = arith.constant 0 : i32
    %dma_wait3A_15 = arith.constant 0 : i32
    %dma_wait3A_16 = tpu.memref_slice %arg2[%dma_wait3A_14, %dma_wait3A_15] : memref<10000x128xf32, #tpu.memory_space<hbm>> -> memref<128x128xf32, #tpu.memory_space<hbm>>
    %dma_wait3A_17 = arith.constant 0 : i32
    %dma_wait3A_18 = arith.constant 0 : i32
    %dma_wait3A_19 = tpu.memref_slice %arg2[%dma_wait3A_17, %dma_wait3A_18] : memref<10000x128xf32, #tpu.memory_space<hbm>> -> memref<128x128xf32, #tpu.memory_space<hbm>>
    tpu.wait_dma2 semaphore(%arg15 : memref<!tpu.dma_semaphore, #tpu.memory_space<semaphore_mem>>) src(%dma_wait3A_19 : memref<128x128xf32, #tpu.memory_space<hbm>>) dst(%arg10 : memref<128x128xf32, #tpu.memory_space<vmem>>)
    %barrier3A_20 = arith.constant 0 : index
    tpu.barrier barrier_id(%barrier3A_20)
    "tpu.region"() ({
      %run_scoped3A = tpu.sem_alloc : memref<!tpu.dma_semaphore, #tpu.memory_space<semaphore_mem>>
      %dma_start3A = arith.constant 0 : i32
      %dma_start3A_21 = tpu.memref_slice %arg6[%arg0, %mul3A_2, %dma_start3A] : memref<2x10112x128xf32, #tpu.memory_space<hbm>> -> memref<1x632x128xf32, #tpu.memory_space<hbm>>
      %dma_start3A_22 = tpu.memref_squeeze %dma_start3A_21 : memref<1x632x128xf32, #tpu.memory_space<hbm>> -> memref<632x128xf32, #tpu.memory_space<hbm>>
      %dma_start3A_23 = arith.constant 0 : i32
      %dma_start3A_24 = tpu.memref_slice %arg11[%mul3A_2, %dma_start3A_23] : memref<10112x128xf32, #tpu.memory_space<vmem_shared>> -> memref<632x128xf32, #tpu.memory_space<vmem_shared>>
      tpu.enqueue_dma source(%dma_start3A_24 : memref<632x128xf32, #tpu.memory_space<vmem_shared>>) target(%dma_start3A_22 : memref<632x128xf32, #tpu.memory_space<hbm>>) target_semaphore(%run_scoped3A : memref<!tpu.dma_semaphore, #tpu.memory_space<semaphore_mem>>)
      %dma_wait3A_25 = arith.constant 0 : i32
      %dma_wait3A_26 = tpu.memref_slice %arg6[%arg0, %mul3A_2, %dma_wait3A_25] : memref<2x10112x128xf32, #tpu.memory_space<hbm>> -> memref<1x632x128xf32, #tpu.memory_space<hbm>>
      %dma_wait3A_27 = tpu.memref_squeeze %dma_wait3A_26 : memref<1x632x128xf32, #tpu.memory_space<hbm>> -> memref<632x128xf32, #tpu.memory_space<hbm>>
      %dma_wait3A_28 = arith.constant 0 : i32
      %dma_wait3A_29 = tpu.memref_slice %arg11[%mul3A_2, %dma_wait3A_28] : memref<10112x128xf32, #tpu.memory_space<vmem_shared>> -> memref<632x128xf32, #tpu.memory_space<vmem_shared>>
      tpu.wait_dma2 semaphore(%run_scoped3A : memref<!tpu.dma_semaphore, #tpu.memory_space<semaphore_mem>>) src(%dma_wait3A_29 : memref<632x128xf32, #tpu.memory_space<vmem_shared>>) dst(%dma_wait3A_27 : memref<632x128xf32, #tpu.memory_space<hbm>>)
      tpu.yield
    }) : () -> ()
    return
  }
}

#map = affine_map<(d0, d1) -> (0, 0)>
#map1 = affine_map<(d0, d1) -> (0, 0, 0)>
module attributes {stable_mosaic.version = 14 : i64} {
  func.func @_deg_kernel(%arg0: i32, %arg1: i32, %arg2: memref<2560x128xi32, #tpu.memory_space<hbm>>, %arg3: memref<128x32xf32, #tpu.memory_space<hbm>>, %arg4: memref<632x32xf32, #tpu.memory_space<hbm>>, %arg5: memref<2x10112x32xf32, #tpu.memory_space<hbm>>, %arg6: memref<8x128xi32, #tpu.memory_space<vmem>>, %arg7: memref<8x128xi32, #tpu.memory_space<vmem>>, %arg8: memref<128x32xf32, #tpu.memory_space<vmem>>, %arg9: memref<10112x32xf32, #tpu.memory_space<vmem_shared>>, %arg10: memref<!tpu.dma_semaphore, #tpu.memory_space<semaphore_mem>>) attributes {dimension_semantics = [#tpu.dimension_semantics<core_parallel>, #tpu.dimension_semantics<subcore_parallel>], iteration_bounds = array<i64: 2, 16>, scalar_prefetch = 0 : i64, scratch_operands = 5 : i64, tpu.core_type = #tpu.core_type<sc_vector_subcore>, window_params = [{transform_indices = #map}, {transform_indices = #map}, {transform_indices = #map}, {transform_indices = #map1}]} {
    %mul3A = arith.constant 16 : i32
    %mul3A_0 = arith.muli %arg0, %mul3A : i32
    %add3A = arith.addi %mul3A_0, %arg1 : i32
    %mul3A_1 = arith.constant 632 : i32
    %mul3A_2 = arith.muli %arg1, %mul3A_1 : i32
    "tpu.region"() ({
      %run_scoped3A = tpu.sem_alloc : memref<!tpu.dma_semaphore, #tpu.memory_space<semaphore_mem>>
      %dma_start3A = arith.constant 0 : i32
      %dma_start3A_10 = tpu.memref_slice %arg9[%mul3A_2, %dma_start3A] : memref<10112x32xf32, #tpu.memory_space<vmem_shared>> -> memref<632x32xf32, #tpu.memory_space<vmem_shared>>
      tpu.enqueue_dma source(%arg4 : memref<632x32xf32, #tpu.memory_space<hbm>>) target(%dma_start3A_10 : memref<632x32xf32, #tpu.memory_space<vmem_shared>>) target_semaphore(%run_scoped3A : memref<!tpu.dma_semaphore, #tpu.memory_space<semaphore_mem>>)
      %dma_wait3A = arith.constant 0 : i32
      %dma_wait3A_11 = tpu.memref_slice %arg9[%mul3A_2, %dma_wait3A] : memref<10112x32xf32, #tpu.memory_space<vmem_shared>> -> memref<632x32xf32, #tpu.memory_space<vmem_shared>>
      tpu.wait_dma2 semaphore(%run_scoped3A : memref<!tpu.dma_semaphore, #tpu.memory_space<semaphore_mem>>) src(%arg4 : memref<632x32xf32, #tpu.memory_space<hbm>>) dst(%dma_wait3A_11 : memref<632x32xf32, #tpu.memory_space<vmem_shared>>)
      tpu.yield
    }) : () -> ()
    "tpu.region"() ({
      %run_scoped3A = tpu.sem_alloc : memref<!tpu.dma_semaphore, #tpu.memory_space<semaphore_mem>>
      tpu.enqueue_dma source(%arg3 : memref<128x32xf32, #tpu.memory_space<hbm>>) target(%arg8 : memref<128x32xf32, #tpu.memory_space<vmem>>) target_semaphore(%run_scoped3A : memref<!tpu.dma_semaphore, #tpu.memory_space<semaphore_mem>>)
      tpu.wait_dma2 semaphore(%run_scoped3A : memref<!tpu.dma_semaphore, #tpu.memory_space<semaphore_mem>>) src(%arg3 : memref<128x32xf32, #tpu.memory_space<hbm>>) dst(%arg8 : memref<128x32xf32, #tpu.memory_space<vmem>>)
      tpu.yield
    }) : () -> ()
    %barrier3A = arith.constant 0 : index
    tpu.barrier barrier_id(%barrier3A)
    %scan3A = arith.constant 0 : i32
    %scan3A_3 = arith.constant 0 : i32
    %scan3A_4 = arith.constant 10 : i32
    %scan3A_5 = arith.addi %scan3A_3, %scan3A_4 : i32
    %scan3A_6 = arith.constant 1 : i32
    %scan3A_7 = scf.for %scan3A_10 = %scan3A_3 to %scan3A_5 step %scan3A_6 iter_args(%scan3A_11 = %scan3A) -> (i32)  : i32 {
      %ge3A = arith.constant 2 : i32
      %ge3A_12 = arith.cmpi sge, %scan3A_10, %ge3A : i32
      %jit3A = arith.constant 2 : i32
      %eq3A = arith.constant 0 : i32
      %eq3A_13 = arith.cmpi eq, %jit3A, %eq3A : i32
      %jit3A_14 = arith.constant 1 : i32
      %select_n3A = arith.select %eq3A_13, %jit3A_14, %jit3A : i32
      %rem3A = arith.remsi %scan3A_10, %select_n3A : i32
      %ne3A = arith.constant 0 : i32
      %ne3A_15 = arith.cmpi ne, %rem3A, %ne3A : i32
      %lt3A = arith.constant 0 : i32
      %lt3A_16 = arith.cmpi slt, %rem3A, %lt3A : i32
      %lt3A_17 = arith.constant 0 : i32
      %lt3A_18 = arith.cmpi slt, %select_n3A, %lt3A_17 : i32
      %ne3A_19 = arith.xori %lt3A_16, %lt3A_18 : i1
      %and3A = arith.andi %ne3A_19, %ne3A_15 : i1
      %add3A_20 = arith.addi %rem3A, %select_n3A : i32
      %select_n3A_21 = arith.select %and3A, %add3A_20, %rem3A : i32
      %eq3A_22 = arith.constant 0 : i32
      %eq3A_23 = arith.cmpi eq, %select_n3A_21, %eq3A_22 : i32
      %and3A_24 = arith.andi %ge3A_12, %eq3A_23 : i1
      %convert_element_type3A = arith.extui %and3A_24 : i1 to i32
      %cond3A = arith.constant 0 : i32
      %cond3A_25 = arith.cmpi ne, %convert_element_type3A, %cond3A : i32
      scf.if %cond3A_25 {
        tpu.wait_dma2 semaphore(%arg10 : memref<!tpu.dma_semaphore, #tpu.memory_space<semaphore_mem>>) src(%arg3 : memref<128x32xf32, #tpu.memory_space<hbm>>) dst(%arg8 : memref<128x32xf32, #tpu.memory_space<vmem>>)
        tpu.wait_dma2 semaphore(%arg10 : memref<!tpu.dma_semaphore, #tpu.memory_space<semaphore_mem>>) src(%arg3 : memref<128x32xf32, #tpu.memory_space<hbm>>) dst(%arg8 : memref<128x32xf32, #tpu.memory_space<vmem>>)
        tpu.wait_dma2 semaphore(%arg10 : memref<!tpu.dma_semaphore, #tpu.memory_space<semaphore_mem>>) src(%arg3 : memref<128x32xf32, #tpu.memory_space<hbm>>) dst(%arg8 : memref<128x32xf32, #tpu.memory_space<vmem>>)
        tpu.wait_dma2 semaphore(%arg10 : memref<!tpu.dma_semaphore, #tpu.memory_space<semaphore_mem>>) src(%arg3 : memref<128x32xf32, #tpu.memory_space<hbm>>) dst(%arg8 : memref<128x32xf32, #tpu.memory_space<vmem>>)
        tpu.wait_dma2 semaphore(%arg10 : memref<!tpu.dma_semaphore, #tpu.memory_space<semaphore_mem>>) src(%arg3 : memref<128x32xf32, #tpu.memory_space<hbm>>) dst(%arg8 : memref<128x32xf32, #tpu.memory_space<vmem>>)
        tpu.wait_dma2 semaphore(%arg10 : memref<!tpu.dma_semaphore, #tpu.memory_space<semaphore_mem>>) src(%arg3 : memref<128x32xf32, #tpu.memory_space<hbm>>) dst(%arg8 : memref<128x32xf32, #tpu.memory_space<vmem>>)
        tpu.wait_dma2 semaphore(%arg10 : memref<!tpu.dma_semaphore, #tpu.memory_space<semaphore_mem>>) src(%arg3 : memref<128x32xf32, #tpu.memory_space<hbm>>) dst(%arg8 : memref<128x32xf32, #tpu.memory_space<vmem>>)
        tpu.wait_dma2 semaphore(%arg10 : memref<!tpu.dma_semaphore, #tpu.memory_space<semaphore_mem>>) src(%arg3 : memref<128x32xf32, #tpu.memory_space<hbm>>) dst(%arg8 : memref<128x32xf32, #tpu.memory_space<vmem>>)
        %mul3A_98 = arith.constant 80 : i32
        %mul3A_99 = arith.muli %add3A, %mul3A_98 : i32
        %mul3A_100 = arith.constant 8 : i32
        %mul3A_101 = arith.muli %scan3A_10, %mul3A_100 : i32
        %add3A_102 = arith.addi %mul3A_99, %mul3A_101 : i32
        "tpu.region"() ({
          %run_scoped3A = tpu.sem_alloc : memref<!tpu.dma_semaphore, #tpu.memory_space<semaphore_mem>>
          %dma_start3A = arith.constant 0 : i32
          %dma_start3A_103 = tpu.memref_slice %arg2[%add3A_102, %dma_start3A] : memref<2560x128xi32, #tpu.memory_space<hbm>> -> memref<8x128xi32, #tpu.memory_space<hbm>>
          %dma_start3A_104 = arith.constant 0 : i32
          %dma_start3A_105 = tpu.memref_slice %arg2[%add3A_102, %dma_start3A_104] : memref<2560x128xi32, #tpu.memory_space<hbm>> -> memref<8x128xi32, #tpu.memory_space<hbm>>
          tpu.enqueue_dma source(%dma_start3A_105 : memref<8x128xi32, #tpu.memory_space<hbm>>) target(%arg6 : memref<8x128xi32, #tpu.memory_space<vmem>>) target_semaphore(%run_scoped3A : memref<!tpu.dma_semaphore, #tpu.memory_space<semaphore_mem>>)
          %dma_wait3A = arith.constant 0 : i32
          %dma_wait3A_106 = tpu.memref_slice %arg2[%add3A_102, %dma_wait3A] : memref<2560x128xi32, #tpu.memory_space<hbm>> -> memref<8x128xi32, #tpu.memory_space<hbm>>
          %dma_wait3A_107 = arith.constant 0 : i32
          %dma_wait3A_108 = tpu.memref_slice %arg2[%add3A_102, %dma_wait3A_107] : memref<2560x128xi32, #tpu.memory_space<hbm>> -> memref<8x128xi32, #tpu.memory_space<hbm>>
          tpu.wait_dma2 semaphore(%run_scoped3A : memref<!tpu.dma_semaphore, #tpu.memory_space<semaphore_mem>>) src(%dma_wait3A_108 : memref<8x128xi32, #tpu.memory_space<hbm>>) dst(%arg6 : memref<8x128xi32, #tpu.memory_space<vmem>>)
          tpu.yield
        }) : () -> ()
      } else {
      }
      %ge3A_26 = arith.constant 2 : i32
      %ge3A_27 = arith.cmpi sge, %scan3A_10, %ge3A_26 : i32
      %jit3A_28 = arith.constant 2 : i32
      %eq3A_29 = arith.constant 0 : i32
      %eq3A_30 = arith.cmpi eq, %jit3A_28, %eq3A_29 : i32
      %jit3A_31 = arith.constant 1 : i32
      %select_n3A_32 = arith.select %eq3A_30, %jit3A_31, %jit3A_28 : i32
      %rem3A_33 = arith.remsi %scan3A_10, %select_n3A_32 : i32
      %ne3A_34 = arith.constant 0 : i32
      %ne3A_35 = arith.cmpi ne, %rem3A_33, %ne3A_34 : i32
      %lt3A_36 = arith.constant 0 : i32
      %lt3A_37 = arith.cmpi slt, %rem3A_33, %lt3A_36 : i32
      %lt3A_38 = arith.constant 0 : i32
      %lt3A_39 = arith.cmpi slt, %select_n3A_32, %lt3A_38 : i32
      %ne3A_40 = arith.xori %lt3A_37, %lt3A_39 : i1
      %and3A_41 = arith.andi %ne3A_40, %ne3A_35 : i1
      %add3A_42 = arith.addi %rem3A_33, %select_n3A_32 : i32
      %select_n3A_43 = arith.select %and3A_41, %add3A_42, %rem3A_33 : i32
      %eq3A_44 = arith.constant 1 : i32
      %eq3A_45 = arith.cmpi eq, %select_n3A_43, %eq3A_44 : i32
      %and3A_46 = arith.andi %ge3A_27, %eq3A_45 : i1
      %convert_element_type3A_47 = arith.extui %and3A_46 : i1 to i32
      %cond3A_48 = arith.constant 0 : i32
      %cond3A_49 = arith.cmpi ne, %convert_element_type3A_47, %cond3A_48 : i32
      scf.if %cond3A_49 {
        tpu.wait_dma2 semaphore(%arg10 : memref<!tpu.dma_semaphore, #tpu.memory_space<semaphore_mem>>) src(%arg3 : memref<128x32xf32, #tpu.memory_space<hbm>>) dst(%arg8 : memref<128x32xf32, #tpu.memory_space<vmem>>)
        tpu.wait_dma2 semaphore(%arg10 : memref<!tpu.dma_semaphore, #tpu.memory_space<semaphore_mem>>) src(%arg3 : memref<128x32xf32, #tpu.memory_space<hbm>>) dst(%arg8 : memref<128x32xf32, #tpu.memory_space<vmem>>)
        tpu.wait_dma2 semaphore(%arg10 : memref<!tpu.dma_semaphore, #tpu.memory_space<semaphore_mem>>) src(%arg3 : memref<128x32xf32, #tpu.memory_space<hbm>>) dst(%arg8 : memref<128x32xf32, #tpu.memory_space<vmem>>)
        tpu.wait_dma2 semaphore(%arg10 : memref<!tpu.dma_semaphore, #tpu.memory_space<semaphore_mem>>) src(%arg3 : memref<128x32xf32, #tpu.memory_space<hbm>>) dst(%arg8 : memref<128x32xf32, #tpu.memory_space<vmem>>)
        tpu.wait_dma2 semaphore(%arg10 : memref<!tpu.dma_semaphore, #tpu.memory_space<semaphore_mem>>) src(%arg3 : memref<128x32xf32, #tpu.memory_space<hbm>>) dst(%arg8 : memref<128x32xf32, #tpu.memory_space<vmem>>)
        tpu.wait_dma2 semaphore(%arg10 : memref<!tpu.dma_semaphore, #tpu.memory_space<semaphore_mem>>) src(%arg3 : memref<128x32xf32, #tpu.memory_space<hbm>>) dst(%arg8 : memref<128x32xf32, #tpu.memory_space<vmem>>)
        tpu.wait_dma2 semaphore(%arg10 : memref<!tpu.dma_semaphore, #tpu.memory_space<semaphore_mem>>) src(%arg3 : memref<128x32xf32, #tpu.memory_space<hbm>>) dst(%arg8 : memref<128x32xf32, #tpu.memory_space<vmem>>)
        tpu.wait_dma2 semaphore(%arg10 : memref<!tpu.dma_semaphore, #tpu.memory_space<semaphore_mem>>) src(%arg3 : memref<128x32xf32, #tpu.memory_space<hbm>>) dst(%arg8 : memref<128x32xf32, #tpu.memory_space<vmem>>)
        %mul3A_98 = arith.constant 80 : i32
        %mul3A_99 = arith.muli %add3A, %mul3A_98 : i32
        %mul3A_100 = arith.constant 8 : i32
        %mul3A_101 = arith.muli %scan3A_10, %mul3A_100 : i32
        %add3A_102 = arith.addi %mul3A_99, %mul3A_101 : i32
        "tpu.region"() ({
          %run_scoped3A = tpu.sem_alloc : memref<!tpu.dma_semaphore, #tpu.memory_space<semaphore_mem>>
          %dma_start3A = arith.constant 0 : i32
          %dma_start3A_103 = tpu.memref_slice %arg2[%add3A_102, %dma_start3A] : memref<2560x128xi32, #tpu.memory_space<hbm>> -> memref<8x128xi32, #tpu.memory_space<hbm>>
          %dma_start3A_104 = arith.constant 0 : i32
          %dma_start3A_105 = tpu.memref_slice %arg2[%add3A_102, %dma_start3A_104] : memref<2560x128xi32, #tpu.memory_space<hbm>> -> memref<8x128xi32, #tpu.memory_space<hbm>>
          tpu.enqueue_dma source(%dma_start3A_105 : memref<8x128xi32, #tpu.memory_space<hbm>>) target(%arg7 : memref<8x128xi32, #tpu.memory_space<vmem>>) target_semaphore(%run_scoped3A : memref<!tpu.dma_semaphore, #tpu.memory_space<semaphore_mem>>)
          %dma_wait3A = arith.constant 0 : i32
          %dma_wait3A_106 = tpu.memref_slice %arg2[%add3A_102, %dma_wait3A] : memref<2560x128xi32, #tpu.memory_space<hbm>> -> memref<8x128xi32, #tpu.memory_space<hbm>>
          %dma_wait3A_107 = arith.constant 0 : i32
          %dma_wait3A_108 = tpu.memref_slice %arg2[%add3A_102, %dma_wait3A_107] : memref<2560x128xi32, #tpu.memory_space<hbm>> -> memref<8x128xi32, #tpu.memory_space<hbm>>
          tpu.wait_dma2 semaphore(%run_scoped3A : memref<!tpu.dma_semaphore, #tpu.memory_space<semaphore_mem>>) src(%dma_wait3A_108 : memref<8x128xi32, #tpu.memory_space<hbm>>) dst(%arg7 : memref<8x128xi32, #tpu.memory_space<vmem>>)
          tpu.yield
        }) : () -> ()
      } else {
      }
      %lt3A_50 = arith.constant 2 : i32
      %lt3A_51 = arith.cmpi slt, %scan3A_10, %lt3A_50 : i32
      %convert_element_type3A_52 = arith.extui %lt3A_51 : i1 to i32
      %cond3A_53 = arith.constant 0 : i32
      %cond3A_54 = arith.cmpi ne, %convert_element_type3A_52, %cond3A_53 : i32
      scf.if %cond3A_54 {
        %eq3A_98 = arith.constant 0 : i32
        %eq3A_99 = arith.cmpi eq, %scan3A_10, %eq3A_98 : i32
        %convert_element_type3A_100 = arith.extui %eq3A_99 : i1 to i32
        %cond3A_101 = arith.constant 0 : i32
        %cond3A_102 = arith.cmpi ne, %convert_element_type3A_100, %cond3A_101 : i32
        scf.if %cond3A_102 {
          %mul3A_108 = arith.constant 80 : i32
          %mul3A_109 = arith.muli %add3A, %mul3A_108 : i32
          %mul3A_110 = arith.constant 8 : i32
          %mul3A_111 = arith.muli %scan3A_10, %mul3A_110 : i32
          %add3A_112 = arith.addi %mul3A_109, %mul3A_111 : i32
          "tpu.region"() ({
            %run_scoped3A = tpu.sem_alloc : memref<!tpu.dma_semaphore, #tpu.memory_space<semaphore_mem>>
            %dma_start3A = arith.constant 0 : i32
            %dma_start3A_113 = tpu.memref_slice %arg2[%add3A_112, %dma_start3A] : memref<2560x128xi32, #tpu.memory_space<hbm>> -> memref<8x128xi32, #tpu.memory_space<hbm>>
            %dma_start3A_114 = arith.constant 0 : i32
            %dma_start3A_115 = tpu.memref_slice %arg2[%add3A_112, %dma_start3A_114] : memref<2560x128xi32, #tpu.memory_space<hbm>> -> memref<8x128xi32, #tpu.memory_space<hbm>>
            tpu.enqueue_dma source(%dma_start3A_115 : memref<8x128xi32, #tpu.memory_space<hbm>>) target(%arg6 : memref<8x128xi32, #tpu.memory_space<vmem>>) target_semaphore(%run_scoped3A : memref<!tpu.dma_semaphore, #tpu.memory_space<semaphore_mem>>)
            %dma_wait3A = arith.constant 0 : i32
            %dma_wait3A_116 = tpu.memref_slice %arg2[%add3A_112, %dma_wait3A] : memref<2560x128xi32, #tpu.memory_space<hbm>> -> memref<8x128xi32, #tpu.memory_space<hbm>>
            %dma_wait3A_117 = arith.constant 0 : i32
            %dma_wait3A_118 = tpu.memref_slice %arg2[%add3A_112, %dma_wait3A_117] : memref<2560x128xi32, #tpu.memory_space<hbm>> -> memref<8x128xi32, #tpu.memory_space<hbm>>
            tpu.wait_dma2 semaphore(%run_scoped3A : memref<!tpu.dma_semaphore, #tpu.memory_space<semaphore_mem>>) src(%dma_wait3A_118 : memref<8x128xi32, #tpu.memory_space<hbm>>) dst(%arg6 : memref<8x128xi32, #tpu.memory_space<vmem>>)
            tpu.yield
          }) : () -> ()
        } else {
        }
        %eq3A_103 = arith.constant 1 : i32
        %eq3A_104 = arith.cmpi eq, %scan3A_10, %eq3A_103 : i32
        %convert_element_type3A_105 = arith.extui %eq3A_104 : i1 to i32
        %cond3A_106 = arith.constant 0 : i32
        %cond3A_107 = arith.cmpi ne, %convert_element_type3A_105, %cond3A_106 : i32
        scf.if %cond3A_107 {
          %mul3A_108 = arith.constant 80 : i32
          %mul3A_109 = arith.muli %add3A, %mul3A_108 : i32
          %mul3A_110 = arith.constant 8 : i32
          %mul3A_111 = arith.muli %scan3A_10, %mul3A_110 : i32
          %add3A_112 = arith.addi %mul3A_109, %mul3A_111 : i32
          "tpu.region"() ({
            %run_scoped3A = tpu.sem_alloc : memref<!tpu.dma_semaphore, #tpu.memory_space<semaphore_mem>>
            %dma_start3A = arith.constant 0 : i32
            %dma_start3A_113 = tpu.memref_slice %arg2[%add3A_112, %dma_start3A] : memref<2560x128xi32, #tpu.memory_space<hbm>> -> memref<8x128xi32, #tpu.memory_space<hbm>>
            %dma_start3A_114 = arith.constant 0 : i32
            %dma_start3A_115 = tpu.memref_slice %arg2[%add3A_112, %dma_start3A_114] : memref<2560x128xi32, #tpu.memory_space<hbm>> -> memref<8x128xi32, #tpu.memory_space<hbm>>
            tpu.enqueue_dma source(%dma_start3A_115 : memref<8x128xi32, #tpu.memory_space<hbm>>) target(%arg7 : memref<8x128xi32, #tpu.memory_space<vmem>>) target_semaphore(%run_scoped3A : memref<!tpu.dma_semaphore, #tpu.memory_space<semaphore_mem>>)
            %dma_wait3A = arith.constant 0 : i32
            %dma_wait3A_116 = tpu.memref_slice %arg2[%add3A_112, %dma_wait3A] : memref<2560x128xi32, #tpu.memory_space<hbm>> -> memref<8x128xi32, #tpu.memory_space<hbm>>
            %dma_wait3A_117 = arith.constant 0 : i32
            %dma_wait3A_118 = tpu.memref_slice %arg2[%add3A_112, %dma_wait3A_117] : memref<2560x128xi32, #tpu.memory_space<hbm>> -> memref<8x128xi32, #tpu.memory_space<hbm>>
            tpu.wait_dma2 semaphore(%run_scoped3A : memref<!tpu.dma_semaphore, #tpu.memory_space<semaphore_mem>>) src(%dma_wait3A_118 : memref<8x128xi32, #tpu.memory_space<hbm>>) dst(%arg7 : memref<8x128xi32, #tpu.memory_space<vmem>>)
            tpu.yield
          }) : () -> ()
        } else {
        }
      } else {
      }
      %jit3A_55 = arith.constant 2 : i32
      %eq3A_56 = arith.constant 0 : i32
      %eq3A_57 = arith.cmpi eq, %jit3A_55, %eq3A_56 : i32
      %jit3A_58 = arith.constant 1 : i32
      %select_n3A_59 = arith.select %eq3A_57, %jit3A_58, %jit3A_55 : i32
      %rem3A_60 = arith.remsi %scan3A_10, %select_n3A_59 : i32
      %ne3A_61 = arith.constant 0 : i32
      %ne3A_62 = arith.cmpi ne, %rem3A_60, %ne3A_61 : i32
      %lt3A_63 = arith.constant 0 : i32
      %lt3A_64 = arith.cmpi slt, %rem3A_60, %lt3A_63 : i32
      %lt3A_65 = arith.constant 0 : i32
      %lt3A_66 = arith.cmpi slt, %select_n3A_59, %lt3A_65 : i32
      %ne3A_67 = arith.xori %lt3A_64, %lt3A_66 : i1
      %and3A_68 = arith.andi %ne3A_67, %ne3A_62 : i1
      %add3A_69 = arith.addi %rem3A_60, %select_n3A_59 : i32
      %select_n3A_70 = arith.select %and3A_68, %add3A_69, %rem3A_60 : i32
      %eq3A_71 = arith.constant 0 : i32
      %eq3A_72 = arith.cmpi eq, %select_n3A_70, %eq3A_71 : i32
      %convert_element_type3A_73 = arith.extui %eq3A_72 : i1 to i32
      %cond3A_74 = arith.constant 0 : i32
      %cond3A_75 = arith.cmpi ne, %convert_element_type3A_73, %cond3A_74 : i32
      scf.if %cond3A_75 {
        %dma_start3A = arith.constant 0 : i32
        %dma_start3A_98 = arith.constant 0 : i32
        %dma_start3A_99 = tpu.memref_slice %arg6[%dma_start3A, %dma_start3A_98] : memref<8x128xi32, #tpu.memory_space<vmem>> -> memref<1x128xi32, #tpu.memory_space<vmem>>
        %dma_start3A_100 = tpu.memref_squeeze %dma_start3A_99 : memref<1x128xi32, #tpu.memory_space<vmem>> -> memref<128xi32, #tpu.memory_space<vmem>>
        %dma_start3A_101 = arith.constant 0 : i32
        %dma_start3A_102 = arith.constant 0 : i32
        %dma_start3A_103 = tpu.memref_slice %arg9[%dma_start3A_101, %dma_start3A_102] : memref<10112x32xf32, #tpu.memory_space<vmem_shared>> -> memref<10112x32xf32, #tpu.memory_space<vmem_shared>>
        tpu.enqueue_indirect_dma source(%arg8 : memref<128x32xf32, #tpu.memory_space<vmem>>) target(%dma_start3A_103 : memref<10112x32xf32, #tpu.memory_space<vmem_shared>>) offsets(%dma_start3A_100 : memref<128xi32, #tpu.memory_space<vmem>>) semaphore(%arg10 : memref<!tpu.dma_semaphore, #tpu.memory_space<semaphore_mem>>) {add = true}
        %dma_start3A_104 = arith.constant 1 : i32
        %dma_start3A_105 = arith.constant 0 : i32
        %dma_start3A_106 = tpu.memref_slice %arg6[%dma_start3A_104, %dma_start3A_105] : memref<8x128xi32, #tpu.memory_space<vmem>> -> memref<1x128xi32, #tpu.memory_space<vmem>>
        %dma_start3A_107 = tpu.memref_squeeze %dma_start3A_106 : memref<1x128xi32, #tpu.memory_space<vmem>> -> memref<128xi32, #tpu.memory_space<vmem>>
        %dma_start3A_108 = arith.constant 0 : i32
        %dma_start3A_109 = arith.constant 0 : i32
        %dma_start3A_110 = tpu.memref_slice %arg9[%dma_start3A_108, %dma_start3A_109] : memref<10112x32xf32, #tpu.memory_space<vmem_shared>> -> memref<10112x32xf32, #tpu.memory_space<vmem_shared>>
        tpu.enqueue_indirect_dma source(%arg8 : memref<128x32xf32, #tpu.memory_space<vmem>>) target(%dma_start3A_110 : memref<10112x32xf32, #tpu.memory_space<vmem_shared>>) offsets(%dma_start3A_107 : memref<128xi32, #tpu.memory_space<vmem>>) semaphore(%arg10 : memref<!tpu.dma_semaphore, #tpu.memory_space<semaphore_mem>>) {add = true}
        %dma_start3A_111 = arith.constant 2 : i32
        %dma_start3A_112 = arith.constant 0 : i32
        %dma_start3A_113 = tpu.memref_slice %arg6[%dma_start3A_111, %dma_start3A_112] : memref<8x128xi32, #tpu.memory_space<vmem>> -> memref<1x128xi32, #tpu.memory_space<vmem>>
        %dma_start3A_114 = tpu.memref_squeeze %dma_start3A_113 : memref<1x128xi32, #tpu.memory_space<vmem>> -> memref<128xi32, #tpu.memory_space<vmem>>
        %dma_start3A_115 = arith.constant 0 : i32
        %dma_start3A_116 = arith.constant 0 : i32
        %dma_start3A_117 = tpu.memref_slice %arg9[%dma_start3A_115, %dma_start3A_116] : memref<10112x32xf32, #tpu.memory_space<vmem_shared>> -> memref<10112x32xf32, #tpu.memory_space<vmem_shared>>
        tpu.enqueue_indirect_dma source(%arg8 : memref<128x32xf32, #tpu.memory_space<vmem>>) target(%dma_start3A_117 : memref<10112x32xf32, #tpu.memory_space<vmem_shared>>) offsets(%dma_start3A_114 : memref<128xi32, #tpu.memory_space<vmem>>) semaphore(%arg10 : memref<!tpu.dma_semaphore, #tpu.memory_space<semaphore_mem>>) {add = true}
        %dma_start3A_118 = arith.constant 3 : i32
        %dma_start3A_119 = arith.constant 0 : i32
        %dma_start3A_120 = tpu.memref_slice %arg6[%dma_start3A_118, %dma_start3A_119] : memref<8x128xi32, #tpu.memory_space<vmem>> -> memref<1x128xi32, #tpu.memory_space<vmem>>
        %dma_start3A_121 = tpu.memref_squeeze %dma_start3A_120 : memref<1x128xi32, #tpu.memory_space<vmem>> -> memref<128xi32, #tpu.memory_space<vmem>>
        %dma_start3A_122 = arith.constant 0 : i32
        %dma_start3A_123 = arith.constant 0 : i32
        %dma_start3A_124 = tpu.memref_slice %arg9[%dma_start3A_122, %dma_start3A_123] : memref<10112x32xf32, #tpu.memory_space<vmem_shared>> -> memref<10112x32xf32, #tpu.memory_space<vmem_shared>>
        tpu.enqueue_indirect_dma source(%arg8 : memref<128x32xf32, #tpu.memory_space<vmem>>) target(%dma_start3A_124 : memref<10112x32xf32, #tpu.memory_space<vmem_shared>>) offsets(%dma_start3A_121 : memref<128xi32, #tpu.memory_space<vmem>>) semaphore(%arg10 : memref<!tpu.dma_semaphore, #tpu.memory_space<semaphore_mem>>) {add = true}
        %dma_start3A_125 = arith.constant 4 : i32
        %dma_start3A_126 = arith.constant 0 : i32
        %dma_start3A_127 = tpu.memref_slice %arg6[%dma_start3A_125, %dma_start3A_126] : memref<8x128xi32, #tpu.memory_space<vmem>> -> memref<1x128xi32, #tpu.memory_space<vmem>>
        %dma_start3A_128 = tpu.memref_squeeze %dma_start3A_127 : memref<1x128xi32, #tpu.memory_space<vmem>> -> memref<128xi32, #tpu.memory_space<vmem>>
        %dma_start3A_129 = arith.constant 0 : i32
        %dma_start3A_130 = arith.constant 0 : i32
        %dma_start3A_131 = tpu.memref_slice %arg9[%dma_start3A_129, %dma_start3A_130] : memref<10112x32xf32, #tpu.memory_space<vmem_shared>> -> memref<10112x32xf32, #tpu.memory_space<vmem_shared>>
        tpu.enqueue_indirect_dma source(%arg8 : memref<128x32xf32, #tpu.memory_space<vmem>>) target(%dma_start3A_131 : memref<10112x32xf32, #tpu.memory_space<vmem_shared>>) offsets(%dma_start3A_128 : memref<128xi32, #tpu.memory_space<vmem>>) semaphore(%arg10 : memref<!tpu.dma_semaphore, #tpu.memory_space<semaphore_mem>>) {add = true}
        %dma_start3A_132 = arith.constant 5 : i32
        %dma_start3A_133 = arith.constant 0 : i32
        %dma_start3A_134 = tpu.memref_slice %arg6[%dma_start3A_132, %dma_start3A_133] : memref<8x128xi32, #tpu.memory_space<vmem>> -> memref<1x128xi32, #tpu.memory_space<vmem>>
        %dma_start3A_135 = tpu.memref_squeeze %dma_start3A_134 : memref<1x128xi32, #tpu.memory_space<vmem>> -> memref<128xi32, #tpu.memory_space<vmem>>
        %dma_start3A_136 = arith.constant 0 : i32
        %dma_start3A_137 = arith.constant 0 : i32
        %dma_start3A_138 = tpu.memref_slice %arg9[%dma_start3A_136, %dma_start3A_137] : memref<10112x32xf32, #tpu.memory_space<vmem_shared>> -> memref<10112x32xf32, #tpu.memory_space<vmem_shared>>
        tpu.enqueue_indirect_dma source(%arg8 : memref<128x32xf32, #tpu.memory_space<vmem>>) target(%dma_start3A_138 : memref<10112x32xf32, #tpu.memory_space<vmem_shared>>) offsets(%dma_start3A_135 : memref<128xi32, #tpu.memory_space<vmem>>) semaphore(%arg10 : memref<!tpu.dma_semaphore, #tpu.memory_space<semaphore_mem>>) {add = true}
        %dma_start3A_139 = arith.constant 6 : i32
        %dma_start3A_140 = arith.constant 0 : i32
        %dma_start3A_141 = tpu.memref_slice %arg6[%dma_start3A_139, %dma_start3A_140] : memref<8x128xi32, #tpu.memory_space<vmem>> -> memref<1x128xi32, #tpu.memory_space<vmem>>
        %dma_start3A_142 = tpu.memref_squeeze %dma_start3A_141 : memref<1x128xi32, #tpu.memory_space<vmem>> -> memref<128xi32, #tpu.memory_space<vmem>>
        %dma_start3A_143 = arith.constant 0 : i32
        %dma_start3A_144 = arith.constant 0 : i32
        %dma_start3A_145 = tpu.memref_slice %arg9[%dma_start3A_143, %dma_start3A_144] : memref<10112x32xf32, #tpu.memory_space<vmem_shared>> -> memref<10112x32xf32, #tpu.memory_space<vmem_shared>>
        tpu.enqueue_indirect_dma source(%arg8 : memref<128x32xf32, #tpu.memory_space<vmem>>) target(%dma_start3A_145 : memref<10112x32xf32, #tpu.memory_space<vmem_shared>>) offsets(%dma_start3A_142 : memref<128xi32, #tpu.memory_space<vmem>>) semaphore(%arg10 : memref<!tpu.dma_semaphore, #tpu.memory_space<semaphore_mem>>) {add = true}
        %dma_start3A_146 = arith.constant 7 : i32
        %dma_start3A_147 = arith.constant 0 : i32
        %dma_start3A_148 = tpu.memref_slice %arg6[%dma_start3A_146, %dma_start3A_147] : memref<8x128xi32, #tpu.memory_space<vmem>> -> memref<1x128xi32, #tpu.memory_space<vmem>>
        %dma_start3A_149 = tpu.memref_squeeze %dma_start3A_148 : memref<1x128xi32, #tpu.memory_space<vmem>> -> memref<128xi32, #tpu.memory_space<vmem>>
        %dma_start3A_150 = arith.constant 0 : i32
        %dma_start3A_151 = arith.constant 0 : i32
        %dma_start3A_152 = tpu.memref_slice %arg9[%dma_start3A_150, %dma_start3A_151] : memref<10112x32xf32, #tpu.memory_space<vmem_shared>> -> memref<10112x32xf32, #tpu.memory_space<vmem_shared>>
        tpu.enqueue_indirect_dma source(%arg8 : memref<128x32xf32, #tpu.memory_space<vmem>>) target(%dma_start3A_152 : memref<10112x32xf32, #tpu.memory_space<vmem_shared>>) offsets(%dma_start3A_149 : memref<128xi32, #tpu.memory_space<vmem>>) semaphore(%arg10 : memref<!tpu.dma_semaphore, #tpu.memory_space<semaphore_mem>>) {add = true}
      } else {
      }
      %jit3A_76 = arith.constant 2 : i32
      %eq3A_77 = arith.constant 0 : i32
      %eq3A_78 = arith.cmpi eq, %jit3A_76, %eq3A_77 : i32
      %jit3A_79 = arith.constant 1 : i32
      %select_n3A_80 = arith.select %eq3A_78, %jit3A_79, %jit3A_76 : i32
      %rem3A_81 = arith.remsi %scan3A_10, %select_n3A_80 : i32
      %ne3A_82 = arith.constant 0 : i32
      %ne3A_83 = arith.cmpi ne, %rem3A_81, %ne3A_82 : i32
      %lt3A_84 = arith.constant 0 : i32
      %lt3A_85 = arith.cmpi slt, %rem3A_81, %lt3A_84 : i32
      %lt3A_86 = arith.constant 0 : i32
      %lt3A_87 = arith.cmpi slt, %select_n3A_80, %lt3A_86 : i32
      %ne3A_88 = arith.xori %lt3A_85, %lt3A_87 : i1
      %and3A_89 = arith.andi %ne3A_88, %ne3A_83 : i1
      %add3A_90 = arith.addi %rem3A_81, %select_n3A_80 : i32
      %select_n3A_91 = arith.select %and3A_89, %add3A_90, %rem3A_81 : i32
      %eq3A_92 = arith.constant 1 : i32
      %eq3A_93 = arith.cmpi eq, %select_n3A_91, %eq3A_92 : i32
      %convert_element_type3A_94 = arith.extui %eq3A_93 : i1 to i32
      %cond3A_95 = arith.constant 0 : i32
      %cond3A_96 = arith.cmpi ne, %convert_element_type3A_94, %cond3A_95 : i32
      scf.if %cond3A_96 {
        %dma_start3A = arith.constant 0 : i32
        %dma_start3A_98 = arith.constant 0 : i32
        %dma_start3A_99 = tpu.memref_slice %arg7[%dma_start3A, %dma_start3A_98] : memref<8x128xi32, #tpu.memory_space<vmem>> -> memref<1x128xi32, #tpu.memory_space<vmem>>
        %dma_start3A_100 = tpu.memref_squeeze %dma_start3A_99 : memref<1x128xi32, #tpu.memory_space<vmem>> -> memref<128xi32, #tpu.memory_space<vmem>>
        %dma_start3A_101 = arith.constant 0 : i32
        %dma_start3A_102 = arith.constant 0 : i32
        %dma_start3A_103 = tpu.memref_slice %arg9[%dma_start3A_101, %dma_start3A_102] : memref<10112x32xf32, #tpu.memory_space<vmem_shared>> -> memref<10112x32xf32, #tpu.memory_space<vmem_shared>>
        tpu.enqueue_indirect_dma source(%arg8 : memref<128x32xf32, #tpu.memory_space<vmem>>) target(%dma_start3A_103 : memref<10112x32xf32, #tpu.memory_space<vmem_shared>>) offsets(%dma_start3A_100 : memref<128xi32, #tpu.memory_space<vmem>>) semaphore(%arg10 : memref<!tpu.dma_semaphore, #tpu.memory_space<semaphore_mem>>) {add = true}
        %dma_start3A_104 = arith.constant 1 : i32
        %dma_start3A_105 = arith.constant 0 : i32
        %dma_start3A_106 = tpu.memref_slice %arg7[%dma_start3A_104, %dma_start3A_105] : memref<8x128xi32, #tpu.memory_space<vmem>> -> memref<1x128xi32, #tpu.memory_space<vmem>>
        %dma_start3A_107 = tpu.memref_squeeze %dma_start3A_106 : memref<1x128xi32, #tpu.memory_space<vmem>> -> memref<128xi32, #tpu.memory_space<vmem>>
        %dma_start3A_108 = arith.constant 0 : i32
        %dma_start3A_109 = arith.constant 0 : i32
        %dma_start3A_110 = tpu.memref_slice %arg9[%dma_start3A_108, %dma_start3A_109] : memref<10112x32xf32, #tpu.memory_space<vmem_shared>> -> memref<10112x32xf32, #tpu.memory_space<vmem_shared>>
        tpu.enqueue_indirect_dma source(%arg8 : memref<128x32xf32, #tpu.memory_space<vmem>>) target(%dma_start3A_110 : memref<10112x32xf32, #tpu.memory_space<vmem_shared>>) offsets(%dma_start3A_107 : memref<128xi32, #tpu.memory_space<vmem>>) semaphore(%arg10 : memref<!tpu.dma_semaphore, #tpu.memory_space<semaphore_mem>>) {add = true}
        %dma_start3A_111 = arith.constant 2 : i32
        %dma_start3A_112 = arith.constant 0 : i32
        %dma_start3A_113 = tpu.memref_slice %arg7[%dma_start3A_111, %dma_start3A_112] : memref<8x128xi32, #tpu.memory_space<vmem>> -> memref<1x128xi32, #tpu.memory_space<vmem>>
        %dma_start3A_114 = tpu.memref_squeeze %dma_start3A_113 : memref<1x128xi32, #tpu.memory_space<vmem>> -> memref<128xi32, #tpu.memory_space<vmem>>
        %dma_start3A_115 = arith.constant 0 : i32
        %dma_start3A_116 = arith.constant 0 : i32
        %dma_start3A_117 = tpu.memref_slice %arg9[%dma_start3A_115, %dma_start3A_116] : memref<10112x32xf32, #tpu.memory_space<vmem_shared>> -> memref<10112x32xf32, #tpu.memory_space<vmem_shared>>
        tpu.enqueue_indirect_dma source(%arg8 : memref<128x32xf32, #tpu.memory_space<vmem>>) target(%dma_start3A_117 : memref<10112x32xf32, #tpu.memory_space<vmem_shared>>) offsets(%dma_start3A_114 : memref<128xi32, #tpu.memory_space<vmem>>) semaphore(%arg10 : memref<!tpu.dma_semaphore, #tpu.memory_space<semaphore_mem>>) {add = true}
        %dma_start3A_118 = arith.constant 3 : i32
        %dma_start3A_119 = arith.constant 0 : i32
        %dma_start3A_120 = tpu.memref_slice %arg7[%dma_start3A_118, %dma_start3A_119] : memref<8x128xi32, #tpu.memory_space<vmem>> -> memref<1x128xi32, #tpu.memory_space<vmem>>
        %dma_start3A_121 = tpu.memref_squeeze %dma_start3A_120 : memref<1x128xi32, #tpu.memory_space<vmem>> -> memref<128xi32, #tpu.memory_space<vmem>>
        %dma_start3A_122 = arith.constant 0 : i32
        %dma_start3A_123 = arith.constant 0 : i32
        %dma_start3A_124 = tpu.memref_slice %arg9[%dma_start3A_122, %dma_start3A_123] : memref<10112x32xf32, #tpu.memory_space<vmem_shared>> -> memref<10112x32xf32, #tpu.memory_space<vmem_shared>>
        tpu.enqueue_indirect_dma source(%arg8 : memref<128x32xf32, #tpu.memory_space<vmem>>) target(%dma_start3A_124 : memref<10112x32xf32, #tpu.memory_space<vmem_shared>>) offsets(%dma_start3A_121 : memref<128xi32, #tpu.memory_space<vmem>>) semaphore(%arg10 : memref<!tpu.dma_semaphore, #tpu.memory_space<semaphore_mem>>) {add = true}
        %dma_start3A_125 = arith.constant 4 : i32
        %dma_start3A_126 = arith.constant 0 : i32
        %dma_start3A_127 = tpu.memref_slice %arg7[%dma_start3A_125, %dma_start3A_126] : memref<8x128xi32, #tpu.memory_space<vmem>> -> memref<1x128xi32, #tpu.memory_space<vmem>>
        %dma_start3A_128 = tpu.memref_squeeze %dma_start3A_127 : memref<1x128xi32, #tpu.memory_space<vmem>> -> memref<128xi32, #tpu.memory_space<vmem>>
        %dma_start3A_129 = arith.constant 0 : i32
        %dma_start3A_130 = arith.constant 0 : i32
        %dma_start3A_131 = tpu.memref_slice %arg9[%dma_start3A_129, %dma_start3A_130] : memref<10112x32xf32, #tpu.memory_space<vmem_shared>> -> memref<10112x32xf32, #tpu.memory_space<vmem_shared>>
        tpu.enqueue_indirect_dma source(%arg8 : memref<128x32xf32, #tpu.memory_space<vmem>>) target(%dma_start3A_131 : memref<10112x32xf32, #tpu.memory_space<vmem_shared>>) offsets(%dma_start3A_128 : memref<128xi32, #tpu.memory_space<vmem>>) semaphore(%arg10 : memref<!tpu.dma_semaphore, #tpu.memory_space<semaphore_mem>>) {add = true}
        %dma_start3A_132 = arith.constant 5 : i32
        %dma_start3A_133 = arith.constant 0 : i32
        %dma_start3A_134 = tpu.memref_slice %arg7[%dma_start3A_132, %dma_start3A_133] : memref<8x128xi32, #tpu.memory_space<vmem>> -> memref<1x128xi32, #tpu.memory_space<vmem>>
        %dma_start3A_135 = tpu.memref_squeeze %dma_start3A_134 : memref<1x128xi32, #tpu.memory_space<vmem>> -> memref<128xi32, #tpu.memory_space<vmem>>
        %dma_start3A_136 = arith.constant 0 : i32
        %dma_start3A_137 = arith.constant 0 : i32
        %dma_start3A_138 = tpu.memref_slice %arg9[%dma_start3A_136, %dma_start3A_137] : memref<10112x32xf32, #tpu.memory_space<vmem_shared>> -> memref<10112x32xf32, #tpu.memory_space<vmem_shared>>
        tpu.enqueue_indirect_dma source(%arg8 : memref<128x32xf32, #tpu.memory_space<vmem>>) target(%dma_start3A_138 : memref<10112x32xf32, #tpu.memory_space<vmem_shared>>) offsets(%dma_start3A_135 : memref<128xi32, #tpu.memory_space<vmem>>) semaphore(%arg10 : memref<!tpu.dma_semaphore, #tpu.memory_space<semaphore_mem>>) {add = true}
        %dma_start3A_139 = arith.constant 6 : i32
        %dma_start3A_140 = arith.constant 0 : i32
        %dma_start3A_141 = tpu.memref_slice %arg7[%dma_start3A_139, %dma_start3A_140] : memref<8x128xi32, #tpu.memory_space<vmem>> -> memref<1x128xi32, #tpu.memory_space<vmem>>
        %dma_start3A_142 = tpu.memref_squeeze %dma_start3A_141 : memref<1x128xi32, #tpu.memory_space<vmem>> -> memref<128xi32, #tpu.memory_space<vmem>>
        %dma_start3A_143 = arith.constant 0 : i32
        %dma_start3A_144 = arith.constant 0 : i32
        %dma_start3A_145 = tpu.memref_slice %arg9[%dma_start3A_143, %dma_start3A_144] : memref<10112x32xf32, #tpu.memory_space<vmem_shared>> -> memref<10112x32xf32, #tpu.memory_space<vmem_shared>>
        tpu.enqueue_indirect_dma source(%arg8 : memref<128x32xf32, #tpu.memory_space<vmem>>) target(%dma_start3A_145 : memref<10112x32xf32, #tpu.memory_space<vmem_shared>>) offsets(%dma_start3A_142 : memref<128xi32, #tpu.memory_space<vmem>>) semaphore(%arg10 : memref<!tpu.dma_semaphore, #tpu.memory_space<semaphore_mem>>) {add = true}
        %dma_start3A_146 = arith.constant 7 : i32
        %dma_start3A_147 = arith.constant 0 : i32
        %dma_start3A_148 = tpu.memref_slice %arg7[%dma_start3A_146, %dma_start3A_147] : memref<8x128xi32, #tpu.memory_space<vmem>> -> memref<1x128xi32, #tpu.memory_space<vmem>>
        %dma_start3A_149 = tpu.memref_squeeze %dma_start3A_148 : memref<1x128xi32, #tpu.memory_space<vmem>> -> memref<128xi32, #tpu.memory_space<vmem>>
        %dma_start3A_150 = arith.constant 0 : i32
        %dma_start3A_151 = arith.constant 0 : i32
        %dma_start3A_152 = tpu.memref_slice %arg9[%dma_start3A_150, %dma_start3A_151] : memref<10112x32xf32, #tpu.memory_space<vmem_shared>> -> memref<10112x32xf32, #tpu.memory_space<vmem_shared>>
        tpu.enqueue_indirect_dma source(%arg8 : memref<128x32xf32, #tpu.memory_space<vmem>>) target(%dma_start3A_152 : memref<10112x32xf32, #tpu.memory_space<vmem_shared>>) offsets(%dma_start3A_149 : memref<128xi32, #tpu.memory_space<vmem>>) semaphore(%arg10 : memref<!tpu.dma_semaphore, #tpu.memory_space<semaphore_mem>>) {add = true}
      } else {
      }
      %scan3A_97 = arith.constant 0 : i32
      scf.yield %scan3A_97 : i32
    }
    %scan3A_8 = arith.constant 10 : i32
    tpu.wait_dma2 semaphore(%arg10 : memref<!tpu.dma_semaphore, #tpu.memory_space<semaphore_mem>>) src(%arg3 : memref<128x32xf32, #tpu.memory_space<hbm>>) dst(%arg8 : memref<128x32xf32, #tpu.memory_space<vmem>>)
    tpu.wait_dma2 semaphore(%arg10 : memref<!tpu.dma_semaphore, #tpu.memory_space<semaphore_mem>>) src(%arg3 : memref<128x32xf32, #tpu.memory_space<hbm>>) dst(%arg8 : memref<128x32xf32, #tpu.memory_space<vmem>>)
    tpu.wait_dma2 semaphore(%arg10 : memref<!tpu.dma_semaphore, #tpu.memory_space<semaphore_mem>>) src(%arg3 : memref<128x32xf32, #tpu.memory_space<hbm>>) dst(%arg8 : memref<128x32xf32, #tpu.memory_space<vmem>>)
    tpu.wait_dma2 semaphore(%arg10 : memref<!tpu.dma_semaphore, #tpu.memory_space<semaphore_mem>>) src(%arg3 : memref<128x32xf32, #tpu.memory_space<hbm>>) dst(%arg8 : memref<128x32xf32, #tpu.memory_space<vmem>>)
    tpu.wait_dma2 semaphore(%arg10 : memref<!tpu.dma_semaphore, #tpu.memory_space<semaphore_mem>>) src(%arg3 : memref<128x32xf32, #tpu.memory_space<hbm>>) dst(%arg8 : memref<128x32xf32, #tpu.memory_space<vmem>>)
    tpu.wait_dma2 semaphore(%arg10 : memref<!tpu.dma_semaphore, #tpu.memory_space<semaphore_mem>>) src(%arg3 : memref<128x32xf32, #tpu.memory_space<hbm>>) dst(%arg8 : memref<128x32xf32, #tpu.memory_space<vmem>>)
    tpu.wait_dma2 semaphore(%arg10 : memref<!tpu.dma_semaphore, #tpu.memory_space<semaphore_mem>>) src(%arg3 : memref<128x32xf32, #tpu.memory_space<hbm>>) dst(%arg8 : memref<128x32xf32, #tpu.memory_space<vmem>>)
    tpu.wait_dma2 semaphore(%arg10 : memref<!tpu.dma_semaphore, #tpu.memory_space<semaphore_mem>>) src(%arg3 : memref<128x32xf32, #tpu.memory_space<hbm>>) dst(%arg8 : memref<128x32xf32, #tpu.memory_space<vmem>>)
    tpu.wait_dma2 semaphore(%arg10 : memref<!tpu.dma_semaphore, #tpu.memory_space<semaphore_mem>>) src(%arg3 : memref<128x32xf32, #tpu.memory_space<hbm>>) dst(%arg8 : memref<128x32xf32, #tpu.memory_space<vmem>>)
    tpu.wait_dma2 semaphore(%arg10 : memref<!tpu.dma_semaphore, #tpu.memory_space<semaphore_mem>>) src(%arg3 : memref<128x32xf32, #tpu.memory_space<hbm>>) dst(%arg8 : memref<128x32xf32, #tpu.memory_space<vmem>>)
    tpu.wait_dma2 semaphore(%arg10 : memref<!tpu.dma_semaphore, #tpu.memory_space<semaphore_mem>>) src(%arg3 : memref<128x32xf32, #tpu.memory_space<hbm>>) dst(%arg8 : memref<128x32xf32, #tpu.memory_space<vmem>>)
    tpu.wait_dma2 semaphore(%arg10 : memref<!tpu.dma_semaphore, #tpu.memory_space<semaphore_mem>>) src(%arg3 : memref<128x32xf32, #tpu.memory_space<hbm>>) dst(%arg8 : memref<128x32xf32, #tpu.memory_space<vmem>>)
    tpu.wait_dma2 semaphore(%arg10 : memref<!tpu.dma_semaphore, #tpu.memory_space<semaphore_mem>>) src(%arg3 : memref<128x32xf32, #tpu.memory_space<hbm>>) dst(%arg8 : memref<128x32xf32, #tpu.memory_space<vmem>>)
    tpu.wait_dma2 semaphore(%arg10 : memref<!tpu.dma_semaphore, #tpu.memory_space<semaphore_mem>>) src(%arg3 : memref<128x32xf32, #tpu.memory_space<hbm>>) dst(%arg8 : memref<128x32xf32, #tpu.memory_space<vmem>>)
    tpu.wait_dma2 semaphore(%arg10 : memref<!tpu.dma_semaphore, #tpu.memory_space<semaphore_mem>>) src(%arg3 : memref<128x32xf32, #tpu.memory_space<hbm>>) dst(%arg8 : memref<128x32xf32, #tpu.memory_space<vmem>>)
    tpu.wait_dma2 semaphore(%arg10 : memref<!tpu.dma_semaphore, #tpu.memory_space<semaphore_mem>>) src(%arg3 : memref<128x32xf32, #tpu.memory_space<hbm>>) dst(%arg8 : memref<128x32xf32, #tpu.memory_space<vmem>>)
    %barrier3A_9 = arith.constant 0 : index
    tpu.barrier barrier_id(%barrier3A_9)
    "tpu.region"() ({
      %run_scoped3A = tpu.sem_alloc : memref<!tpu.dma_semaphore, #tpu.memory_space<semaphore_mem>>
      %dma_start3A = arith.constant 0 : i32
      %dma_start3A_10 = tpu.memref_slice %arg5[%arg0, %mul3A_2, %dma_start3A] : memref<2x10112x32xf32, #tpu.memory_space<hbm>> -> memref<1x632x32xf32, #tpu.memory_space<hbm>>
      %dma_start3A_11 = tpu.memref_squeeze %dma_start3A_10 : memref<1x632x32xf32, #tpu.memory_space<hbm>> -> memref<632x32xf32, #tpu.memory_space<hbm>>
      %dma_start3A_12 = arith.constant 0 : i32
      %dma_start3A_13 = tpu.memref_slice %arg9[%mul3A_2, %dma_start3A_12] : memref<10112x32xf32, #tpu.memory_space<vmem_shared>> -> memref<632x32xf32, #tpu.memory_space<vmem_shared>>
      tpu.enqueue_dma source(%dma_start3A_13 : memref<632x32xf32, #tpu.memory_space<vmem_shared>>) target(%dma_start3A_11 : memref<632x32xf32, #tpu.memory_space<hbm>>) target_semaphore(%run_scoped3A : memref<!tpu.dma_semaphore, #tpu.memory_space<semaphore_mem>>)
      %dma_wait3A = arith.constant 0 : i32
      %dma_wait3A_14 = tpu.memref_slice %arg5[%arg0, %mul3A_2, %dma_wait3A] : memref<2x10112x32xf32, #tpu.memory_space<hbm>> -> memref<1x632x32xf32, #tpu.memory_space<hbm>>
      %dma_wait3A_15 = tpu.memref_squeeze %dma_wait3A_14 : memref<1x632x32xf32, #tpu.memory_space<hbm>> -> memref<632x32xf32, #tpu.memory_space<hbm>>
      %dma_wait3A_16 = arith.constant 0 : i32
      %dma_wait3A_17 = tpu.memref_slice %arg9[%mul3A_2, %dma_wait3A_16] : memref<10112x32xf32, #tpu.memory_space<vmem_shared>> -> memref<632x32xf32, #tpu.memory_space<vmem_shared>>
      tpu.wait_dma2 semaphore(%run_scoped3A : memref<!tpu.dma_semaphore, #tpu.memory_space<semaphore_mem>>) src(%dma_wait3A_17 : memref<632x32xf32, #tpu.memory_space<vmem_shared>>) dst(%dma_wait3A_15 : memref<632x32xf32, #tpu.memory_space<hbm>>)
      tpu.yield
    }) : () -> ()
    return
  }
}

#map = affine_map<(d0, d1) -> (0, 0)>
#map1 = affine_map<(d0, d1) -> (0, 0, 0)>
module attributes {stable_mosaic.version = 14 : i64} {
  func.func @edge_kernel(%arg0: i32, %arg1: i32, %arg2: memref<10000x64xf32, #tpu.memory_space<hbm>>, %arg3: memref<2560x128xi32, #tpu.memory_space<hbm>>, %arg4: memref<2560x128xi32, #tpu.memory_space<hbm>>, %arg5: memref<632x64xf32, #tpu.memory_space<hbm>>, %arg6: memref<2x10112x64xf32, #tpu.memory_space<hbm>>, %arg7: memref<8x128xi32, #tpu.memory_space<vmem>>, %arg8: memref<8x128xi32, #tpu.memory_space<vmem>>, %arg9: memref<128x64xf32, #tpu.memory_space<vmem>>, %arg10: memref<128x64xf32, #tpu.memory_space<vmem>>, %arg11: memref<10112x64xf32, #tpu.memory_space<vmem_shared>>, %arg12: memref<!tpu.dma_semaphore, #tpu.memory_space<semaphore_mem>>, %arg13: memref<!tpu.dma_semaphore, #tpu.memory_space<semaphore_mem>>, %arg14: memref<!tpu.dma_semaphore, #tpu.memory_space<semaphore_mem>>, %arg15: memref<!tpu.dma_semaphore, #tpu.memory_space<semaphore_mem>>) attributes {dimension_semantics = [#tpu.dimension_semantics<core_parallel>, #tpu.dimension_semantics<subcore_parallel>], iteration_bounds = array<i64: 2, 16>, scalar_prefetch = 0 : i64, scratch_operands = 9 : i64, tpu.core_type = #tpu.core_type<sc_vector_subcore>, window_params = [{transform_indices = #map}, {transform_indices = #map}, {transform_indices = #map}, {transform_indices = #map}, {transform_indices = #map1}]} {
    %mul3A = arith.constant 16 : i32
    %mul3A_0 = arith.muli %arg0, %mul3A : i32
    %add3A = arith.addi %mul3A_0, %arg1 : i32
    %mul3A_1 = arith.constant 632 : i32
    %mul3A_2 = arith.muli %arg1, %mul3A_1 : i32
    "tpu.region"() ({
      %run_scoped3A = tpu.sem_alloc : memref<!tpu.dma_semaphore, #tpu.memory_space<semaphore_mem>>
      %dma_start3A = arith.constant 0 : i32
      %dma_start3A_21 = tpu.memref_slice %arg11[%mul3A_2, %dma_start3A] : memref<10112x64xf32, #tpu.memory_space<vmem_shared>> -> memref<632x64xf32, #tpu.memory_space<vmem_shared>>
      tpu.enqueue_dma source(%arg5 : memref<632x64xf32, #tpu.memory_space<hbm>>) target(%dma_start3A_21 : memref<632x64xf32, #tpu.memory_space<vmem_shared>>) target_semaphore(%run_scoped3A : memref<!tpu.dma_semaphore, #tpu.memory_space<semaphore_mem>>)
      %dma_wait3A_22 = arith.constant 0 : i32
      %dma_wait3A_23 = tpu.memref_slice %arg11[%mul3A_2, %dma_wait3A_22] : memref<10112x64xf32, #tpu.memory_space<vmem_shared>> -> memref<632x64xf32, #tpu.memory_space<vmem_shared>>
      tpu.wait_dma2 semaphore(%run_scoped3A : memref<!tpu.dma_semaphore, #tpu.memory_space<semaphore_mem>>) src(%arg5 : memref<632x64xf32, #tpu.memory_space<hbm>>) dst(%dma_wait3A_23 : memref<632x64xf32, #tpu.memory_space<vmem_shared>>)
      tpu.yield
    }) : () -> ()
    %barrier3A = arith.constant 0 : index
    tpu.barrier barrier_id(%barrier3A)
    %scan3A = arith.constant 0 : i32
    %scan3A_3 = arith.constant 0 : i32
    %scan3A_4 = arith.constant 10 : i32
    %scan3A_5 = arith.addi %scan3A_3, %scan3A_4 : i32
    %scan3A_6 = arith.constant 1 : i32
    %scan3A_7 = scf.for %scan3A_21 = %scan3A_3 to %scan3A_5 step %scan3A_6 iter_args(%scan3A_22 = %scan3A) -> (i32)  : i32 {
      %mul3A_23 = arith.constant 80 : i32
      %mul3A_24 = arith.muli %add3A, %mul3A_23 : i32
      %mul3A_25 = arith.constant 8 : i32
      %mul3A_26 = arith.muli %scan3A_21, %mul3A_25 : i32
      %add3A_27 = arith.addi %mul3A_24, %mul3A_26 : i32
      "tpu.region"() ({
        %run_scoped3A = tpu.sem_alloc : memref<!tpu.dma_semaphore, #tpu.memory_space<semaphore_mem>>
        %dma_start3A_244 = arith.constant 0 : i32
        %dma_start3A_245 = tpu.memref_slice %arg3[%add3A_27, %dma_start3A_244] : memref<2560x128xi32, #tpu.memory_space<hbm>> -> memref<8x128xi32, #tpu.memory_space<hbm>>
        %dma_start3A_246 = arith.constant 0 : i32
        %dma_start3A_247 = tpu.memref_slice %arg3[%add3A_27, %dma_start3A_246] : memref<2560x128xi32, #tpu.memory_space<hbm>> -> memref<8x128xi32, #tpu.memory_space<hbm>>
        tpu.enqueue_dma source(%dma_start3A_247 : memref<8x128xi32, #tpu.memory_space<hbm>>) target(%arg7 : memref<8x128xi32, #tpu.memory_space<vmem>>) target_semaphore(%run_scoped3A : memref<!tpu.dma_semaphore, #tpu.memory_space<semaphore_mem>>)
        %dma_wait3A_248 = arith.constant 0 : i32
        %dma_wait3A_249 = tpu.memref_slice %arg3[%add3A_27, %dma_wait3A_248] : memref<2560x128xi32, #tpu.memory_space<hbm>> -> memref<8x128xi32, #tpu.memory_space<hbm>>
        %dma_wait3A_250 = arith.constant 0 : i32
        %dma_wait3A_251 = tpu.memref_slice %arg3[%add3A_27, %dma_wait3A_250] : memref<2560x128xi32, #tpu.memory_space<hbm>> -> memref<8x128xi32, #tpu.memory_space<hbm>>
        tpu.wait_dma2 semaphore(%run_scoped3A : memref<!tpu.dma_semaphore, #tpu.memory_space<semaphore_mem>>) src(%dma_wait3A_251 : memref<8x128xi32, #tpu.memory_space<hbm>>) dst(%arg7 : memref<8x128xi32, #tpu.memory_space<vmem>>)
        tpu.yield
      }) : () -> ()
      %mul3A_28 = arith.constant 80 : i32
      %mul3A_29 = arith.muli %add3A, %mul3A_28 : i32
      %mul3A_30 = arith.constant 8 : i32
      %mul3A_31 = arith.muli %scan3A_21, %mul3A_30 : i32
      %add3A_32 = arith.addi %mul3A_29, %mul3A_31 : i32
      "tpu.region"() ({
        %run_scoped3A = tpu.sem_alloc : memref<!tpu.dma_semaphore, #tpu.memory_space<semaphore_mem>>
        %dma_start3A_244 = arith.constant 0 : i32
        %dma_start3A_245 = tpu.memref_slice %arg4[%add3A_32, %dma_start3A_244] : memref<2560x128xi32, #tpu.memory_space<hbm>> -> memref<8x128xi32, #tpu.memory_space<hbm>>
        %dma_start3A_246 = arith.constant 0 : i32
        %dma_start3A_247 = tpu.memref_slice %arg4[%add3A_32, %dma_start3A_246] : memref<2560x128xi32, #tpu.memory_space<hbm>> -> memref<8x128xi32, #tpu.memory_space<hbm>>
        tpu.enqueue_dma source(%dma_start3A_247 : memref<8x128xi32, #tpu.memory_space<hbm>>) target(%arg8 : memref<8x128xi32, #tpu.memory_space<vmem>>) target_semaphore(%run_scoped3A : memref<!tpu.dma_semaphore, #tpu.memory_space<semaphore_mem>>)
        %dma_wait3A_248 = arith.constant 0 : i32
        %dma_wait3A_249 = tpu.memref_slice %arg4[%add3A_32, %dma_wait3A_248] : memref<2560x128xi32, #tpu.memory_space<hbm>> -> memref<8x128xi32, #tpu.memory_space<hbm>>
        %dma_wait3A_250 = arith.constant 0 : i32
        %dma_wait3A_251 = tpu.memref_slice %arg4[%add3A_32, %dma_wait3A_250] : memref<2560x128xi32, #tpu.memory_space<hbm>> -> memref<8x128xi32, #tpu.memory_space<hbm>>
        tpu.wait_dma2 semaphore(%run_scoped3A : memref<!tpu.dma_semaphore, #tpu.memory_space<semaphore_mem>>) src(%dma_wait3A_251 : memref<8x128xi32, #tpu.memory_space<hbm>>) dst(%arg8 : memref<8x128xi32, #tpu.memory_space<vmem>>)
        tpu.yield
      }) : () -> ()
      %gt3A = arith.constant 0 : i32
      %gt3A_33 = arith.cmpi sgt, %scan3A_21, %gt3A : i32
      %convert_element_type3A = arith.extui %gt3A_33 : i1 to i32
      %cond3A = arith.constant 0 : i32
      %cond3A_34 = arith.cmpi ne, %convert_element_type3A, %cond3A : i32
      scf.if %cond3A_34 {
        %dma_wait3A_244 = arith.constant 0 : i32
        %dma_wait3A_245 = arith.constant 0 : i32
        %dma_wait3A_246 = tpu.memref_slice %arg2[%dma_wait3A_244, %dma_wait3A_245] : memref<10000x64xf32, #tpu.memory_space<hbm>> -> memref<128x64xf32, #tpu.memory_space<hbm>>
        %dma_wait3A_247 = arith.constant 0 : i32
        %dma_wait3A_248 = arith.constant 0 : i32
        %dma_wait3A_249 = tpu.memref_slice %arg2[%dma_wait3A_247, %dma_wait3A_248] : memref<10000x64xf32, #tpu.memory_space<hbm>> -> memref<128x64xf32, #tpu.memory_space<hbm>>
        tpu.wait_dma2 semaphore(%arg14 : memref<!tpu.dma_semaphore, #tpu.memory_space<semaphore_mem>>) src(%dma_wait3A_249 : memref<128x64xf32, #tpu.memory_space<hbm>>) dst(%arg9 : memref<128x64xf32, #tpu.memory_space<vmem>>)
      } else {
      }
      %dma_start3A = arith.constant 0 : i32
      %dma_start3A_35 = arith.constant 0 : i32
      %dma_start3A_36 = tpu.memref_slice %arg7[%dma_start3A, %dma_start3A_35] : memref<8x128xi32, #tpu.memory_space<vmem>> -> memref<1x128xi32, #tpu.memory_space<vmem>>
      %dma_start3A_37 = tpu.memref_squeeze %dma_start3A_36 : memref<1x128xi32, #tpu.memory_space<vmem>> -> memref<128xi32, #tpu.memory_space<vmem>>
      %dma_start3A_38 = arith.constant 0 : i32
      %dma_start3A_39 = arith.constant 0 : i32
      %dma_start3A_40 = tpu.memref_slice %arg2[%dma_start3A_38, %dma_start3A_39] : memref<10000x64xf32, #tpu.memory_space<hbm>> -> memref<10000x64xf32, #tpu.memory_space<hbm>>
      tpu.enqueue_indirect_dma source(%dma_start3A_40 : memref<10000x64xf32, #tpu.memory_space<hbm>>) target(%arg9 : memref<128x64xf32, #tpu.memory_space<vmem>>) offsets(%dma_start3A_37 : memref<128xi32, #tpu.memory_space<vmem>>) semaphore(%arg12 : memref<!tpu.dma_semaphore, #tpu.memory_space<semaphore_mem>>)
      %gt3A_41 = arith.constant 0 : i32
      %gt3A_42 = arith.cmpi sgt, %scan3A_21, %gt3A_41 : i32
      %convert_element_type3A_43 = arith.extui %gt3A_42 : i1 to i32
      %cond3A_44 = arith.constant 0 : i32
      %cond3A_45 = arith.cmpi ne, %convert_element_type3A_43, %cond3A_44 : i32
      scf.if %cond3A_45 {
        %dma_wait3A_244 = arith.constant 0 : i32
        %dma_wait3A_245 = arith.constant 0 : i32
        %dma_wait3A_246 = tpu.memref_slice %arg2[%dma_wait3A_244, %dma_wait3A_245] : memref<10000x64xf32, #tpu.memory_space<hbm>> -> memref<128x64xf32, #tpu.memory_space<hbm>>
        %dma_wait3A_247 = arith.constant 0 : i32
        %dma_wait3A_248 = arith.constant 0 : i32
        %dma_wait3A_249 = tpu.memref_slice %arg2[%dma_wait3A_247, %dma_wait3A_248] : memref<10000x64xf32, #tpu.memory_space<hbm>> -> memref<128x64xf32, #tpu.memory_space<hbm>>
        tpu.wait_dma2 semaphore(%arg15 : memref<!tpu.dma_semaphore, #tpu.memory_space<semaphore_mem>>) src(%dma_wait3A_249 : memref<128x64xf32, #tpu.memory_space<hbm>>) dst(%arg10 : memref<128x64xf32, #tpu.memory_space<vmem>>)
      } else {
      }
      %dma_start3A_46 = arith.constant 1 : i32
      %dma_start3A_47 = arith.constant 0 : i32
      %dma_start3A_48 = tpu.memref_slice %arg7[%dma_start3A_46, %dma_start3A_47] : memref<8x128xi32, #tpu.memory_space<vmem>> -> memref<1x128xi32, #tpu.memory_space<vmem>>
      %dma_start3A_49 = tpu.memref_squeeze %dma_start3A_48 : memref<1x128xi32, #tpu.memory_space<vmem>> -> memref<128xi32, #tpu.memory_space<vmem>>
      %dma_start3A_50 = arith.constant 0 : i32
      %dma_start3A_51 = arith.constant 0 : i32
      %dma_start3A_52 = tpu.memref_slice %arg2[%dma_start3A_50, %dma_start3A_51] : memref<10000x64xf32, #tpu.memory_space<hbm>> -> memref<10000x64xf32, #tpu.memory_space<hbm>>
      tpu.enqueue_indirect_dma source(%dma_start3A_52 : memref<10000x64xf32, #tpu.memory_space<hbm>>) target(%arg10 : memref<128x64xf32, #tpu.memory_space<vmem>>) offsets(%dma_start3A_49 : memref<128xi32, #tpu.memory_space<vmem>>) semaphore(%arg13 : memref<!tpu.dma_semaphore, #tpu.memory_space<semaphore_mem>>)
      %dma_wait3A_53 = arith.constant 0 : i32
      %dma_wait3A_54 = arith.constant 0 : i32
      %dma_wait3A_55 = tpu.memref_slice %arg7[%dma_wait3A_53, %dma_wait3A_54] : memref<8x128xi32, #tpu.memory_space<vmem>> -> memref<1x128xi32, #tpu.memory_space<vmem>>
      %dma_wait3A_56 = tpu.memref_squeeze %dma_wait3A_55 : memref<1x128xi32, #tpu.memory_space<vmem>> -> memref<128xi32, #tpu.memory_space<vmem>>
      %dma_wait3A_57 = arith.constant 0 : i32
      %dma_wait3A_58 = arith.constant 0 : i32
      %dma_wait3A_59 = tpu.memref_slice %arg2[%dma_wait3A_57, %dma_wait3A_58] : memref<10000x64xf32, #tpu.memory_space<hbm>> -> memref<10000x64xf32, #tpu.memory_space<hbm>>
      tpu.wait_indirect_dma semaphore(%arg12 : memref<!tpu.dma_semaphore, #tpu.memory_space<semaphore_mem>>) src(%dma_wait3A_59 : memref<10000x64xf32, #tpu.memory_space<hbm>>) dst(%arg9 : memref<128x64xf32, #tpu.memory_space<vmem>>)
      %dma_start3A_60 = arith.constant 0 : i32
      %dma_start3A_61 = arith.constant 0 : i32
      %dma_start3A_62 = tpu.memref_slice %arg8[%dma_start3A_60, %dma_start3A_61] : memref<8x128xi32, #tpu.memory_space<vmem>> -> memref<1x128xi32, #tpu.memory_space<vmem>>
      %dma_start3A_63 = tpu.memref_squeeze %dma_start3A_62 : memref<1x128xi32, #tpu.memory_space<vmem>> -> memref<128xi32, #tpu.memory_space<vmem>>
      %dma_start3A_64 = arith.constant 0 : i32
      %dma_start3A_65 = arith.constant 0 : i32
      %dma_start3A_66 = tpu.memref_slice %arg11[%dma_start3A_64, %dma_start3A_65] : memref<10112x64xf32, #tpu.memory_space<vmem_shared>> -> memref<10112x64xf32, #tpu.memory_space<vmem_shared>>
      tpu.enqueue_indirect_dma source(%arg9 : memref<128x64xf32, #tpu.memory_space<vmem>>) target(%dma_start3A_66 : memref<10112x64xf32, #tpu.memory_space<vmem_shared>>) offsets(%dma_start3A_63 : memref<128xi32, #tpu.memory_space<vmem>>) semaphore(%arg14 : memref<!tpu.dma_semaphore, #tpu.memory_space<semaphore_mem>>) {add = true}
      %dma_wait3A_67 = arith.constant 1 : i32
      %dma_wait3A_68 = arith.constant 0 : i32
      %dma_wait3A_69 = tpu.memref_slice %arg7[%dma_wait3A_67, %dma_wait3A_68] : memref<8x128xi32, #tpu.memory_space<vmem>> -> memref<1x128xi32, #tpu.memory_space<vmem>>
      %dma_wait3A_70 = tpu.memref_squeeze %dma_wait3A_69 : memref<1x128xi32, #tpu.memory_space<vmem>> -> memref<128xi32, #tpu.memory_space<vmem>>
      %dma_wait3A_71 = arith.constant 0 : i32
      %dma_wait3A_72 = arith.constant 0 : i32
      %dma_wait3A_73 = tpu.memref_slice %arg2[%dma_wait3A_71, %dma_wait3A_72] : memref<10000x64xf32, #tpu.memory_space<hbm>> -> memref<10000x64xf32, #tpu.memory_space<hbm>>
      tpu.wait_indirect_dma semaphore(%arg13 : memref<!tpu.dma_semaphore, #tpu.memory_space<semaphore_mem>>) src(%dma_wait3A_73 : memref<10000x64xf32, #tpu.memory_space<hbm>>) dst(%arg10 : memref<128x64xf32, #tpu.memory_space<vmem>>)
      %dma_start3A_74 = arith.constant 1 : i32
      %dma_start3A_75 = arith.constant 0 : i32
      %dma_start3A_76 = tpu.memref_slice %arg8[%dma_start3A_74, %dma_start3A_75] : memref<8x128xi32, #tpu.memory_space<vmem>> -> memref<1x128xi32, #tpu.memory_space<vmem>>
      %dma_start3A_77 = tpu.memref_squeeze %dma_start3A_76 : memref<1x128xi32, #tpu.memory_space<vmem>> -> memref<128xi32, #tpu.memory_space<vmem>>
      %dma_start3A_78 = arith.constant 0 : i32
      %dma_start3A_79 = arith.constant 0 : i32
      %dma_start3A_80 = tpu.memref_slice %arg11[%dma_start3A_78, %dma_start3A_79] : memref<10112x64xf32, #tpu.memory_space<vmem_shared>> -> memref<10112x64xf32, #tpu.memory_space<vmem_shared>>
      tpu.enqueue_indirect_dma source(%arg10 : memref<128x64xf32, #tpu.memory_space<vmem>>) target(%dma_start3A_80 : memref<10112x64xf32, #tpu.memory_space<vmem_shared>>) offsets(%dma_start3A_77 : memref<128xi32, #tpu.memory_space<vmem>>) semaphore(%arg15 : memref<!tpu.dma_semaphore, #tpu.memory_space<semaphore_mem>>) {add = true}
      %dma_wait3A_81 = arith.constant 0 : i32
      %dma_wait3A_82 = arith.constant 0 : i32
      %dma_wait3A_83 = tpu.memref_slice %arg2[%dma_wait3A_81, %dma_wait3A_82] : memref<10000x64xf32, #tpu.memory_space<hbm>> -> memref<128x64xf32, #tpu.memory_space<hbm>>
      %dma_wait3A_84 = arith.constant 0 : i32
      %dma_wait3A_85 = arith.constant 0 : i32
      %dma_wait3A_86 = tpu.memref_slice %arg2[%dma_wait3A_84, %dma_wait3A_85] : memref<10000x64xf32, #tpu.memory_space<hbm>> -> memref<128x64xf32, #tpu.memory_space<hbm>>
      tpu.wait_dma2 semaphore(%arg14 : memref<!tpu.dma_semaphore, #tpu.memory_space<semaphore_mem>>) src(%dma_wait3A_86 : memref<128x64xf32, #tpu.memory_space<hbm>>) dst(%arg9 : memref<128x64xf32, #tpu.memory_space<vmem>>)
      %dma_start3A_87 = arith.constant 2 : i32
      %dma_start3A_88 = arith.constant 0 : i32
      %dma_start3A_89 = tpu.memref_slice %arg7[%dma_start3A_87, %dma_start3A_88] : memref<8x128xi32, #tpu.memory_space<vmem>> -> memref<1x128xi32, #tpu.memory_space<vmem>>
      %dma_start3A_90 = tpu.memref_squeeze %dma_start3A_89 : memref<1x128xi32, #tpu.memory_space<vmem>> -> memref<128xi32, #tpu.memory_space<vmem>>
      %dma_start3A_91 = arith.constant 0 : i32
      %dma_start3A_92 = arith.constant 0 : i32
      %dma_start3A_93 = tpu.memref_slice %arg2[%dma_start3A_91, %dma_start3A_92] : memref<10000x64xf32, #tpu.memory_space<hbm>> -> memref<10000x64xf32, #tpu.memory_space<hbm>>
      tpu.enqueue_indirect_dma source(%dma_start3A_93 : memref<10000x64xf32, #tpu.memory_space<hbm>>) target(%arg9 : memref<128x64xf32, #tpu.memory_space<vmem>>) offsets(%dma_start3A_90 : memref<128xi32, #tpu.memory_space<vmem>>) semaphore(%arg12 : memref<!tpu.dma_semaphore, #tpu.memory_space<semaphore_mem>>)
      %dma_wait3A_94 = arith.constant 0 : i32
      %dma_wait3A_95 = arith.constant 0 : i32
      %dma_wait3A_96 = tpu.memref_slice %arg2[%dma_wait3A_94, %dma_wait3A_95] : memref<10000x64xf32, #tpu.memory_space<hbm>> -> memref<128x64xf32, #tpu.memory_space<hbm>>
      %dma_wait3A_97 = arith.constant 0 : i32
      %dma_wait3A_98 = arith.constant 0 : i32
      %dma_wait3A_99 = tpu.memref_slice %arg2[%dma_wait3A_97, %dma_wait3A_98] : memref<10000x64xf32, #tpu.memory_space<hbm>> -> memref<128x64xf32, #tpu.memory_space<hbm>>
      tpu.wait_dma2 semaphore(%arg15 : memref<!tpu.dma_semaphore, #tpu.memory_space<semaphore_mem>>) src(%dma_wait3A_99 : memref<128x64xf32, #tpu.memory_space<hbm>>) dst(%arg10 : memref<128x64xf32, #tpu.memory_space<vmem>>)
      %dma_start3A_100 = arith.constant 3 : i32
      %dma_start3A_101 = arith.constant 0 : i32
      %dma_start3A_102 = tpu.memref_slice %arg7[%dma_start3A_100, %dma_start3A_101] : memref<8x128xi32, #tpu.memory_space<vmem>> -> memref<1x128xi32, #tpu.memory_space<vmem>>
      %dma_start3A_103 = tpu.memref_squeeze %dma_start3A_102 : memref<1x128xi32, #tpu.memory_space<vmem>> -> memref<128xi32, #tpu.memory_space<vmem>>
      %dma_start3A_104 = arith.constant 0 : i32
      %dma_start3A_105 = arith.constant 0 : i32
      %dma_start3A_106 = tpu.memref_slice %arg2[%dma_start3A_104, %dma_start3A_105] : memref<10000x64xf32, #tpu.memory_space<hbm>> -> memref<10000x64xf32, #tpu.memory_space<hbm>>
      tpu.enqueue_indirect_dma source(%dma_start3A_106 : memref<10000x64xf32, #tpu.memory_space<hbm>>) target(%arg10 : memref<128x64xf32, #tpu.memory_space<vmem>>) offsets(%dma_start3A_103 : memref<128xi32, #tpu.memory_space<vmem>>) semaphore(%arg13 : memref<!tpu.dma_semaphore, #tpu.memory_space<semaphore_mem>>)
      %dma_wait3A_107 = arith.constant 2 : i32
      %dma_wait3A_108 = arith.constant 0 : i32
      %dma_wait3A_109 = tpu.memref_slice %arg7[%dma_wait3A_107, %dma_wait3A_108] : memref<8x128xi32, #tpu.memory_space<vmem>> -> memref<1x128xi32, #tpu.memory_space<vmem>>
      %dma_wait3A_110 = tpu.memref_squeeze %dma_wait3A_109 : memref<1x128xi32, #tpu.memory_space<vmem>> -> memref<128xi32, #tpu.memory_space<vmem>>
      %dma_wait3A_111 = arith.constant 0 : i32
      %dma_wait3A_112 = arith.constant 0 : i32
      %dma_wait3A_113 = tpu.memref_slice %arg2[%dma_wait3A_111, %dma_wait3A_112] : memref<10000x64xf32, #tpu.memory_space<hbm>> -> memref<10000x64xf32, #tpu.memory_space<hbm>>
      tpu.wait_indirect_dma semaphore(%arg12 : memref<!tpu.dma_semaphore, #tpu.memory_space<semaphore_mem>>) src(%dma_wait3A_113 : memref<10000x64xf32, #tpu.memory_space<hbm>>) dst(%arg9 : memref<128x64xf32, #tpu.memory_space<vmem>>)
      %dma_start3A_114 = arith.constant 2 : i32
      %dma_start3A_115 = arith.constant 0 : i32
      %dma_start3A_116 = tpu.memref_slice %arg8[%dma_start3A_114, %dma_start3A_115] : memref<8x128xi32, #tpu.memory_space<vmem>> -> memref<1x128xi32, #tpu.memory_space<vmem>>
      %dma_start3A_117 = tpu.memref_squeeze %dma_start3A_116 : memref<1x128xi32, #tpu.memory_space<vmem>> -> memref<128xi32, #tpu.memory_space<vmem>>
      %dma_start3A_118 = arith.constant 0 : i32
      %dma_start3A_119 = arith.constant 0 : i32
      %dma_start3A_120 = tpu.memref_slice %arg11[%dma_start3A_118, %dma_start3A_119] : memref<10112x64xf32, #tpu.memory_space<vmem_shared>> -> memref<10112x64xf32, #tpu.memory_space<vmem_shared>>
      tpu.enqueue_indirect_dma source(%arg9 : memref<128x64xf32, #tpu.memory_space<vmem>>) target(%dma_start3A_120 : memref<10112x64xf32, #tpu.memory_space<vmem_shared>>) offsets(%dma_start3A_117 : memref<128xi32, #tpu.memory_space<vmem>>) semaphore(%arg14 : memref<!tpu.dma_semaphore, #tpu.memory_space<semaphore_mem>>) {add = true}
      %dma_wait3A_121 = arith.constant 3 : i32
      %dma_wait3A_122 = arith.constant 0 : i32
      %dma_wait3A_123 = tpu.memref_slice %arg7[%dma_wait3A_121, %dma_wait3A_122] : memref<8x128xi32, #tpu.memory_space<vmem>> -> memref<1x128xi32, #tpu.memory_space<vmem>>
      %dma_wait3A_124 = tpu.memref_squeeze %dma_wait3A_123 : memref<1x128xi32, #tpu.memory_space<vmem>> -> memref<128xi32, #tpu.memory_space<vmem>>
      %dma_wait3A_125 = arith.constant 0 : i32
      %dma_wait3A_126 = arith.constant 0 : i32
      %dma_wait3A_127 = tpu.memref_slice %arg2[%dma_wait3A_125, %dma_wait3A_126] : memref<10000x64xf32, #tpu.memory_space<hbm>> -> memref<10000x64xf32, #tpu.memory_space<hbm>>
      tpu.wait_indirect_dma semaphore(%arg13 : memref<!tpu.dma_semaphore, #tpu.memory_space<semaphore_mem>>) src(%dma_wait3A_127 : memref<10000x64xf32, #tpu.memory_space<hbm>>) dst(%arg10 : memref<128x64xf32, #tpu.memory_space<vmem>>)
      %dma_start3A_128 = arith.constant 3 : i32
      %dma_start3A_129 = arith.constant 0 : i32
      %dma_start3A_130 = tpu.memref_slice %arg8[%dma_start3A_128, %dma_start3A_129] : memref<8x128xi32, #tpu.memory_space<vmem>> -> memref<1x128xi32, #tpu.memory_space<vmem>>
      %dma_start3A_131 = tpu.memref_squeeze %dma_start3A_130 : memref<1x128xi32, #tpu.memory_space<vmem>> -> memref<128xi32, #tpu.memory_space<vmem>>
      %dma_start3A_132 = arith.constant 0 : i32
      %dma_start3A_133 = arith.constant 0 : i32
      %dma_start3A_134 = tpu.memref_slice %arg11[%dma_start3A_132, %dma_start3A_133] : memref<10112x64xf32, #tpu.memory_space<vmem_shared>> -> memref<10112x64xf32, #tpu.memory_space<vmem_shared>>
      tpu.enqueue_indirect_dma source(%arg10 : memref<128x64xf32, #tpu.memory_space<vmem>>) target(%dma_start3A_134 : memref<10112x64xf32, #tpu.memory_space<vmem_shared>>) offsets(%dma_start3A_131 : memref<128xi32, #tpu.memory_space<vmem>>) semaphore(%arg15 : memref<!tpu.dma_semaphore, #tpu.memory_space<semaphore_mem>>) {add = true}
      %dma_wait3A_135 = arith.constant 0 : i32
      %dma_wait3A_136 = arith.constant 0 : i32
      %dma_wait3A_137 = tpu.memref_slice %arg2[%dma_wait3A_135, %dma_wait3A_136] : memref<10000x64xf32, #tpu.memory_space<hbm>> -> memref<128x64xf32, #tpu.memory_space<hbm>>
      %dma_wait3A_138 = arith.constant 0 : i32
      %dma_wait3A_139 = arith.constant 0 : i32
      %dma_wait3A_140 = tpu.memref_slice %arg2[%dma_wait3A_138, %dma_wait3A_139] : memref<10000x64xf32, #tpu.memory_space<hbm>> -> memref<128x64xf32, #tpu.memory_space<hbm>>
      tpu.wait_dma2 semaphore(%arg14 : memref<!tpu.dma_semaphore, #tpu.memory_space<semaphore_mem>>) src(%dma_wait3A_140 : memref<128x64xf32, #tpu.memory_space<hbm>>) dst(%arg9 : memref<128x64xf32, #tpu.memory_space<vmem>>)
      %dma_start3A_141 = arith.constant 4 : i32
      %dma_start3A_142 = arith.constant 0 : i32
      %dma_start3A_143 = tpu.memref_slice %arg7[%dma_start3A_141, %dma_start3A_142] : memref<8x128xi32, #tpu.memory_space<vmem>> -> memref<1x128xi32, #tpu.memory_space<vmem>>
      %dma_start3A_144 = tpu.memref_squeeze %dma_start3A_143 : memref<1x128xi32, #tpu.memory_space<vmem>> -> memref<128xi32, #tpu.memory_space<vmem>>
      %dma_start3A_145 = arith.constant 0 : i32
      %dma_start3A_146 = arith.constant 0 : i32
      %dma_start3A_147 = tpu.memref_slice %arg2[%dma_start3A_145, %dma_start3A_146] : memref<10000x64xf32, #tpu.memory_space<hbm>> -> memref<10000x64xf32, #tpu.memory_space<hbm>>
      tpu.enqueue_indirect_dma source(%dma_start3A_147 : memref<10000x64xf32, #tpu.memory_space<hbm>>) target(%arg9 : memref<128x64xf32, #tpu.memory_space<vmem>>) offsets(%dma_start3A_144 : memref<128xi32, #tpu.memory_space<vmem>>) semaphore(%arg12 : memref<!tpu.dma_semaphore, #tpu.memory_space<semaphore_mem>>)
      %dma_wait3A_148 = arith.constant 0 : i32
      %dma_wait3A_149 = arith.constant 0 : i32
      %dma_wait3A_150 = tpu.memref_slice %arg2[%dma_wait3A_148, %dma_wait3A_149] : memref<10000x64xf32, #tpu.memory_space<hbm>> -> memref<128x64xf32, #tpu.memory_space<hbm>>
      %dma_wait3A_151 = arith.constant 0 : i32
      %dma_wait3A_152 = arith.constant 0 : i32
      %dma_wait3A_153 = tpu.memref_slice %arg2[%dma_wait3A_151, %dma_wait3A_152] : memref<10000x64xf32, #tpu.memory_space<hbm>> -> memref<128x64xf32, #tpu.memory_space<hbm>>
      tpu.wait_dma2 semaphore(%arg15 : memref<!tpu.dma_semaphore, #tpu.memory_space<semaphore_mem>>) src(%dma_wait3A_153 : memref<128x64xf32, #tpu.memory_space<hbm>>) dst(%arg10 : memref<128x64xf32, #tpu.memory_space<vmem>>)
      %dma_start3A_154 = arith.constant 5 : i32
      %dma_start3A_155 = arith.constant 0 : i32
      %dma_start3A_156 = tpu.memref_slice %arg7[%dma_start3A_154, %dma_start3A_155] : memref<8x128xi32, #tpu.memory_space<vmem>> -> memref<1x128xi32, #tpu.memory_space<vmem>>
      %dma_start3A_157 = tpu.memref_squeeze %dma_start3A_156 : memref<1x128xi32, #tpu.memory_space<vmem>> -> memref<128xi32, #tpu.memory_space<vmem>>
      %dma_start3A_158 = arith.constant 0 : i32
      %dma_start3A_159 = arith.constant 0 : i32
      %dma_start3A_160 = tpu.memref_slice %arg2[%dma_start3A_158, %dma_start3A_159] : memref<10000x64xf32, #tpu.memory_space<hbm>> -> memref<10000x64xf32, #tpu.memory_space<hbm>>
      tpu.enqueue_indirect_dma source(%dma_start3A_160 : memref<10000x64xf32, #tpu.memory_space<hbm>>) target(%arg10 : memref<128x64xf32, #tpu.memory_space<vmem>>) offsets(%dma_start3A_157 : memref<128xi32, #tpu.memory_space<vmem>>) semaphore(%arg13 : memref<!tpu.dma_semaphore, #tpu.memory_space<semaphore_mem>>)
      %dma_wait3A_161 = arith.constant 4 : i32
      %dma_wait3A_162 = arith.constant 0 : i32
      %dma_wait3A_163 = tpu.memref_slice %arg7[%dma_wait3A_161, %dma_wait3A_162] : memref<8x128xi32, #tpu.memory_space<vmem>> -> memref<1x128xi32, #tpu.memory_space<vmem>>
      %dma_wait3A_164 = tpu.memref_squeeze %dma_wait3A_163 : memref<1x128xi32, #tpu.memory_space<vmem>> -> memref<128xi32, #tpu.memory_space<vmem>>
      %dma_wait3A_165 = arith.constant 0 : i32
      %dma_wait3A_166 = arith.constant 0 : i32
      %dma_wait3A_167 = tpu.memref_slice %arg2[%dma_wait3A_165, %dma_wait3A_166] : memref<10000x64xf32, #tpu.memory_space<hbm>> -> memref<10000x64xf32, #tpu.memory_space<hbm>>
      tpu.wait_indirect_dma semaphore(%arg12 : memref<!tpu.dma_semaphore, #tpu.memory_space<semaphore_mem>>) src(%dma_wait3A_167 : memref<10000x64xf32, #tpu.memory_space<hbm>>) dst(%arg9 : memref<128x64xf32, #tpu.memory_space<vmem>>)
      %dma_start3A_168 = arith.constant 4 : i32
      %dma_start3A_169 = arith.constant 0 : i32
      %dma_start3A_170 = tpu.memref_slice %arg8[%dma_start3A_168, %dma_start3A_169] : memref<8x128xi32, #tpu.memory_space<vmem>> -> memref<1x128xi32, #tpu.memory_space<vmem>>
      %dma_start3A_171 = tpu.memref_squeeze %dma_start3A_170 : memref<1x128xi32, #tpu.memory_space<vmem>> -> memref<128xi32, #tpu.memory_space<vmem>>
      %dma_start3A_172 = arith.constant 0 : i32
      %dma_start3A_173 = arith.constant 0 : i32
      %dma_start3A_174 = tpu.memref_slice %arg11[%dma_start3A_172, %dma_start3A_173] : memref<10112x64xf32, #tpu.memory_space<vmem_shared>> -> memref<10112x64xf32, #tpu.memory_space<vmem_shared>>
      tpu.enqueue_indirect_dma source(%arg9 : memref<128x64xf32, #tpu.memory_space<vmem>>) target(%dma_start3A_174 : memref<10112x64xf32, #tpu.memory_space<vmem_shared>>) offsets(%dma_start3A_171 : memref<128xi32, #tpu.memory_space<vmem>>) semaphore(%arg14 : memref<!tpu.dma_semaphore, #tpu.memory_space<semaphore_mem>>) {add = true}
      %dma_wait3A_175 = arith.constant 5 : i32
      %dma_wait3A_176 = arith.constant 0 : i32
      %dma_wait3A_177 = tpu.memref_slice %arg7[%dma_wait3A_175, %dma_wait3A_176] : memref<8x128xi32, #tpu.memory_space<vmem>> -> memref<1x128xi32, #tpu.memory_space<vmem>>
      %dma_wait3A_178 = tpu.memref_squeeze %dma_wait3A_177 : memref<1x128xi32, #tpu.memory_space<vmem>> -> memref<128xi32, #tpu.memory_space<vmem>>
      %dma_wait3A_179 = arith.constant 0 : i32
      %dma_wait3A_180 = arith.constant 0 : i32
      %dma_wait3A_181 = tpu.memref_slice %arg2[%dma_wait3A_179, %dma_wait3A_180] : memref<10000x64xf32, #tpu.memory_space<hbm>> -> memref<10000x64xf32, #tpu.memory_space<hbm>>
      tpu.wait_indirect_dma semaphore(%arg13 : memref<!tpu.dma_semaphore, #tpu.memory_space<semaphore_mem>>) src(%dma_wait3A_181 : memref<10000x64xf32, #tpu.memory_space<hbm>>) dst(%arg10 : memref<128x64xf32, #tpu.memory_space<vmem>>)
      %dma_start3A_182 = arith.constant 5 : i32
      %dma_start3A_183 = arith.constant 0 : i32
      %dma_start3A_184 = tpu.memref_slice %arg8[%dma_start3A_182, %dma_start3A_183] : memref<8x128xi32, #tpu.memory_space<vmem>> -> memref<1x128xi32, #tpu.memory_space<vmem>>
      %dma_start3A_185 = tpu.memref_squeeze %dma_start3A_184 : memref<1x128xi32, #tpu.memory_space<vmem>> -> memref<128xi32, #tpu.memory_space<vmem>>
      %dma_start3A_186 = arith.constant 0 : i32
      %dma_start3A_187 = arith.constant 0 : i32
      %dma_start3A_188 = tpu.memref_slice %arg11[%dma_start3A_186, %dma_start3A_187] : memref<10112x64xf32, #tpu.memory_space<vmem_shared>> -> memref<10112x64xf32, #tpu.memory_space<vmem_shared>>
      tpu.enqueue_indirect_dma source(%arg10 : memref<128x64xf32, #tpu.memory_space<vmem>>) target(%dma_start3A_188 : memref<10112x64xf32, #tpu.memory_space<vmem_shared>>) offsets(%dma_start3A_185 : memref<128xi32, #tpu.memory_space<vmem>>) semaphore(%arg15 : memref<!tpu.dma_semaphore, #tpu.memory_space<semaphore_mem>>) {add = true}
      %dma_wait3A_189 = arith.constant 0 : i32
      %dma_wait3A_190 = arith.constant 0 : i32
      %dma_wait3A_191 = tpu.memref_slice %arg2[%dma_wait3A_189, %dma_wait3A_190] : memref<10000x64xf32, #tpu.memory_space<hbm>> -> memref<128x64xf32, #tpu.memory_space<hbm>>
      %dma_wait3A_192 = arith.constant 0 : i32
      %dma_wait3A_193 = arith.constant 0 : i32
      %dma_wait3A_194 = tpu.memref_slice %arg2[%dma_wait3A_192, %dma_wait3A_193] : memref<10000x64xf32, #tpu.memory_space<hbm>> -> memref<128x64xf32, #tpu.memory_space<hbm>>
      tpu.wait_dma2 semaphore(%arg14 : memref<!tpu.dma_semaphore, #tpu.memory_space<semaphore_mem>>) src(%dma_wait3A_194 : memref<128x64xf32, #tpu.memory_space<hbm>>) dst(%arg9 : memref<128x64xf32, #tpu.memory_space<vmem>>)
      %dma_start3A_195 = arith.constant 6 : i32
      %dma_start3A_196 = arith.constant 0 : i32
      %dma_start3A_197 = tpu.memref_slice %arg7[%dma_start3A_195, %dma_start3A_196] : memref<8x128xi32, #tpu.memory_space<vmem>> -> memref<1x128xi32, #tpu.memory_space<vmem>>
      %dma_start3A_198 = tpu.memref_squeeze %dma_start3A_197 : memref<1x128xi32, #tpu.memory_space<vmem>> -> memref<128xi32, #tpu.memory_space<vmem>>
      %dma_start3A_199 = arith.constant 0 : i32
      %dma_start3A_200 = arith.constant 0 : i32
      %dma_start3A_201 = tpu.memref_slice %arg2[%dma_start3A_199, %dma_start3A_200] : memref<10000x64xf32, #tpu.memory_space<hbm>> -> memref<10000x64xf32, #tpu.memory_space<hbm>>
      tpu.enqueue_indirect_dma source(%dma_start3A_201 : memref<10000x64xf32, #tpu.memory_space<hbm>>) target(%arg9 : memref<128x64xf32, #tpu.memory_space<vmem>>) offsets(%dma_start3A_198 : memref<128xi32, #tpu.memory_space<vmem>>) semaphore(%arg12 : memref<!tpu.dma_semaphore, #tpu.memory_space<semaphore_mem>>)
      %dma_wait3A_202 = arith.constant 0 : i32
      %dma_wait3A_203 = arith.constant 0 : i32
      %dma_wait3A_204 = tpu.memref_slice %arg2[%dma_wait3A_202, %dma_wait3A_203] : memref<10000x64xf32, #tpu.memory_space<hbm>> -> memref<128x64xf32, #tpu.memory_space<hbm>>
      %dma_wait3A_205 = arith.constant 0 : i32
      %dma_wait3A_206 = arith.constant 0 : i32
      %dma_wait3A_207 = tpu.memref_slice %arg2[%dma_wait3A_205, %dma_wait3A_206] : memref<10000x64xf32, #tpu.memory_space<hbm>> -> memref<128x64xf32, #tpu.memory_space<hbm>>
      tpu.wait_dma2 semaphore(%arg15 : memref<!tpu.dma_semaphore, #tpu.memory_space<semaphore_mem>>) src(%dma_wait3A_207 : memref<128x64xf32, #tpu.memory_space<hbm>>) dst(%arg10 : memref<128x64xf32, #tpu.memory_space<vmem>>)
      %dma_start3A_208 = arith.constant 7 : i32
      %dma_start3A_209 = arith.constant 0 : i32
      %dma_start3A_210 = tpu.memref_slice %arg7[%dma_start3A_208, %dma_start3A_209] : memref<8x128xi32, #tpu.memory_space<vmem>> -> memref<1x128xi32, #tpu.memory_space<vmem>>
      %dma_start3A_211 = tpu.memref_squeeze %dma_start3A_210 : memref<1x128xi32, #tpu.memory_space<vmem>> -> memref<128xi32, #tpu.memory_space<vmem>>
      %dma_start3A_212 = arith.constant 0 : i32
      %dma_start3A_213 = arith.constant 0 : i32
      %dma_start3A_214 = tpu.memref_slice %arg2[%dma_start3A_212, %dma_start3A_213] : memref<10000x64xf32, #tpu.memory_space<hbm>> -> memref<10000x64xf32, #tpu.memory_space<hbm>>
      tpu.enqueue_indirect_dma source(%dma_start3A_214 : memref<10000x64xf32, #tpu.memory_space<hbm>>) target(%arg10 : memref<128x64xf32, #tpu.memory_space<vmem>>) offsets(%dma_start3A_211 : memref<128xi32, #tpu.memory_space<vmem>>) semaphore(%arg13 : memref<!tpu.dma_semaphore, #tpu.memory_space<semaphore_mem>>)
      %dma_wait3A_215 = arith.constant 6 : i32
      %dma_wait3A_216 = arith.constant 0 : i32
      %dma_wait3A_217 = tpu.memref_slice %arg7[%dma_wait3A_215, %dma_wait3A_216] : memref<8x128xi32, #tpu.memory_space<vmem>> -> memref<1x128xi32, #tpu.memory_space<vmem>>
      %dma_wait3A_218 = tpu.memref_squeeze %dma_wait3A_217 : memref<1x128xi32, #tpu.memory_space<vmem>> -> memref<128xi32, #tpu.memory_space<vmem>>
      %dma_wait3A_219 = arith.constant 0 : i32
      %dma_wait3A_220 = arith.constant 0 : i32
      %dma_wait3A_221 = tpu.memref_slice %arg2[%dma_wait3A_219, %dma_wait3A_220] : memref<10000x64xf32, #tpu.memory_space<hbm>> -> memref<10000x64xf32, #tpu.memory_space<hbm>>
      tpu.wait_indirect_dma semaphore(%arg12 : memref<!tpu.dma_semaphore, #tpu.memory_space<semaphore_mem>>) src(%dma_wait3A_221 : memref<10000x64xf32, #tpu.memory_space<hbm>>) dst(%arg9 : memref<128x64xf32, #tpu.memory_space<vmem>>)
      %dma_start3A_222 = arith.constant 6 : i32
      %dma_start3A_223 = arith.constant 0 : i32
      %dma_start3A_224 = tpu.memref_slice %arg8[%dma_start3A_222, %dma_start3A_223] : memref<8x128xi32, #tpu.memory_space<vmem>> -> memref<1x128xi32, #tpu.memory_space<vmem>>
      %dma_start3A_225 = tpu.memref_squeeze %dma_start3A_224 : memref<1x128xi32, #tpu.memory_space<vmem>> -> memref<128xi32, #tpu.memory_space<vmem>>
      %dma_start3A_226 = arith.constant 0 : i32
      %dma_start3A_227 = arith.constant 0 : i32
      %dma_start3A_228 = tpu.memref_slice %arg11[%dma_start3A_226, %dma_start3A_227] : memref<10112x64xf32, #tpu.memory_space<vmem_shared>> -> memref<10112x64xf32, #tpu.memory_space<vmem_shared>>
      tpu.enqueue_indirect_dma source(%arg9 : memref<128x64xf32, #tpu.memory_space<vmem>>) target(%dma_start3A_228 : memref<10112x64xf32, #tpu.memory_space<vmem_shared>>) offsets(%dma_start3A_225 : memref<128xi32, #tpu.memory_space<vmem>>) semaphore(%arg14 : memref<!tpu.dma_semaphore, #tpu.memory_space<semaphore_mem>>) {add = true}
      %dma_wait3A_229 = arith.constant 7 : i32
      %dma_wait3A_230 = arith.constant 0 : i32
      %dma_wait3A_231 = tpu.memref_slice %arg7[%dma_wait3A_229, %dma_wait3A_230] : memref<8x128xi32, #tpu.memory_space<vmem>> -> memref<1x128xi32, #tpu.memory_space<vmem>>
      %dma_wait3A_232 = tpu.memref_squeeze %dma_wait3A_231 : memref<1x128xi32, #tpu.memory_space<vmem>> -> memref<128xi32, #tpu.memory_space<vmem>>
      %dma_wait3A_233 = arith.constant 0 : i32
      %dma_wait3A_234 = arith.constant 0 : i32
      %dma_wait3A_235 = tpu.memref_slice %arg2[%dma_wait3A_233, %dma_wait3A_234] : memref<10000x64xf32, #tpu.memory_space<hbm>> -> memref<10000x64xf32, #tpu.memory_space<hbm>>
      tpu.wait_indirect_dma semaphore(%arg13 : memref<!tpu.dma_semaphore, #tpu.memory_space<semaphore_mem>>) src(%dma_wait3A_235 : memref<10000x64xf32, #tpu.memory_space<hbm>>) dst(%arg10 : memref<128x64xf32, #tpu.memory_space<vmem>>)
      %dma_start3A_236 = arith.constant 7 : i32
      %dma_start3A_237 = arith.constant 0 : i32
      %dma_start3A_238 = tpu.memref_slice %arg8[%dma_start3A_236, %dma_start3A_237] : memref<8x128xi32, #tpu.memory_space<vmem>> -> memref<1x128xi32, #tpu.memory_space<vmem>>
      %dma_start3A_239 = tpu.memref_squeeze %dma_start3A_238 : memref<1x128xi32, #tpu.memory_space<vmem>> -> memref<128xi32, #tpu.memory_space<vmem>>
      %dma_start3A_240 = arith.constant 0 : i32
      %dma_start3A_241 = arith.constant 0 : i32
      %dma_start3A_242 = tpu.memref_slice %arg11[%dma_start3A_240, %dma_start3A_241] : memref<10112x64xf32, #tpu.memory_space<vmem_shared>> -> memref<10112x64xf32, #tpu.memory_space<vmem_shared>>
      tpu.enqueue_indirect_dma source(%arg10 : memref<128x64xf32, #tpu.memory_space<vmem>>) target(%dma_start3A_242 : memref<10112x64xf32, #tpu.memory_space<vmem_shared>>) offsets(%dma_start3A_239 : memref<128xi32, #tpu.memory_space<vmem>>) semaphore(%arg15 : memref<!tpu.dma_semaphore, #tpu.memory_space<semaphore_mem>>) {add = true}
      %scan3A_243 = arith.constant 0 : i32
      scf.yield %scan3A_243 : i32
    }
    %scan3A_8 = arith.constant 10 : i32
    %dma_wait3A = arith.constant 0 : i32
    %dma_wait3A_9 = arith.constant 0 : i32
    %dma_wait3A_10 = tpu.memref_slice %arg2[%dma_wait3A, %dma_wait3A_9] : memref<10000x64xf32, #tpu.memory_space<hbm>> -> memref<128x64xf32, #tpu.memory_space<hbm>>
    %dma_wait3A_11 = arith.constant 0 : i32
    %dma_wait3A_12 = arith.constant 0 : i32
    %dma_wait3A_13 = tpu.memref_slice %arg2[%dma_wait3A_11, %dma_wait3A_12] : memref<10000x64xf32, #tpu.memory_space<hbm>> -> memref<128x64xf32, #tpu.memory_space<hbm>>
    tpu.wait_dma2 semaphore(%arg14 : memref<!tpu.dma_semaphore, #tpu.memory_space<semaphore_mem>>) src(%dma_wait3A_13 : memref<128x64xf32, #tpu.memory_space<hbm>>) dst(%arg9 : memref<128x64xf32, #tpu.memory_space<vmem>>)
    %dma_wait3A_14 = arith.constant 0 : i32
    %dma_wait3A_15 = arith.constant 0 : i32
    %dma_wait3A_16 = tpu.memref_slice %arg2[%dma_wait3A_14, %dma_wait3A_15] : memref<10000x64xf32, #tpu.memory_space<hbm>> -> memref<128x64xf32, #tpu.memory_space<hbm>>
    %dma_wait3A_17 = arith.constant 0 : i32
    %dma_wait3A_18 = arith.constant 0 : i32
    %dma_wait3A_19 = tpu.memref_slice %arg2[%dma_wait3A_17, %dma_wait3A_18] : memref<10000x64xf32, #tpu.memory_space<hbm>> -> memref<128x64xf32, #tpu.memory_space<hbm>>
    tpu.wait_dma2 semaphore(%arg15 : memref<!tpu.dma_semaphore, #tpu.memory_space<semaphore_mem>>) src(%dma_wait3A_19 : memref<128x64xf32, #tpu.memory_space<hbm>>) dst(%arg10 : memref<128x64xf32, #tpu.memory_space<vmem>>)
    %barrier3A_20 = arith.constant 0 : index
    tpu.barrier barrier_id(%barrier3A_20)
    "tpu.region"() ({
      %run_scoped3A = tpu.sem_alloc : memref<!tpu.dma_semaphore, #tpu.memory_space<semaphore_mem>>
      %dma_start3A = arith.constant 0 : i32
      %dma_start3A_21 = tpu.memref_slice %arg6[%arg0, %mul3A_2, %dma_start3A] : memref<2x10112x64xf32, #tpu.memory_space<hbm>> -> memref<1x632x64xf32, #tpu.memory_space<hbm>>
      %dma_start3A_22 = tpu.memref_squeeze %dma_start3A_21 : memref<1x632x64xf32, #tpu.memory_space<hbm>> -> memref<632x64xf32, #tpu.memory_space<hbm>>
      %dma_start3A_23 = arith.constant 0 : i32
      %dma_start3A_24 = tpu.memref_slice %arg11[%mul3A_2, %dma_start3A_23] : memref<10112x64xf32, #tpu.memory_space<vmem_shared>> -> memref<632x64xf32, #tpu.memory_space<vmem_shared>>
      tpu.enqueue_dma source(%dma_start3A_24 : memref<632x64xf32, #tpu.memory_space<vmem_shared>>) target(%dma_start3A_22 : memref<632x64xf32, #tpu.memory_space<hbm>>) target_semaphore(%run_scoped3A : memref<!tpu.dma_semaphore, #tpu.memory_space<semaphore_mem>>)
      %dma_wait3A_25 = arith.constant 0 : i32
      %dma_wait3A_26 = tpu.memref_slice %arg6[%arg0, %mul3A_2, %dma_wait3A_25] : memref<2x10112x64xf32, #tpu.memory_space<hbm>> -> memref<1x632x64xf32, #tpu.memory_space<hbm>>
      %dma_wait3A_27 = tpu.memref_squeeze %dma_wait3A_26 : memref<1x632x64xf32, #tpu.memory_space<hbm>> -> memref<632x64xf32, #tpu.memory_space<hbm>>
      %dma_wait3A_28 = arith.constant 0 : i32
      %dma_wait3A_29 = tpu.memref_slice %arg11[%mul3A_2, %dma_wait3A_28] : memref<10112x64xf32, #tpu.memory_space<vmem_shared>> -> memref<632x64xf32, #tpu.memory_space<vmem_shared>>
      tpu.wait_dma2 semaphore(%run_scoped3A : memref<!tpu.dma_semaphore, #tpu.memory_space<semaphore_mem>>) src(%dma_wait3A_29 : memref<632x64xf32, #tpu.memory_space<vmem_shared>>) dst(%dma_wait3A_27 : memref<632x64xf32, #tpu.memory_space<hbm>>)
      tpu.yield
    }) : () -> ()
    return
  }
}

#map = affine_map<(d0, d1) -> (0, 0)>
#map1 = affine_map<(d0, d1) -> (0, 0, 0)>
module attributes {stable_mosaic.version = 14 : i64} {
  func.func @edge_kernel(%arg0: i32, %arg1: i32, %arg2: memref<10000x128xf32, #tpu.memory_space<hbm>>, %arg3: memref<2560x128xi32, #tpu.memory_space<hbm>>, %arg4: memref<2560x128xi32, #tpu.memory_space<hbm>>, %arg5: memref<632x128xf32, #tpu.memory_space<hbm>>, %arg6: memref<2x10112x128xf32, #tpu.memory_space<hbm>>, %arg7: memref<8x128xi32, #tpu.memory_space<vmem>>, %arg8: memref<8x128xi32, #tpu.memory_space<vmem>>, %arg9: memref<128x128xf32, #tpu.memory_space<vmem>>, %arg10: memref<128x128xf32, #tpu.memory_space<vmem>>, %arg11: memref<10112x128xf32, #tpu.memory_space<vmem_shared>>, %arg12: memref<!tpu.dma_semaphore, #tpu.memory_space<semaphore_mem>>, %arg13: memref<!tpu.dma_semaphore, #tpu.memory_space<semaphore_mem>>, %arg14: memref<!tpu.dma_semaphore, #tpu.memory_space<semaphore_mem>>, %arg15: memref<!tpu.dma_semaphore, #tpu.memory_space<semaphore_mem>>) attributes {dimension_semantics = [#tpu.dimension_semantics<core_parallel>, #tpu.dimension_semantics<subcore_parallel>], iteration_bounds = array<i64: 2, 16>, scalar_prefetch = 0 : i64, scratch_operands = 9 : i64, tpu.core_type = #tpu.core_type<sc_vector_subcore>, window_params = [{transform_indices = #map}, {transform_indices = #map}, {transform_indices = #map}, {transform_indices = #map}, {transform_indices = #map1}]} {
    %mul3A = arith.constant 16 : i32
    %mul3A_0 = arith.muli %arg0, %mul3A : i32
    %add3A = arith.addi %mul3A_0, %arg1 : i32
    %mul3A_1 = arith.constant 632 : i32
    %mul3A_2 = arith.muli %arg1, %mul3A_1 : i32
    "tpu.region"() ({
      %run_scoped3A = tpu.sem_alloc : memref<!tpu.dma_semaphore, #tpu.memory_space<semaphore_mem>>
      %dma_start3A = arith.constant 0 : i32
      %dma_start3A_21 = tpu.memref_slice %arg11[%mul3A_2, %dma_start3A] : memref<10112x128xf32, #tpu.memory_space<vmem_shared>> -> memref<632x128xf32, #tpu.memory_space<vmem_shared>>
      tpu.enqueue_dma source(%arg5 : memref<632x128xf32, #tpu.memory_space<hbm>>) target(%dma_start3A_21 : memref<632x128xf32, #tpu.memory_space<vmem_shared>>) target_semaphore(%run_scoped3A : memref<!tpu.dma_semaphore, #tpu.memory_space<semaphore_mem>>)
      %dma_wait3A_22 = arith.constant 0 : i32
      %dma_wait3A_23 = tpu.memref_slice %arg11[%mul3A_2, %dma_wait3A_22] : memref<10112x128xf32, #tpu.memory_space<vmem_shared>> -> memref<632x128xf32, #tpu.memory_space<vmem_shared>>
      tpu.wait_dma2 semaphore(%run_scoped3A : memref<!tpu.dma_semaphore, #tpu.memory_space<semaphore_mem>>) src(%arg5 : memref<632x128xf32, #tpu.memory_space<hbm>>) dst(%dma_wait3A_23 : memref<632x128xf32, #tpu.memory_space<vmem_shared>>)
      tpu.yield
    }) : () -> ()
    %barrier3A = arith.constant 0 : index
    tpu.barrier barrier_id(%barrier3A)
    %scan3A = arith.constant 0 : i32
    %scan3A_3 = arith.constant 0 : i32
    %scan3A_4 = arith.constant 10 : i32
    %scan3A_5 = arith.addi %scan3A_3, %scan3A_4 : i32
    %scan3A_6 = arith.constant 1 : i32
    %scan3A_7 = scf.for %scan3A_21 = %scan3A_3 to %scan3A_5 step %scan3A_6 iter_args(%scan3A_22 = %scan3A) -> (i32)  : i32 {
      %mul3A_23 = arith.constant 80 : i32
      %mul3A_24 = arith.muli %add3A, %mul3A_23 : i32
      %mul3A_25 = arith.constant 8 : i32
      %mul3A_26 = arith.muli %scan3A_21, %mul3A_25 : i32
      %add3A_27 = arith.addi %mul3A_24, %mul3A_26 : i32
      "tpu.region"() ({
        %run_scoped3A = tpu.sem_alloc : memref<!tpu.dma_semaphore, #tpu.memory_space<semaphore_mem>>
        %dma_start3A_244 = arith.constant 0 : i32
        %dma_start3A_245 = tpu.memref_slice %arg3[%add3A_27, %dma_start3A_244] : memref<2560x128xi32, #tpu.memory_space<hbm>> -> memref<8x128xi32, #tpu.memory_space<hbm>>
        %dma_start3A_246 = arith.constant 0 : i32
        %dma_start3A_247 = tpu.memref_slice %arg3[%add3A_27, %dma_start3A_246] : memref<2560x128xi32, #tpu.memory_space<hbm>> -> memref<8x128xi32, #tpu.memory_space<hbm>>
        tpu.enqueue_dma source(%dma_start3A_247 : memref<8x128xi32, #tpu.memory_space<hbm>>) target(%arg7 : memref<8x128xi32, #tpu.memory_space<vmem>>) target_semaphore(%run_scoped3A : memref<!tpu.dma_semaphore, #tpu.memory_space<semaphore_mem>>)
        %dma_wait3A_248 = arith.constant 0 : i32
        %dma_wait3A_249 = tpu.memref_slice %arg3[%add3A_27, %dma_wait3A_248] : memref<2560x128xi32, #tpu.memory_space<hbm>> -> memref<8x128xi32, #tpu.memory_space<hbm>>
        %dma_wait3A_250 = arith.constant 0 : i32
        %dma_wait3A_251 = tpu.memref_slice %arg3[%add3A_27, %dma_wait3A_250] : memref<2560x128xi32, #tpu.memory_space<hbm>> -> memref<8x128xi32, #tpu.memory_space<hbm>>
        tpu.wait_dma2 semaphore(%run_scoped3A : memref<!tpu.dma_semaphore, #tpu.memory_space<semaphore_mem>>) src(%dma_wait3A_251 : memref<8x128xi32, #tpu.memory_space<hbm>>) dst(%arg7 : memref<8x128xi32, #tpu.memory_space<vmem>>)
        tpu.yield
      }) : () -> ()
      %mul3A_28 = arith.constant 80 : i32
      %mul3A_29 = arith.muli %add3A, %mul3A_28 : i32
      %mul3A_30 = arith.constant 8 : i32
      %mul3A_31 = arith.muli %scan3A_21, %mul3A_30 : i32
      %add3A_32 = arith.addi %mul3A_29, %mul3A_31 : i32
      "tpu.region"() ({
        %run_scoped3A = tpu.sem_alloc : memref<!tpu.dma_semaphore, #tpu.memory_space<semaphore_mem>>
        %dma_start3A_244 = arith.constant 0 : i32
        %dma_start3A_245 = tpu.memref_slice %arg4[%add3A_32, %dma_start3A_244] : memref<2560x128xi32, #tpu.memory_space<hbm>> -> memref<8x128xi32, #tpu.memory_space<hbm>>
        %dma_start3A_246 = arith.constant 0 : i32
        %dma_start3A_247 = tpu.memref_slice %arg4[%add3A_32, %dma_start3A_246] : memref<2560x128xi32, #tpu.memory_space<hbm>> -> memref<8x128xi32, #tpu.memory_space<hbm>>
        tpu.enqueue_dma source(%dma_start3A_247 : memref<8x128xi32, #tpu.memory_space<hbm>>) target(%arg8 : memref<8x128xi32, #tpu.memory_space<vmem>>) target_semaphore(%run_scoped3A : memref<!tpu.dma_semaphore, #tpu.memory_space<semaphore_mem>>)
        %dma_wait3A_248 = arith.constant 0 : i32
        %dma_wait3A_249 = tpu.memref_slice %arg4[%add3A_32, %dma_wait3A_248] : memref<2560x128xi32, #tpu.memory_space<hbm>> -> memref<8x128xi32, #tpu.memory_space<hbm>>
        %dma_wait3A_250 = arith.constant 0 : i32
        %dma_wait3A_251 = tpu.memref_slice %arg4[%add3A_32, %dma_wait3A_250] : memref<2560x128xi32, #tpu.memory_space<hbm>> -> memref<8x128xi32, #tpu.memory_space<hbm>>
        tpu.wait_dma2 semaphore(%run_scoped3A : memref<!tpu.dma_semaphore, #tpu.memory_space<semaphore_mem>>) src(%dma_wait3A_251 : memref<8x128xi32, #tpu.memory_space<hbm>>) dst(%arg8 : memref<8x128xi32, #tpu.memory_space<vmem>>)
        tpu.yield
      }) : () -> ()
      %gt3A = arith.constant 0 : i32
      %gt3A_33 = arith.cmpi sgt, %scan3A_21, %gt3A : i32
      %convert_element_type3A = arith.extui %gt3A_33 : i1 to i32
      %cond3A = arith.constant 0 : i32
      %cond3A_34 = arith.cmpi ne, %convert_element_type3A, %cond3A : i32
      scf.if %cond3A_34 {
        %dma_wait3A_244 = arith.constant 0 : i32
        %dma_wait3A_245 = arith.constant 0 : i32
        %dma_wait3A_246 = tpu.memref_slice %arg2[%dma_wait3A_244, %dma_wait3A_245] : memref<10000x128xf32, #tpu.memory_space<hbm>> -> memref<128x128xf32, #tpu.memory_space<hbm>>
        %dma_wait3A_247 = arith.constant 0 : i32
        %dma_wait3A_248 = arith.constant 0 : i32
        %dma_wait3A_249 = tpu.memref_slice %arg2[%dma_wait3A_247, %dma_wait3A_248] : memref<10000x128xf32, #tpu.memory_space<hbm>> -> memref<128x128xf32, #tpu.memory_space<hbm>>
        tpu.wait_dma2 semaphore(%arg14 : memref<!tpu.dma_semaphore, #tpu.memory_space<semaphore_mem>>) src(%dma_wait3A_249 : memref<128x128xf32, #tpu.memory_space<hbm>>) dst(%arg9 : memref<128x128xf32, #tpu.memory_space<vmem>>)
      } else {
      }
      %dma_start3A = arith.constant 0 : i32
      %dma_start3A_35 = arith.constant 0 : i32
      %dma_start3A_36 = tpu.memref_slice %arg7[%dma_start3A, %dma_start3A_35] : memref<8x128xi32, #tpu.memory_space<vmem>> -> memref<1x128xi32, #tpu.memory_space<vmem>>
      %dma_start3A_37 = tpu.memref_squeeze %dma_start3A_36 : memref<1x128xi32, #tpu.memory_space<vmem>> -> memref<128xi32, #tpu.memory_space<vmem>>
      %dma_start3A_38 = arith.constant 0 : i32
      %dma_start3A_39 = arith.constant 0 : i32
      %dma_start3A_40 = tpu.memref_slice %arg2[%dma_start3A_38, %dma_start3A_39] : memref<10000x128xf32, #tpu.memory_space<hbm>> -> memref<10000x128xf32, #tpu.memory_space<hbm>>
      tpu.enqueue_indirect_dma source(%dma_start3A_40 : memref<10000x128xf32, #tpu.memory_space<hbm>>) target(%arg9 : memref<128x128xf32, #tpu.memory_space<vmem>>) offsets(%dma_start3A_37 : memref<128xi32, #tpu.memory_space<vmem>>) semaphore(%arg12 : memref<!tpu.dma_semaphore, #tpu.memory_space<semaphore_mem>>)
      %gt3A_41 = arith.constant 0 : i32
      %gt3A_42 = arith.cmpi sgt, %scan3A_21, %gt3A_41 : i32
      %convert_element_type3A_43 = arith.extui %gt3A_42 : i1 to i32
      %cond3A_44 = arith.constant 0 : i32
      %cond3A_45 = arith.cmpi ne, %convert_element_type3A_43, %cond3A_44 : i32
      scf.if %cond3A_45 {
        %dma_wait3A_244 = arith.constant 0 : i32
        %dma_wait3A_245 = arith.constant 0 : i32
        %dma_wait3A_246 = tpu.memref_slice %arg2[%dma_wait3A_244, %dma_wait3A_245] : memref<10000x128xf32, #tpu.memory_space<hbm>> -> memref<128x128xf32, #tpu.memory_space<hbm>>
        %dma_wait3A_247 = arith.constant 0 : i32
        %dma_wait3A_248 = arith.constant 0 : i32
        %dma_wait3A_249 = tpu.memref_slice %arg2[%dma_wait3A_247, %dma_wait3A_248] : memref<10000x128xf32, #tpu.memory_space<hbm>> -> memref<128x128xf32, #tpu.memory_space<hbm>>
        tpu.wait_dma2 semaphore(%arg15 : memref<!tpu.dma_semaphore, #tpu.memory_space<semaphore_mem>>) src(%dma_wait3A_249 : memref<128x128xf32, #tpu.memory_space<hbm>>) dst(%arg10 : memref<128x128xf32, #tpu.memory_space<vmem>>)
      } else {
      }
      %dma_start3A_46 = arith.constant 1 : i32
      %dma_start3A_47 = arith.constant 0 : i32
      %dma_start3A_48 = tpu.memref_slice %arg7[%dma_start3A_46, %dma_start3A_47] : memref<8x128xi32, #tpu.memory_space<vmem>> -> memref<1x128xi32, #tpu.memory_space<vmem>>
      %dma_start3A_49 = tpu.memref_squeeze %dma_start3A_48 : memref<1x128xi32, #tpu.memory_space<vmem>> -> memref<128xi32, #tpu.memory_space<vmem>>
      %dma_start3A_50 = arith.constant 0 : i32
      %dma_start3A_51 = arith.constant 0 : i32
      %dma_start3A_52 = tpu.memref_slice %arg2[%dma_start3A_50, %dma_start3A_51] : memref<10000x128xf32, #tpu.memory_space<hbm>> -> memref<10000x128xf32, #tpu.memory_space<hbm>>
      tpu.enqueue_indirect_dma source(%dma_start3A_52 : memref<10000x128xf32, #tpu.memory_space<hbm>>) target(%arg10 : memref<128x128xf32, #tpu.memory_space<vmem>>) offsets(%dma_start3A_49 : memref<128xi32, #tpu.memory_space<vmem>>) semaphore(%arg13 : memref<!tpu.dma_semaphore, #tpu.memory_space<semaphore_mem>>)
      %dma_wait3A_53 = arith.constant 0 : i32
      %dma_wait3A_54 = arith.constant 0 : i32
      %dma_wait3A_55 = tpu.memref_slice %arg7[%dma_wait3A_53, %dma_wait3A_54] : memref<8x128xi32, #tpu.memory_space<vmem>> -> memref<1x128xi32, #tpu.memory_space<vmem>>
      %dma_wait3A_56 = tpu.memref_squeeze %dma_wait3A_55 : memref<1x128xi32, #tpu.memory_space<vmem>> -> memref<128xi32, #tpu.memory_space<vmem>>
      %dma_wait3A_57 = arith.constant 0 : i32
      %dma_wait3A_58 = arith.constant 0 : i32
      %dma_wait3A_59 = tpu.memref_slice %arg2[%dma_wait3A_57, %dma_wait3A_58] : memref<10000x128xf32, #tpu.memory_space<hbm>> -> memref<10000x128xf32, #tpu.memory_space<hbm>>
      tpu.wait_indirect_dma semaphore(%arg12 : memref<!tpu.dma_semaphore, #tpu.memory_space<semaphore_mem>>) src(%dma_wait3A_59 : memref<10000x128xf32, #tpu.memory_space<hbm>>) dst(%arg9 : memref<128x128xf32, #tpu.memory_space<vmem>>)
      %dma_start3A_60 = arith.constant 0 : i32
      %dma_start3A_61 = arith.constant 0 : i32
      %dma_start3A_62 = tpu.memref_slice %arg8[%dma_start3A_60, %dma_start3A_61] : memref<8x128xi32, #tpu.memory_space<vmem>> -> memref<1x128xi32, #tpu.memory_space<vmem>>
      %dma_start3A_63 = tpu.memref_squeeze %dma_start3A_62 : memref<1x128xi32, #tpu.memory_space<vmem>> -> memref<128xi32, #tpu.memory_space<vmem>>
      %dma_start3A_64 = arith.constant 0 : i32
      %dma_start3A_65 = arith.constant 0 : i32
      %dma_start3A_66 = tpu.memref_slice %arg11[%dma_start3A_64, %dma_start3A_65] : memref<10112x128xf32, #tpu.memory_space<vmem_shared>> -> memref<10112x128xf32, #tpu.memory_space<vmem_shared>>
      tpu.enqueue_indirect_dma source(%arg9 : memref<128x128xf32, #tpu.memory_space<vmem>>) target(%dma_start3A_66 : memref<10112x128xf32, #tpu.memory_space<vmem_shared>>) offsets(%dma_start3A_63 : memref<128xi32, #tpu.memory_space<vmem>>) semaphore(%arg14 : memref<!tpu.dma_semaphore, #tpu.memory_space<semaphore_mem>>) {add = true}
      %dma_wait3A_67 = arith.constant 1 : i32
      %dma_wait3A_68 = arith.constant 0 : i32
      %dma_wait3A_69 = tpu.memref_slice %arg7[%dma_wait3A_67, %dma_wait3A_68] : memref<8x128xi32, #tpu.memory_space<vmem>> -> memref<1x128xi32, #tpu.memory_space<vmem>>
      %dma_wait3A_70 = tpu.memref_squeeze %dma_wait3A_69 : memref<1x128xi32, #tpu.memory_space<vmem>> -> memref<128xi32, #tpu.memory_space<vmem>>
      %dma_wait3A_71 = arith.constant 0 : i32
      %dma_wait3A_72 = arith.constant 0 : i32
      %dma_wait3A_73 = tpu.memref_slice %arg2[%dma_wait3A_71, %dma_wait3A_72] : memref<10000x128xf32, #tpu.memory_space<hbm>> -> memref<10000x128xf32, #tpu.memory_space<hbm>>
      tpu.wait_indirect_dma semaphore(%arg13 : memref<!tpu.dma_semaphore, #tpu.memory_space<semaphore_mem>>) src(%dma_wait3A_73 : memref<10000x128xf32, #tpu.memory_space<hbm>>) dst(%arg10 : memref<128x128xf32, #tpu.memory_space<vmem>>)
      %dma_start3A_74 = arith.constant 1 : i32
      %dma_start3A_75 = arith.constant 0 : i32
      %dma_start3A_76 = tpu.memref_slice %arg8[%dma_start3A_74, %dma_start3A_75] : memref<8x128xi32, #tpu.memory_space<vmem>> -> memref<1x128xi32, #tpu.memory_space<vmem>>
      %dma_start3A_77 = tpu.memref_squeeze %dma_start3A_76 : memref<1x128xi32, #tpu.memory_space<vmem>> -> memref<128xi32, #tpu.memory_space<vmem>>
      %dma_start3A_78 = arith.constant 0 : i32
      %dma_start3A_79 = arith.constant 0 : i32
      %dma_start3A_80 = tpu.memref_slice %arg11[%dma_start3A_78, %dma_start3A_79] : memref<10112x128xf32, #tpu.memory_space<vmem_shared>> -> memref<10112x128xf32, #tpu.memory_space<vmem_shared>>
      tpu.enqueue_indirect_dma source(%arg10 : memref<128x128xf32, #tpu.memory_space<vmem>>) target(%dma_start3A_80 : memref<10112x128xf32, #tpu.memory_space<vmem_shared>>) offsets(%dma_start3A_77 : memref<128xi32, #tpu.memory_space<vmem>>) semaphore(%arg15 : memref<!tpu.dma_semaphore, #tpu.memory_space<semaphore_mem>>) {add = true}
      %dma_wait3A_81 = arith.constant 0 : i32
      %dma_wait3A_82 = arith.constant 0 : i32
      %dma_wait3A_83 = tpu.memref_slice %arg2[%dma_wait3A_81, %dma_wait3A_82] : memref<10000x128xf32, #tpu.memory_space<hbm>> -> memref<128x128xf32, #tpu.memory_space<hbm>>
      %dma_wait3A_84 = arith.constant 0 : i32
      %dma_wait3A_85 = arith.constant 0 : i32
      %dma_wait3A_86 = tpu.memref_slice %arg2[%dma_wait3A_84, %dma_wait3A_85] : memref<10000x128xf32, #tpu.memory_space<hbm>> -> memref<128x128xf32, #tpu.memory_space<hbm>>
      tpu.wait_dma2 semaphore(%arg14 : memref<!tpu.dma_semaphore, #tpu.memory_space<semaphore_mem>>) src(%dma_wait3A_86 : memref<128x128xf32, #tpu.memory_space<hbm>>) dst(%arg9 : memref<128x128xf32, #tpu.memory_space<vmem>>)
      %dma_start3A_87 = arith.constant 2 : i32
      %dma_start3A_88 = arith.constant 0 : i32
      %dma_start3A_89 = tpu.memref_slice %arg7[%dma_start3A_87, %dma_start3A_88] : memref<8x128xi32, #tpu.memory_space<vmem>> -> memref<1x128xi32, #tpu.memory_space<vmem>>
      %dma_start3A_90 = tpu.memref_squeeze %dma_start3A_89 : memref<1x128xi32, #tpu.memory_space<vmem>> -> memref<128xi32, #tpu.memory_space<vmem>>
      %dma_start3A_91 = arith.constant 0 : i32
      %dma_start3A_92 = arith.constant 0 : i32
      %dma_start3A_93 = tpu.memref_slice %arg2[%dma_start3A_91, %dma_start3A_92] : memref<10000x128xf32, #tpu.memory_space<hbm>> -> memref<10000x128xf32, #tpu.memory_space<hbm>>
      tpu.enqueue_indirect_dma source(%dma_start3A_93 : memref<10000x128xf32, #tpu.memory_space<hbm>>) target(%arg9 : memref<128x128xf32, #tpu.memory_space<vmem>>) offsets(%dma_start3A_90 : memref<128xi32, #tpu.memory_space<vmem>>) semaphore(%arg12 : memref<!tpu.dma_semaphore, #tpu.memory_space<semaphore_mem>>)
      %dma_wait3A_94 = arith.constant 0 : i32
      %dma_wait3A_95 = arith.constant 0 : i32
      %dma_wait3A_96 = tpu.memref_slice %arg2[%dma_wait3A_94, %dma_wait3A_95] : memref<10000x128xf32, #tpu.memory_space<hbm>> -> memref<128x128xf32, #tpu.memory_space<hbm>>
      %dma_wait3A_97 = arith.constant 0 : i32
      %dma_wait3A_98 = arith.constant 0 : i32
      %dma_wait3A_99 = tpu.memref_slice %arg2[%dma_wait3A_97, %dma_wait3A_98] : memref<10000x128xf32, #tpu.memory_space<hbm>> -> memref<128x128xf32, #tpu.memory_space<hbm>>
      tpu.wait_dma2 semaphore(%arg15 : memref<!tpu.dma_semaphore, #tpu.memory_space<semaphore_mem>>) src(%dma_wait3A_99 : memref<128x128xf32, #tpu.memory_space<hbm>>) dst(%arg10 : memref<128x128xf32, #tpu.memory_space<vmem>>)
      %dma_start3A_100 = arith.constant 3 : i32
      %dma_start3A_101 = arith.constant 0 : i32
      %dma_start3A_102 = tpu.memref_slice %arg7[%dma_start3A_100, %dma_start3A_101] : memref<8x128xi32, #tpu.memory_space<vmem>> -> memref<1x128xi32, #tpu.memory_space<vmem>>
      %dma_start3A_103 = tpu.memref_squeeze %dma_start3A_102 : memref<1x128xi32, #tpu.memory_space<vmem>> -> memref<128xi32, #tpu.memory_space<vmem>>
      %dma_start3A_104 = arith.constant 0 : i32
      %dma_start3A_105 = arith.constant 0 : i32
      %dma_start3A_106 = tpu.memref_slice %arg2[%dma_start3A_104, %dma_start3A_105] : memref<10000x128xf32, #tpu.memory_space<hbm>> -> memref<10000x128xf32, #tpu.memory_space<hbm>>
      tpu.enqueue_indirect_dma source(%dma_start3A_106 : memref<10000x128xf32, #tpu.memory_space<hbm>>) target(%arg10 : memref<128x128xf32, #tpu.memory_space<vmem>>) offsets(%dma_start3A_103 : memref<128xi32, #tpu.memory_space<vmem>>) semaphore(%arg13 : memref<!tpu.dma_semaphore, #tpu.memory_space<semaphore_mem>>)
      %dma_wait3A_107 = arith.constant 2 : i32
      %dma_wait3A_108 = arith.constant 0 : i32
      %dma_wait3A_109 = tpu.memref_slice %arg7[%dma_wait3A_107, %dma_wait3A_108] : memref<8x128xi32, #tpu.memory_space<vmem>> -> memref<1x128xi32, #tpu.memory_space<vmem>>
      %dma_wait3A_110 = tpu.memref_squeeze %dma_wait3A_109 : memref<1x128xi32, #tpu.memory_space<vmem>> -> memref<128xi32, #tpu.memory_space<vmem>>
      %dma_wait3A_111 = arith.constant 0 : i32
      %dma_wait3A_112 = arith.constant 0 : i32
      %dma_wait3A_113 = tpu.memref_slice %arg2[%dma_wait3A_111, %dma_wait3A_112] : memref<10000x128xf32, #tpu.memory_space<hbm>> -> memref<10000x128xf32, #tpu.memory_space<hbm>>
      tpu.wait_indirect_dma semaphore(%arg12 : memref<!tpu.dma_semaphore, #tpu.memory_space<semaphore_mem>>) src(%dma_wait3A_113 : memref<10000x128xf32, #tpu.memory_space<hbm>>) dst(%arg9 : memref<128x128xf32, #tpu.memory_space<vmem>>)
      %dma_start3A_114 = arith.constant 2 : i32
      %dma_start3A_115 = arith.constant 0 : i32
      %dma_start3A_116 = tpu.memref_slice %arg8[%dma_start3A_114, %dma_start3A_115] : memref<8x128xi32, #tpu.memory_space<vmem>> -> memref<1x128xi32, #tpu.memory_space<vmem>>
      %dma_start3A_117 = tpu.memref_squeeze %dma_start3A_116 : memref<1x128xi32, #tpu.memory_space<vmem>> -> memref<128xi32, #tpu.memory_space<vmem>>
      %dma_start3A_118 = arith.constant 0 : i32
      %dma_start3A_119 = arith.constant 0 : i32
      %dma_start3A_120 = tpu.memref_slice %arg11[%dma_start3A_118, %dma_start3A_119] : memref<10112x128xf32, #tpu.memory_space<vmem_shared>> -> memref<10112x128xf32, #tpu.memory_space<vmem_shared>>
      tpu.enqueue_indirect_dma source(%arg9 : memref<128x128xf32, #tpu.memory_space<vmem>>) target(%dma_start3A_120 : memref<10112x128xf32, #tpu.memory_space<vmem_shared>>) offsets(%dma_start3A_117 : memref<128xi32, #tpu.memory_space<vmem>>) semaphore(%arg14 : memref<!tpu.dma_semaphore, #tpu.memory_space<semaphore_mem>>) {add = true}
      %dma_wait3A_121 = arith.constant 3 : i32
      %dma_wait3A_122 = arith.constant 0 : i32
      %dma_wait3A_123 = tpu.memref_slice %arg7[%dma_wait3A_121, %dma_wait3A_122] : memref<8x128xi32, #tpu.memory_space<vmem>> -> memref<1x128xi32, #tpu.memory_space<vmem>>
      %dma_wait3A_124 = tpu.memref_squeeze %dma_wait3A_123 : memref<1x128xi32, #tpu.memory_space<vmem>> -> memref<128xi32, #tpu.memory_space<vmem>>
      %dma_wait3A_125 = arith.constant 0 : i32
      %dma_wait3A_126 = arith.constant 0 : i32
      %dma_wait3A_127 = tpu.memref_slice %arg2[%dma_wait3A_125, %dma_wait3A_126] : memref<10000x128xf32, #tpu.memory_space<hbm>> -> memref<10000x128xf32, #tpu.memory_space<hbm>>
      tpu.wait_indirect_dma semaphore(%arg13 : memref<!tpu.dma_semaphore, #tpu.memory_space<semaphore_mem>>) src(%dma_wait3A_127 : memref<10000x128xf32, #tpu.memory_space<hbm>>) dst(%arg10 : memref<128x128xf32, #tpu.memory_space<vmem>>)
      %dma_start3A_128 = arith.constant 3 : i32
      %dma_start3A_129 = arith.constant 0 : i32
      %dma_start3A_130 = tpu.memref_slice %arg8[%dma_start3A_128, %dma_start3A_129] : memref<8x128xi32, #tpu.memory_space<vmem>> -> memref<1x128xi32, #tpu.memory_space<vmem>>
      %dma_start3A_131 = tpu.memref_squeeze %dma_start3A_130 : memref<1x128xi32, #tpu.memory_space<vmem>> -> memref<128xi32, #tpu.memory_space<vmem>>
      %dma_start3A_132 = arith.constant 0 : i32
      %dma_start3A_133 = arith.constant 0 : i32
      %dma_start3A_134 = tpu.memref_slice %arg11[%dma_start3A_132, %dma_start3A_133] : memref<10112x128xf32, #tpu.memory_space<vmem_shared>> -> memref<10112x128xf32, #tpu.memory_space<vmem_shared>>
      tpu.enqueue_indirect_dma source(%arg10 : memref<128x128xf32, #tpu.memory_space<vmem>>) target(%dma_start3A_134 : memref<10112x128xf32, #tpu.memory_space<vmem_shared>>) offsets(%dma_start3A_131 : memref<128xi32, #tpu.memory_space<vmem>>) semaphore(%arg15 : memref<!tpu.dma_semaphore, #tpu.memory_space<semaphore_mem>>) {add = true}
      %dma_wait3A_135 = arith.constant 0 : i32
      %dma_wait3A_136 = arith.constant 0 : i32
      %dma_wait3A_137 = tpu.memref_slice %arg2[%dma_wait3A_135, %dma_wait3A_136] : memref<10000x128xf32, #tpu.memory_space<hbm>> -> memref<128x128xf32, #tpu.memory_space<hbm>>
      %dma_wait3A_138 = arith.constant 0 : i32
      %dma_wait3A_139 = arith.constant 0 : i32
      %dma_wait3A_140 = tpu.memref_slice %arg2[%dma_wait3A_138, %dma_wait3A_139] : memref<10000x128xf32, #tpu.memory_space<hbm>> -> memref<128x128xf32, #tpu.memory_space<hbm>>
      tpu.wait_dma2 semaphore(%arg14 : memref<!tpu.dma_semaphore, #tpu.memory_space<semaphore_mem>>) src(%dma_wait3A_140 : memref<128x128xf32, #tpu.memory_space<hbm>>) dst(%arg9 : memref<128x128xf32, #tpu.memory_space<vmem>>)
      %dma_start3A_141 = arith.constant 4 : i32
      %dma_start3A_142 = arith.constant 0 : i32
      %dma_start3A_143 = tpu.memref_slice %arg7[%dma_start3A_141, %dma_start3A_142] : memref<8x128xi32, #tpu.memory_space<vmem>> -> memref<1x128xi32, #tpu.memory_space<vmem>>
      %dma_start3A_144 = tpu.memref_squeeze %dma_start3A_143 : memref<1x128xi32, #tpu.memory_space<vmem>> -> memref<128xi32, #tpu.memory_space<vmem>>
      %dma_start3A_145 = arith.constant 0 : i32
      %dma_start3A_146 = arith.constant 0 : i32
      %dma_start3A_147 = tpu.memref_slice %arg2[%dma_start3A_145, %dma_start3A_146] : memref<10000x128xf32, #tpu.memory_space<hbm>> -> memref<10000x128xf32, #tpu.memory_space<hbm>>
      tpu.enqueue_indirect_dma source(%dma_start3A_147 : memref<10000x128xf32, #tpu.memory_space<hbm>>) target(%arg9 : memref<128x128xf32, #tpu.memory_space<vmem>>) offsets(%dma_start3A_144 : memref<128xi32, #tpu.memory_space<vmem>>) semaphore(%arg12 : memref<!tpu.dma_semaphore, #tpu.memory_space<semaphore_mem>>)
      %dma_wait3A_148 = arith.constant 0 : i32
      %dma_wait3A_149 = arith.constant 0 : i32
      %dma_wait3A_150 = tpu.memref_slice %arg2[%dma_wait3A_148, %dma_wait3A_149] : memref<10000x128xf32, #tpu.memory_space<hbm>> -> memref<128x128xf32, #tpu.memory_space<hbm>>
      %dma_wait3A_151 = arith.constant 0 : i32
      %dma_wait3A_152 = arith.constant 0 : i32
      %dma_wait3A_153 = tpu.memref_slice %arg2[%dma_wait3A_151, %dma_wait3A_152] : memref<10000x128xf32, #tpu.memory_space<hbm>> -> memref<128x128xf32, #tpu.memory_space<hbm>>
      tpu.wait_dma2 semaphore(%arg15 : memref<!tpu.dma_semaphore, #tpu.memory_space<semaphore_mem>>) src(%dma_wait3A_153 : memref<128x128xf32, #tpu.memory_space<hbm>>) dst(%arg10 : memref<128x128xf32, #tpu.memory_space<vmem>>)
      %dma_start3A_154 = arith.constant 5 : i32
      %dma_start3A_155 = arith.constant 0 : i32
      %dma_start3A_156 = tpu.memref_slice %arg7[%dma_start3A_154, %dma_start3A_155] : memref<8x128xi32, #tpu.memory_space<vmem>> -> memref<1x128xi32, #tpu.memory_space<vmem>>
      %dma_start3A_157 = tpu.memref_squeeze %dma_start3A_156 : memref<1x128xi32, #tpu.memory_space<vmem>> -> memref<128xi32, #tpu.memory_space<vmem>>
      %dma_start3A_158 = arith.constant 0 : i32
      %dma_start3A_159 = arith.constant 0 : i32
      %dma_start3A_160 = tpu.memref_slice %arg2[%dma_start3A_158, %dma_start3A_159] : memref<10000x128xf32, #tpu.memory_space<hbm>> -> memref<10000x128xf32, #tpu.memory_space<hbm>>
      tpu.enqueue_indirect_dma source(%dma_start3A_160 : memref<10000x128xf32, #tpu.memory_space<hbm>>) target(%arg10 : memref<128x128xf32, #tpu.memory_space<vmem>>) offsets(%dma_start3A_157 : memref<128xi32, #tpu.memory_space<vmem>>) semaphore(%arg13 : memref<!tpu.dma_semaphore, #tpu.memory_space<semaphore_mem>>)
      %dma_wait3A_161 = arith.constant 4 : i32
      %dma_wait3A_162 = arith.constant 0 : i32
      %dma_wait3A_163 = tpu.memref_slice %arg7[%dma_wait3A_161, %dma_wait3A_162] : memref<8x128xi32, #tpu.memory_space<vmem>> -> memref<1x128xi32, #tpu.memory_space<vmem>>
      %dma_wait3A_164 = tpu.memref_squeeze %dma_wait3A_163 : memref<1x128xi32, #tpu.memory_space<vmem>> -> memref<128xi32, #tpu.memory_space<vmem>>
      %dma_wait3A_165 = arith.constant 0 : i32
      %dma_wait3A_166 = arith.constant 0 : i32
      %dma_wait3A_167 = tpu.memref_slice %arg2[%dma_wait3A_165, %dma_wait3A_166] : memref<10000x128xf32, #tpu.memory_space<hbm>> -> memref<10000x128xf32, #tpu.memory_space<hbm>>
      tpu.wait_indirect_dma semaphore(%arg12 : memref<!tpu.dma_semaphore, #tpu.memory_space<semaphore_mem>>) src(%dma_wait3A_167 : memref<10000x128xf32, #tpu.memory_space<hbm>>) dst(%arg9 : memref<128x128xf32, #tpu.memory_space<vmem>>)
      %dma_start3A_168 = arith.constant 4 : i32
      %dma_start3A_169 = arith.constant 0 : i32
      %dma_start3A_170 = tpu.memref_slice %arg8[%dma_start3A_168, %dma_start3A_169] : memref<8x128xi32, #tpu.memory_space<vmem>> -> memref<1x128xi32, #tpu.memory_space<vmem>>
      %dma_start3A_171 = tpu.memref_squeeze %dma_start3A_170 : memref<1x128xi32, #tpu.memory_space<vmem>> -> memref<128xi32, #tpu.memory_space<vmem>>
      %dma_start3A_172 = arith.constant 0 : i32
      %dma_start3A_173 = arith.constant 0 : i32
      %dma_start3A_174 = tpu.memref_slice %arg11[%dma_start3A_172, %dma_start3A_173] : memref<10112x128xf32, #tpu.memory_space<vmem_shared>> -> memref<10112x128xf32, #tpu.memory_space<vmem_shared>>
      tpu.enqueue_indirect_dma source(%arg9 : memref<128x128xf32, #tpu.memory_space<vmem>>) target(%dma_start3A_174 : memref<10112x128xf32, #tpu.memory_space<vmem_shared>>) offsets(%dma_start3A_171 : memref<128xi32, #tpu.memory_space<vmem>>) semaphore(%arg14 : memref<!tpu.dma_semaphore, #tpu.memory_space<semaphore_mem>>) {add = true}
      %dma_wait3A_175 = arith.constant 5 : i32
      %dma_wait3A_176 = arith.constant 0 : i32
      %dma_wait3A_177 = tpu.memref_slice %arg7[%dma_wait3A_175, %dma_wait3A_176] : memref<8x128xi32, #tpu.memory_space<vmem>> -> memref<1x128xi32, #tpu.memory_space<vmem>>
      %dma_wait3A_178 = tpu.memref_squeeze %dma_wait3A_177 : memref<1x128xi32, #tpu.memory_space<vmem>> -> memref<128xi32, #tpu.memory_space<vmem>>
      %dma_wait3A_179 = arith.constant 0 : i32
      %dma_wait3A_180 = arith.constant 0 : i32
      %dma_wait3A_181 = tpu.memref_slice %arg2[%dma_wait3A_179, %dma_wait3A_180] : memref<10000x128xf32, #tpu.memory_space<hbm>> -> memref<10000x128xf32, #tpu.memory_space<hbm>>
      tpu.wait_indirect_dma semaphore(%arg13 : memref<!tpu.dma_semaphore, #tpu.memory_space<semaphore_mem>>) src(%dma_wait3A_181 : memref<10000x128xf32, #tpu.memory_space<hbm>>) dst(%arg10 : memref<128x128xf32, #tpu.memory_space<vmem>>)
      %dma_start3A_182 = arith.constant 5 : i32
      %dma_start3A_183 = arith.constant 0 : i32
      %dma_start3A_184 = tpu.memref_slice %arg8[%dma_start3A_182, %dma_start3A_183] : memref<8x128xi32, #tpu.memory_space<vmem>> -> memref<1x128xi32, #tpu.memory_space<vmem>>
      %dma_start3A_185 = tpu.memref_squeeze %dma_start3A_184 : memref<1x128xi32, #tpu.memory_space<vmem>> -> memref<128xi32, #tpu.memory_space<vmem>>
      %dma_start3A_186 = arith.constant 0 : i32
      %dma_start3A_187 = arith.constant 0 : i32
      %dma_start3A_188 = tpu.memref_slice %arg11[%dma_start3A_186, %dma_start3A_187] : memref<10112x128xf32, #tpu.memory_space<vmem_shared>> -> memref<10112x128xf32, #tpu.memory_space<vmem_shared>>
      tpu.enqueue_indirect_dma source(%arg10 : memref<128x128xf32, #tpu.memory_space<vmem>>) target(%dma_start3A_188 : memref<10112x128xf32, #tpu.memory_space<vmem_shared>>) offsets(%dma_start3A_185 : memref<128xi32, #tpu.memory_space<vmem>>) semaphore(%arg15 : memref<!tpu.dma_semaphore, #tpu.memory_space<semaphore_mem>>) {add = true}
      %dma_wait3A_189 = arith.constant 0 : i32
      %dma_wait3A_190 = arith.constant 0 : i32
      %dma_wait3A_191 = tpu.memref_slice %arg2[%dma_wait3A_189, %dma_wait3A_190] : memref<10000x128xf32, #tpu.memory_space<hbm>> -> memref<128x128xf32, #tpu.memory_space<hbm>>
      %dma_wait3A_192 = arith.constant 0 : i32
      %dma_wait3A_193 = arith.constant 0 : i32
      %dma_wait3A_194 = tpu.memref_slice %arg2[%dma_wait3A_192, %dma_wait3A_193] : memref<10000x128xf32, #tpu.memory_space<hbm>> -> memref<128x128xf32, #tpu.memory_space<hbm>>
      tpu.wait_dma2 semaphore(%arg14 : memref<!tpu.dma_semaphore, #tpu.memory_space<semaphore_mem>>) src(%dma_wait3A_194 : memref<128x128xf32, #tpu.memory_space<hbm>>) dst(%arg9 : memref<128x128xf32, #tpu.memory_space<vmem>>)
      %dma_start3A_195 = arith.constant 6 : i32
      %dma_start3A_196 = arith.constant 0 : i32
      %dma_start3A_197 = tpu.memref_slice %arg7[%dma_start3A_195, %dma_start3A_196] : memref<8x128xi32, #tpu.memory_space<vmem>> -> memref<1x128xi32, #tpu.memory_space<vmem>>
      %dma_start3A_198 = tpu.memref_squeeze %dma_start3A_197 : memref<1x128xi32, #tpu.memory_space<vmem>> -> memref<128xi32, #tpu.memory_space<vmem>>
      %dma_start3A_199 = arith.constant 0 : i32
      %dma_start3A_200 = arith.constant 0 : i32
      %dma_start3A_201 = tpu.memref_slice %arg2[%dma_start3A_199, %dma_start3A_200] : memref<10000x128xf32, #tpu.memory_space<hbm>> -> memref<10000x128xf32, #tpu.memory_space<hbm>>
      tpu.enqueue_indirect_dma source(%dma_start3A_201 : memref<10000x128xf32, #tpu.memory_space<hbm>>) target(%arg9 : memref<128x128xf32, #tpu.memory_space<vmem>>) offsets(%dma_start3A_198 : memref<128xi32, #tpu.memory_space<vmem>>) semaphore(%arg12 : memref<!tpu.dma_semaphore, #tpu.memory_space<semaphore_mem>>)
      %dma_wait3A_202 = arith.constant 0 : i32
      %dma_wait3A_203 = arith.constant 0 : i32
      %dma_wait3A_204 = tpu.memref_slice %arg2[%dma_wait3A_202, %dma_wait3A_203] : memref<10000x128xf32, #tpu.memory_space<hbm>> -> memref<128x128xf32, #tpu.memory_space<hbm>>
      %dma_wait3A_205 = arith.constant 0 : i32
      %dma_wait3A_206 = arith.constant 0 : i32
      %dma_wait3A_207 = tpu.memref_slice %arg2[%dma_wait3A_205, %dma_wait3A_206] : memref<10000x128xf32, #tpu.memory_space<hbm>> -> memref<128x128xf32, #tpu.memory_space<hbm>>
      tpu.wait_dma2 semaphore(%arg15 : memref<!tpu.dma_semaphore, #tpu.memory_space<semaphore_mem>>) src(%dma_wait3A_207 : memref<128x128xf32, #tpu.memory_space<hbm>>) dst(%arg10 : memref<128x128xf32, #tpu.memory_space<vmem>>)
      %dma_start3A_208 = arith.constant 7 : i32
      %dma_start3A_209 = arith.constant 0 : i32
      %dma_start3A_210 = tpu.memref_slice %arg7[%dma_start3A_208, %dma_start3A_209] : memref<8x128xi32, #tpu.memory_space<vmem>> -> memref<1x128xi32, #tpu.memory_space<vmem>>
      %dma_start3A_211 = tpu.memref_squeeze %dma_start3A_210 : memref<1x128xi32, #tpu.memory_space<vmem>> -> memref<128xi32, #tpu.memory_space<vmem>>
      %dma_start3A_212 = arith.constant 0 : i32
      %dma_start3A_213 = arith.constant 0 : i32
      %dma_start3A_214 = tpu.memref_slice %arg2[%dma_start3A_212, %dma_start3A_213] : memref<10000x128xf32, #tpu.memory_space<hbm>> -> memref<10000x128xf32, #tpu.memory_space<hbm>>
      tpu.enqueue_indirect_dma source(%dma_start3A_214 : memref<10000x128xf32, #tpu.memory_space<hbm>>) target(%arg10 : memref<128x128xf32, #tpu.memory_space<vmem>>) offsets(%dma_start3A_211 : memref<128xi32, #tpu.memory_space<vmem>>) semaphore(%arg13 : memref<!tpu.dma_semaphore, #tpu.memory_space<semaphore_mem>>)
      %dma_wait3A_215 = arith.constant 6 : i32
      %dma_wait3A_216 = arith.constant 0 : i32
      %dma_wait3A_217 = tpu.memref_slice %arg7[%dma_wait3A_215, %dma_wait3A_216] : memref<8x128xi32, #tpu.memory_space<vmem>> -> memref<1x128xi32, #tpu.memory_space<vmem>>
      %dma_wait3A_218 = tpu.memref_squeeze %dma_wait3A_217 : memref<1x128xi32, #tpu.memory_space<vmem>> -> memref<128xi32, #tpu.memory_space<vmem>>
      %dma_wait3A_219 = arith.constant 0 : i32
      %dma_wait3A_220 = arith.constant 0 : i32
      %dma_wait3A_221 = tpu.memref_slice %arg2[%dma_wait3A_219, %dma_wait3A_220] : memref<10000x128xf32, #tpu.memory_space<hbm>> -> memref<10000x128xf32, #tpu.memory_space<hbm>>
      tpu.wait_indirect_dma semaphore(%arg12 : memref<!tpu.dma_semaphore, #tpu.memory_space<semaphore_mem>>) src(%dma_wait3A_221 : memref<10000x128xf32, #tpu.memory_space<hbm>>) dst(%arg9 : memref<128x128xf32, #tpu.memory_space<vmem>>)
      %dma_start3A_222 = arith.constant 6 : i32
      %dma_start3A_223 = arith.constant 0 : i32
      %dma_start3A_224 = tpu.memref_slice %arg8[%dma_start3A_222, %dma_start3A_223] : memref<8x128xi32, #tpu.memory_space<vmem>> -> memref<1x128xi32, #tpu.memory_space<vmem>>
      %dma_start3A_225 = tpu.memref_squeeze %dma_start3A_224 : memref<1x128xi32, #tpu.memory_space<vmem>> -> memref<128xi32, #tpu.memory_space<vmem>>
      %dma_start3A_226 = arith.constant 0 : i32
      %dma_start3A_227 = arith.constant 0 : i32
      %dma_start3A_228 = tpu.memref_slice %arg11[%dma_start3A_226, %dma_start3A_227] : memref<10112x128xf32, #tpu.memory_space<vmem_shared>> -> memref<10112x128xf32, #tpu.memory_space<vmem_shared>>
      tpu.enqueue_indirect_dma source(%arg9 : memref<128x128xf32, #tpu.memory_space<vmem>>) target(%dma_start3A_228 : memref<10112x128xf32, #tpu.memory_space<vmem_shared>>) offsets(%dma_start3A_225 : memref<128xi32, #tpu.memory_space<vmem>>) semaphore(%arg14 : memref<!tpu.dma_semaphore, #tpu.memory_space<semaphore_mem>>) {add = true}
      %dma_wait3A_229 = arith.constant 7 : i32
      %dma_wait3A_230 = arith.constant 0 : i32
      %dma_wait3A_231 = tpu.memref_slice %arg7[%dma_wait3A_229, %dma_wait3A_230] : memref<8x128xi32, #tpu.memory_space<vmem>> -> memref<1x128xi32, #tpu.memory_space<vmem>>
      %dma_wait3A_232 = tpu.memref_squeeze %dma_wait3A_231 : memref<1x128xi32, #tpu.memory_space<vmem>> -> memref<128xi32, #tpu.memory_space<vmem>>
      %dma_wait3A_233 = arith.constant 0 : i32
      %dma_wait3A_234 = arith.constant 0 : i32
      %dma_wait3A_235 = tpu.memref_slice %arg2[%dma_wait3A_233, %dma_wait3A_234] : memref<10000x128xf32, #tpu.memory_space<hbm>> -> memref<10000x128xf32, #tpu.memory_space<hbm>>
      tpu.wait_indirect_dma semaphore(%arg13 : memref<!tpu.dma_semaphore, #tpu.memory_space<semaphore_mem>>) src(%dma_wait3A_235 : memref<10000x128xf32, #tpu.memory_space<hbm>>) dst(%arg10 : memref<128x128xf32, #tpu.memory_space<vmem>>)
      %dma_start3A_236 = arith.constant 7 : i32
      %dma_start3A_237 = arith.constant 0 : i32
      %dma_start3A_238 = tpu.memref_slice %arg8[%dma_start3A_236, %dma_start3A_237] : memref<8x128xi32, #tpu.memory_space<vmem>> -> memref<1x128xi32, #tpu.memory_space<vmem>>
      %dma_start3A_239 = tpu.memref_squeeze %dma_start3A_238 : memref<1x128xi32, #tpu.memory_space<vmem>> -> memref<128xi32, #tpu.memory_space<vmem>>
      %dma_start3A_240 = arith.constant 0 : i32
      %dma_start3A_241 = arith.constant 0 : i32
      %dma_start3A_242 = tpu.memref_slice %arg11[%dma_start3A_240, %dma_start3A_241] : memref<10112x128xf32, #tpu.memory_space<vmem_shared>> -> memref<10112x128xf32, #tpu.memory_space<vmem_shared>>
      tpu.enqueue_indirect_dma source(%arg10 : memref<128x128xf32, #tpu.memory_space<vmem>>) target(%dma_start3A_242 : memref<10112x128xf32, #tpu.memory_space<vmem_shared>>) offsets(%dma_start3A_239 : memref<128xi32, #tpu.memory_space<vmem>>) semaphore(%arg15 : memref<!tpu.dma_semaphore, #tpu.memory_space<semaphore_mem>>) {add = true}
      %scan3A_243 = arith.constant 0 : i32
      scf.yield %scan3A_243 : i32
    }
    %scan3A_8 = arith.constant 10 : i32
    %dma_wait3A = arith.constant 0 : i32
    %dma_wait3A_9 = arith.constant 0 : i32
    %dma_wait3A_10 = tpu.memref_slice %arg2[%dma_wait3A, %dma_wait3A_9] : memref<10000x128xf32, #tpu.memory_space<hbm>> -> memref<128x128xf32, #tpu.memory_space<hbm>>
    %dma_wait3A_11 = arith.constant 0 : i32
    %dma_wait3A_12 = arith.constant 0 : i32
    %dma_wait3A_13 = tpu.memref_slice %arg2[%dma_wait3A_11, %dma_wait3A_12] : memref<10000x128xf32, #tpu.memory_space<hbm>> -> memref<128x128xf32, #tpu.memory_space<hbm>>
    tpu.wait_dma2 semaphore(%arg14 : memref<!tpu.dma_semaphore, #tpu.memory_space<semaphore_mem>>) src(%dma_wait3A_13 : memref<128x128xf32, #tpu.memory_space<hbm>>) dst(%arg9 : memref<128x128xf32, #tpu.memory_space<vmem>>)
    %dma_wait3A_14 = arith.constant 0 : i32
    %dma_wait3A_15 = arith.constant 0 : i32
    %dma_wait3A_16 = tpu.memref_slice %arg2[%dma_wait3A_14, %dma_wait3A_15] : memref<10000x128xf32, #tpu.memory_space<hbm>> -> memref<128x128xf32, #tpu.memory_space<hbm>>
    %dma_wait3A_17 = arith.constant 0 : i32
    %dma_wait3A_18 = arith.constant 0 : i32
    %dma_wait3A_19 = tpu.memref_slice %arg2[%dma_wait3A_17, %dma_wait3A_18] : memref<10000x128xf32, #tpu.memory_space<hbm>> -> memref<128x128xf32, #tpu.memory_space<hbm>>
    tpu.wait_dma2 semaphore(%arg15 : memref<!tpu.dma_semaphore, #tpu.memory_space<semaphore_mem>>) src(%dma_wait3A_19 : memref<128x128xf32, #tpu.memory_space<hbm>>) dst(%arg10 : memref<128x128xf32, #tpu.memory_space<vmem>>)
    %barrier3A_20 = arith.constant 0 : index
    tpu.barrier barrier_id(%barrier3A_20)
    "tpu.region"() ({
      %run_scoped3A = tpu.sem_alloc : memref<!tpu.dma_semaphore, #tpu.memory_space<semaphore_mem>>
      %dma_start3A = arith.constant 0 : i32
      %dma_start3A_21 = tpu.memref_slice %arg6[%arg0, %mul3A_2, %dma_start3A] : memref<2x10112x128xf32, #tpu.memory_space<hbm>> -> memref<1x632x128xf32, #tpu.memory_space<hbm>>
      %dma_start3A_22 = tpu.memref_squeeze %dma_start3A_21 : memref<1x632x128xf32, #tpu.memory_space<hbm>> -> memref<632x128xf32, #tpu.memory_space<hbm>>
      %dma_start3A_23 = arith.constant 0 : i32
      %dma_start3A_24 = tpu.memref_slice %arg11[%mul3A_2, %dma_start3A_23] : memref<10112x128xf32, #tpu.memory_space<vmem_shared>> -> memref<632x128xf32, #tpu.memory_space<vmem_shared>>
      tpu.enqueue_dma source(%dma_start3A_24 : memref<632x128xf32, #tpu.memory_space<vmem_shared>>) target(%dma_start3A_22 : memref<632x128xf32, #tpu.memory_space<hbm>>) target_semaphore(%run_scoped3A : memref<!tpu.dma_semaphore, #tpu.memory_space<semaphore_mem>>)
      %dma_wait3A_25 = arith.constant 0 : i32
      %dma_wait3A_26 = tpu.memref_slice %arg6[%arg0, %mul3A_2, %dma_wait3A_25] : memref<2x10112x128xf32, #tpu.memory_space<hbm>> -> memref<1x632x128xf32, #tpu.memory_space<hbm>>
      %dma_wait3A_27 = tpu.memref_squeeze %dma_wait3A_26 : memref<1x632x128xf32, #tpu.memory_space<hbm>> -> memref<632x128xf32, #tpu.memory_space<hbm>>
      %dma_wait3A_28 = arith.constant 0 : i32
      %dma_wait3A_29 = tpu.memref_slice %arg11[%mul3A_2, %dma_wait3A_28] : memref<10112x128xf32, #tpu.memory_space<vmem_shared>> -> memref<632x128xf32, #tpu.memory_space<vmem_shared>>
      tpu.wait_dma2 semaphore(%run_scoped3A : memref<!tpu.dma_semaphore, #tpu.memory_space<semaphore_mem>>) src(%dma_wait3A_29 : memref<632x128xf32, #tpu.memory_space<vmem_shared>>) dst(%dma_wait3A_27 : memref<632x128xf32, #tpu.memory_space<hbm>>)
      tpu.yield
    }) : () -> ()
    return
  }
}

module attributes {stable_mosaic.version = 14 : i64} {
  func.func @_tc1_body(%arg0: i32, %arg1: memref<2x400x16xf32, #tpu.memory_space<vmem>>, %arg2: memref<400x128xf32, #tpu.memory_space<vmem>>, %arg3: memref<128x128xf32, #tpu.memory_space<vmem>>, %arg4: memref<400x16xf32, #tpu.memory_space<vmem>>, %arg5: memref<400x128xf32, #tpu.memory_space<vmem>>) attributes {dimension_semantics = [#tpu.dimension_semantics<arbitrary>], iteration_bounds = array<i64: 25>, scalar_prefetch = 0 : i64, scratch_operands = 0 : i64, tpu.core_type = #tpu.core_type<tc>, window_params = [{transform_indices = @transform_0, window_bounds = array<i64: 2, 400, 16>}, {transform_indices = @transform_1, window_bounds = array<i64: 400, 128>}, {pipeline_mode = #tpu.pipeline_mode<synchronous>, transform_indices = @transform_2, window_bounds = array<i64: 128, 128>}, {transform_indices = @transform_3, window_bounds = array<i64: 400, 16>}, {transform_indices = @transform_4, window_bounds = array<i64: 400, 128>}]} {
    %get3A = arith.constant 0 : index
    %get3A_0 = arith.constant 0 : index
    %get3A_1 = arith.constant 0 : index
    %get3A_2 = vector.load %arg1[%get3A, %get3A_0, %get3A_1] : memref<2x400x16xf32, #tpu.memory_space<vmem>>, vector<1x400x16xf32>
    %get3A_3 = vector.shape_cast %get3A_2 : vector<1x400x16xf32> to vector<400x16xf32>
    %get3A_4 = arith.constant 1 : index
    %get3A_5 = arith.constant 0 : index
    %get3A_6 = arith.constant 0 : index
    %get3A_7 = vector.load %arg1[%get3A_4, %get3A_5, %get3A_6] : memref<2x400x16xf32, #tpu.memory_space<vmem>>, vector<1x400x16xf32>
    %get3A_8 = vector.shape_cast %get3A_7 : vector<1x400x16xf32> to vector<400x16xf32>
    %add3A = arith.addf %get3A_3, %get3A_8 : vector<400x16xf32>
    %add3A_9 = arith.constant 1.000000e+00 : f32
    %add3A_10 = vector.broadcast %add3A_9 : f32 to vector<400x16xf32>
    %add3A_11 = arith.addf %add3A, %add3A_10 : vector<400x16xf32>
    %rsqrt3A = math.rsqrt %add3A_11 : vector<400x16xf32>
    %swap3A = arith.constant 0 : index
    %swap3A_12 = arith.constant 0 : index
    %swap3A_13 = vector.load %arg4[%swap3A, %swap3A_12] : memref<400x16xf32, #tpu.memory_space<vmem>>, vector<400x16xf32>
    tpu.vector_store %arg4[%swap3A, %swap3A_12], %rsqrt3A {strides = array<i32>} : memref<400x16xf32, #tpu.memory_space<vmem>>, vector<400x16xf32>,
    %get3A_14 = arith.constant 0 : index
    %get3A_15 = arith.constant 0 : index
    %get3A_16 = vector.load %arg2[%get3A_14, %get3A_15] : memref<400x128xf32, #tpu.memory_space<vmem>>, vector<400x128xf32>
    %get3A_17 = arith.constant 0 : index
    %get3A_18 = arith.constant 0 : index
    %get3A_19 = vector.load %arg3[%get3A_17, %get3A_18] : memref<128x128xf32, #tpu.memory_space<vmem>>, vector<128x128xf32>
    %dot_general3A = arith.constant dense<0.000000e+00> : vector<400x128xf32>
    %dot_general3A_20 = tpu.matmul %get3A_16, %get3A_19, %dot_general3A {dimension_numbers = #tpu.dot_dimension_numbers<[1], [0], [0], [1], [0, 0, 1, 1], [], []>, transpose_lhs_hint = false} : vector<400x128xf32>, vector<128x128xf32>, vector<400x128xf32> -> vector<400x128xf32>
    %slice3A = vector.extract_strided_slice %rsqrt3A {offsets = [0, 0], sizes = [400, 1], strides = [1, 1]} : vector<400x16xf32> to vector<400x1xf32>
    %mul3A = vector.broadcast %slice3A : vector<400x1xf32> to vector<400x128xf32>
    %mul3A_21 = arith.mulf %dot_general3A_20, %mul3A : vector<400x128xf32>
    %swap3A_22 = arith.constant 0 : index
    %swap3A_23 = arith.constant 0 : index
    %swap3A_24 = vector.load %arg5[%swap3A_22, %swap3A_23] : memref<400x128xf32, #tpu.memory_space<vmem>>, vector<400x128xf32>
    tpu.vector_store %arg5[%swap3A_22, %swap3A_23], %mul3A_21 {strides = array<i32>} : memref<400x128xf32, #tpu.memory_space<vmem>>, vector<400x128xf32>,
    return
  }
  func.func @transform_0(%arg0: i32) -> (i32, i32, i32) {
    %c0_i32 = arith.constant 0 : i32
    %c0_i32_0 = arith.constant 0 : i32
    %c0_i32_1 = arith.constant 0 : i32
    return %c0_i32, %arg0, %c0_i32_0 : i32, i32, i32
  }
  func.func @transform_1(%arg0: i32) -> (i32, i32) {
    %c0_i32 = arith.constant 0 : i32
    %c0_i32_0 = arith.constant 0 : i32
    return %arg0, %c0_i32 : i32, i32
  }
  func.func @transform_2(%arg0: i32) -> (i32, i32) {
    %c0_i32 = arith.constant 0 : i32
    %c0_i32_0 = arith.constant 0 : i32
    %c0_i32_1 = arith.constant 0 : i32
    return %c0_i32, %c0_i32_0 : i32, i32
  }
  func.func @transform_3(%arg0: i32) -> (i32, i32) {
    %c0_i32 = arith.constant 0 : i32
    %c0_i32_0 = arith.constant 0 : i32
    return %arg0, %c0_i32 : i32, i32
  }
  func.func @transform_4(%arg0: i32) -> (i32, i32) {
    %c0_i32 = arith.constant 0 : i32
    %c0_i32_0 = arith.constant 0 : i32
    return %arg0, %c0_i32 : i32, i32
  }
}

module attributes {stable_mosaic.version = 14 : i64} {
  func.func @_tc_mid_body(%arg0: i32, %arg1: memref<2x400x128xf32, #tpu.memory_space<vmem>>, %arg2: memref<400x128xf32, #tpu.memory_space<vmem>>, %arg3: memref<400x16xf32, #tpu.memory_space<vmem>>, %arg4: memref<1x128xf32, #tpu.memory_space<vmem>>, %arg5: memref<128x128xf32, #tpu.memory_space<vmem>>, %arg6: memref<400x128xf32, #tpu.memory_space<vmem>>) attributes {dimension_semantics = [#tpu.dimension_semantics<arbitrary>], iteration_bounds = array<i64: 25>, scalar_prefetch = 0 : i64, scratch_operands = 0 : i64, tpu.core_type = #tpu.core_type<tc>, window_params = [{transform_indices = @transform_0, window_bounds = array<i64: 2, 400, 128>}, {transform_indices = @transform_1, window_bounds = array<i64: 400, 128>}, {transform_indices = @transform_2, window_bounds = array<i64: 400, 16>}, {pipeline_mode = #tpu.pipeline_mode<synchronous>, transform_indices = @transform_3, window_bounds = array<i64: 1, 128>}, {pipeline_mode = #tpu.pipeline_mode<synchronous>, transform_indices = @transform_4, window_bounds = array<i64: 128, 128>}, {transform_indices = @transform_5, window_bounds = array<i64: 400, 128>}]} {
    %get3A = arith.constant 0 : index
    %get3A_0 = arith.constant 0 : index
    %get3A_1 = vector.load %arg3[%get3A, %get3A_0] : memref<400x16xf32, #tpu.memory_space<vmem>>, vector<400x16xf32>
    %slice3A = vector.extract_strided_slice %get3A_1 {offsets = [0, 0], sizes = [400, 1], strides = [1, 1]} : vector<400x16xf32> to vector<400x1xf32>
    %get3A_2 = arith.constant 0 : index
    %get3A_3 = arith.constant 0 : index
    %get3A_4 = arith.constant 0 : index
    %get3A_5 = vector.load %arg1[%get3A_2, %get3A_3, %get3A_4] : memref<2x400x128xf32, #tpu.memory_space<vmem>>, vector<1x400x128xf32>
    %get3A_6 = vector.shape_cast %get3A_5 : vector<1x400x128xf32> to vector<400x128xf32>
    %get3A_7 = arith.constant 1 : index
    %get3A_8 = arith.constant 0 : index
    %get3A_9 = arith.constant 0 : index
    %get3A_10 = vector.load %arg1[%get3A_7, %get3A_8, %get3A_9] : memref<2x400x128xf32, #tpu.memory_space<vmem>>, vector<1x400x128xf32>
    %get3A_11 = vector.shape_cast %get3A_10 : vector<1x400x128xf32> to vector<400x128xf32>
    %add3A = arith.addf %get3A_6, %get3A_11 : vector<400x128xf32>
    %get3A_12 = arith.constant 0 : index
    %get3A_13 = arith.constant 0 : index
    %get3A_14 = vector.load %arg2[%get3A_12, %get3A_13] : memref<400x128xf32, #tpu.memory_space<vmem>>, vector<400x128xf32>
    %add3A_15 = arith.addf %add3A, %get3A_14 : vector<400x128xf32>
    %mul3A = vector.broadcast %slice3A : vector<400x1xf32> to vector<400x128xf32>
    %mul3A_16 = arith.mulf %add3A_15, %mul3A : vector<400x128xf32>
    %get3A_17 = arith.constant 0 : index
    %get3A_18 = arith.constant 0 : index
    %get3A_19 = vector.load %arg4[%get3A_17, %get3A_18] : memref<1x128xf32, #tpu.memory_space<vmem>>, vector<1x128xf32>
    %add3A_20 = vector.broadcast %get3A_19 : vector<1x128xf32> to vector<400x128xf32>
    %add3A_21 = arith.addf %mul3A_16, %add3A_20 : vector<400x128xf32>
    %max3A = arith.constant 0.000000e+00 : f32
    %max3A_22 = vector.broadcast %max3A : f32 to vector<400x128xf32>
    %max3A_23 = arith.maximumf %add3A_21, %max3A_22 : vector<400x128xf32>
    %get3A_24 = arith.constant 0 : index
    %get3A_25 = arith.constant 0 : index
    %get3A_26 = vector.load %arg5[%get3A_24, %get3A_25] : memref<128x128xf32, #tpu.memory_space<vmem>>, vector<128x128xf32>
    %dot_general3A = arith.constant dense<0.000000e+00> : vector<400x128xf32>
    %dot_general3A_27 = tpu.matmul %max3A_23, %get3A_26, %dot_general3A {dimension_numbers = #tpu.dot_dimension_numbers<[1], [0], [0], [1], [0, 0, 1, 1], [], []>, transpose_lhs_hint = false} : vector<400x128xf32>, vector<128x128xf32>, vector<400x128xf32> -> vector<400x128xf32>
    %mul3A_28 = vector.broadcast %slice3A : vector<400x1xf32> to vector<400x128xf32>
    %mul3A_29 = arith.mulf %dot_general3A_27, %mul3A_28 : vector<400x128xf32>
    %swap3A = arith.constant 0 : index
    %swap3A_30 = arith.constant 0 : index
    %swap3A_31 = vector.load %arg6[%swap3A, %swap3A_30] : memref<400x128xf32, #tpu.memory_space<vmem>>, vector<400x128xf32>
    tpu.vector_store %arg6[%swap3A, %swap3A_30], %mul3A_29 {strides = array<i32>} : memref<400x128xf32, #tpu.memory_space<vmem>>, vector<400x128xf32>,
    return
  }
  func.func @transform_0(%arg0: i32) -> (i32, i32, i32) {
    %c0_i32 = arith.constant 0 : i32
    %c0_i32_0 = arith.constant 0 : i32
    %c0_i32_1 = arith.constant 0 : i32
    return %c0_i32, %arg0, %c0_i32_0 : i32, i32, i32
  }
  func.func @transform_1(%arg0: i32) -> (i32, i32) {
    %c0_i32 = arith.constant 0 : i32
    %c0_i32_0 = arith.constant 0 : i32
    return %arg0, %c0_i32 : i32, i32
  }
  func.func @transform_2(%arg0: i32) -> (i32, i32) {
    %c0_i32 = arith.constant 0 : i32
    %c0_i32_0 = arith.constant 0 : i32
    return %arg0, %c0_i32 : i32, i32
  }
  func.func @transform_3(%arg0: i32) -> (i32, i32) {
    %c0_i32 = arith.constant 0 : i32
    %c0_i32_0 = arith.constant 0 : i32
    %c0_i32_1 = arith.constant 0 : i32
    return %c0_i32, %c0_i32_0 : i32, i32
  }
  func.func @transform_4(%arg0: i32) -> (i32, i32) {
    %c0_i32 = arith.constant 0 : i32
    %c0_i32_0 = arith.constant 0 : i32
    %c0_i32_1 = arith.constant 0 : i32
    return %c0_i32, %c0_i32_0 : i32, i32
  }
  func.func @transform_5(%arg0: i32) -> (i32, i32) {
    %c0_i32 = arith.constant 0 : i32
    %c0_i32_0 = arith.constant 0 : i32
    return %arg0, %c0_i32 : i32, i32
  }
}

module attributes {stable_mosaic.version = 14 : i64} {
  func.func @_tc_mid_body(%arg0: i32, %arg1: memref<2x400x128xf32, #tpu.memory_space<vmem>>, %arg2: memref<400x128xf32, #tpu.memory_space<vmem>>, %arg3: memref<400x16xf32, #tpu.memory_space<vmem>>, %arg4: memref<1x128xf32, #tpu.memory_space<vmem>>, %arg5: memref<128x64xf32, #tpu.memory_space<vmem>>, %arg6: memref<400x64xf32, #tpu.memory_space<vmem>>) attributes {dimension_semantics = [#tpu.dimension_semantics<arbitrary>], iteration_bounds = array<i64: 25>, scalar_prefetch = 0 : i64, scratch_operands = 0 : i64, tpu.core_type = #tpu.core_type<tc>, window_params = [{transform_indices = @transform_0, window_bounds = array<i64: 2, 400, 128>}, {transform_indices = @transform_1, window_bounds = array<i64: 400, 128>}, {transform_indices = @transform_2, window_bounds = array<i64: 400, 16>}, {pipeline_mode = #tpu.pipeline_mode<synchronous>, transform_indices = @transform_3, window_bounds = array<i64: 1, 128>}, {pipeline_mode = #tpu.pipeline_mode<synchronous>, transform_indices = @transform_4, window_bounds = array<i64: 128, 64>}, {transform_indices = @transform_5, window_bounds = array<i64: 400, 64>}]} {
    %get3A = arith.constant 0 : index
    %get3A_0 = arith.constant 0 : index
    %get3A_1 = vector.load %arg3[%get3A, %get3A_0] : memref<400x16xf32, #tpu.memory_space<vmem>>, vector<400x16xf32>
    %slice3A = vector.extract_strided_slice %get3A_1 {offsets = [0, 0], sizes = [400, 1], strides = [1, 1]} : vector<400x16xf32> to vector<400x1xf32>
    %get3A_2 = arith.constant 0 : index
    %get3A_3 = arith.constant 0 : index
    %get3A_4 = arith.constant 0 : index
    %get3A_5 = vector.load %arg1[%get3A_2, %get3A_3, %get3A_4] : memref<2x400x128xf32, #tpu.memory_space<vmem>>, vector<1x400x128xf32>
    %get3A_6 = vector.shape_cast %get3A_5 : vector<1x400x128xf32> to vector<400x128xf32>
    %get3A_7 = arith.constant 1 : index
    %get3A_8 = arith.constant 0 : index
    %get3A_9 = arith.constant 0 : index
    %get3A_10 = vector.load %arg1[%get3A_7, %get3A_8, %get3A_9] : memref<2x400x128xf32, #tpu.memory_space<vmem>>, vector<1x400x128xf32>
    %get3A_11 = vector.shape_cast %get3A_10 : vector<1x400x128xf32> to vector<400x128xf32>
    %add3A = arith.addf %get3A_6, %get3A_11 : vector<400x128xf32>
    %get3A_12 = arith.constant 0 : index
    %get3A_13 = arith.constant 0 : index
    %get3A_14 = vector.load %arg2[%get3A_12, %get3A_13] : memref<400x128xf32, #tpu.memory_space<vmem>>, vector<400x128xf32>
    %add3A_15 = arith.addf %add3A, %get3A_14 : vector<400x128xf32>
    %mul3A = vector.broadcast %slice3A : vector<400x1xf32> to vector<400x128xf32>
    %mul3A_16 = arith.mulf %add3A_15, %mul3A : vector<400x128xf32>
    %get3A_17 = arith.constant 0 : index
    %get3A_18 = arith.constant 0 : index
    %get3A_19 = vector.load %arg4[%get3A_17, %get3A_18] : memref<1x128xf32, #tpu.memory_space<vmem>>, vector<1x128xf32>
    %add3A_20 = vector.broadcast %get3A_19 : vector<1x128xf32> to vector<400x128xf32>
    %add3A_21 = arith.addf %mul3A_16, %add3A_20 : vector<400x128xf32>
    %max3A = arith.constant 0.000000e+00 : f32
    %max3A_22 = vector.broadcast %max3A : f32 to vector<400x128xf32>
    %max3A_23 = arith.maximumf %add3A_21, %max3A_22 : vector<400x128xf32>
    %get3A_24 = arith.constant 0 : index
    %get3A_25 = arith.constant 0 : index
    %get3A_26 = vector.load %arg5[%get3A_24, %get3A_25] : memref<128x64xf32, #tpu.memory_space<vmem>>, vector<128x64xf32>
    %dot_general3A = arith.constant dense<0.000000e+00> : vector<400x64xf32>
    %dot_general3A_27 = tpu.matmul %max3A_23, %get3A_26, %dot_general3A {dimension_numbers = #tpu.dot_dimension_numbers<[1], [0], [0], [1], [0, 0, 1, 1], [], []>, transpose_lhs_hint = false} : vector<400x128xf32>, vector<128x64xf32>, vector<400x64xf32> -> vector<400x64xf32>
    %mul3A_28 = vector.broadcast %slice3A : vector<400x1xf32> to vector<400x64xf32>
    %mul3A_29 = arith.mulf %dot_general3A_27, %mul3A_28 : vector<400x64xf32>
    %swap3A = arith.constant 0 : index
    %swap3A_30 = arith.constant 0 : index
    %swap3A_31 = vector.load %arg6[%swap3A, %swap3A_30] : memref<400x64xf32, #tpu.memory_space<vmem>>, vector<400x64xf32>
    tpu.vector_store %arg6[%swap3A, %swap3A_30], %mul3A_29 {strides = array<i32>} : memref<400x64xf32, #tpu.memory_space<vmem>>, vector<400x64xf32>,
    return
  }
  func.func @transform_0(%arg0: i32) -> (i32, i32, i32) {
    %c0_i32 = arith.constant 0 : i32
    %c0_i32_0 = arith.constant 0 : i32
    %c0_i32_1 = arith.constant 0 : i32
    return %c0_i32, %arg0, %c0_i32_0 : i32, i32, i32
  }
  func.func @transform_1(%arg0: i32) -> (i32, i32) {
    %c0_i32 = arith.constant 0 : i32
    %c0_i32_0 = arith.constant 0 : i32
    return %arg0, %c0_i32 : i32, i32
  }
  func.func @transform_2(%arg0: i32) -> (i32, i32) {
    %c0_i32 = arith.constant 0 : i32
    %c0_i32_0 = arith.constant 0 : i32
    return %arg0, %c0_i32 : i32, i32
  }
  func.func @transform_3(%arg0: i32) -> (i32, i32) {
    %c0_i32 = arith.constant 0 : i32
    %c0_i32_0 = arith.constant 0 : i32
    %c0_i32_1 = arith.constant 0 : i32
    return %c0_i32, %c0_i32_0 : i32, i32
  }
  func.func @transform_4(%arg0: i32) -> (i32, i32) {
    %c0_i32 = arith.constant 0 : i32
    %c0_i32_0 = arith.constant 0 : i32
    %c0_i32_1 = arith.constant 0 : i32
    return %c0_i32, %c0_i32_0 : i32, i32
  }
  func.func @transform_5(%arg0: i32) -> (i32, i32) {
    %c0_i32 = arith.constant 0 : i32
    %c0_i32_0 = arith.constant 0 : i32
    return %arg0, %c0_i32 : i32, i32
  }
}

module attributes {stable_mosaic.version = 14 : i64} {
  func.func @_tc_final_body(%arg0: i32, %arg1: memref<2x400x64xf32, #tpu.memory_space<vmem>>, %arg2: memref<400x64xf32, #tpu.memory_space<vmem>>, %arg3: memref<400x16xf32, #tpu.memory_space<vmem>>, %arg4: memref<1x64xf32, #tpu.memory_space<vmem>>, %arg5: memref<400x64xf32, #tpu.memory_space<vmem>>) attributes {dimension_semantics = [#tpu.dimension_semantics<arbitrary>], iteration_bounds = array<i64: 25>, scalar_prefetch = 0 : i64, scratch_operands = 0 : i64, tpu.core_type = #tpu.core_type<tc>, window_params = [{transform_indices = @transform_0, window_bounds = array<i64: 2, 400, 64>}, {transform_indices = @transform_1, window_bounds = array<i64: 400, 64>}, {transform_indices = @transform_2, window_bounds = array<i64: 400, 16>}, {pipeline_mode = #tpu.pipeline_mode<synchronous>, transform_indices = @transform_3, window_bounds = array<i64: 1, 64>}, {transform_indices = @transform_4, window_bounds = array<i64: 400, 64>}]} {
    %get3A = arith.constant 0 : index
    %get3A_0 = arith.constant 0 : index
    %get3A_1 = vector.load %arg3[%get3A, %get3A_0] : memref<400x16xf32, #tpu.memory_space<vmem>>, vector<400x16xf32>
    %slice3A = vector.extract_strided_slice %get3A_1 {offsets = [0, 0], sizes = [400, 1], strides = [1, 1]} : vector<400x16xf32> to vector<400x1xf32>
    %get3A_2 = arith.constant 0 : index
    %get3A_3 = arith.constant 0 : index
    %get3A_4 = arith.constant 0 : index
    %get3A_5 = vector.load %arg1[%get3A_2, %get3A_3, %get3A_4] : memref<2x400x64xf32, #tpu.memory_space<vmem>>, vector<1x400x64xf32>
    %get3A_6 = vector.shape_cast %get3A_5 : vector<1x400x64xf32> to vector<400x64xf32>
    %get3A_7 = arith.constant 1 : index
    %get3A_8 = arith.constant 0 : index
    %get3A_9 = arith.constant 0 : index
    %get3A_10 = vector.load %arg1[%get3A_7, %get3A_8, %get3A_9] : memref<2x400x64xf32, #tpu.memory_space<vmem>>, vector<1x400x64xf32>
    %get3A_11 = vector.shape_cast %get3A_10 : vector<1x400x64xf32> to vector<400x64xf32>
    %add3A = arith.addf %get3A_6, %get3A_11 : vector<400x64xf32>
    %get3A_12 = arith.constant 0 : index
    %get3A_13 = arith.constant 0 : index
    %get3A_14 = vector.load %arg2[%get3A_12, %get3A_13] : memref<400x64xf32, #tpu.memory_space<vmem>>, vector<400x64xf32>
    %add3A_15 = arith.addf %add3A, %get3A_14 : vector<400x64xf32>
    %mul3A = vector.broadcast %slice3A : vector<400x1xf32> to vector<400x64xf32>
    %mul3A_16 = arith.mulf %add3A_15, %mul3A : vector<400x64xf32>
    %get3A_17 = arith.constant 0 : index
    %get3A_18 = arith.constant 0 : index
    %get3A_19 = vector.load %arg4[%get3A_17, %get3A_18] : memref<1x64xf32, #tpu.memory_space<vmem>>, vector<1x64xf32>
    %add3A_20 = vector.broadcast %get3A_19 : vector<1x64xf32> to vector<400x64xf32>
    %add3A_21 = arith.addf %mul3A_16, %add3A_20 : vector<400x64xf32>
    %swap3A = arith.constant 0 : index
    %swap3A_22 = arith.constant 0 : index
    %swap3A_23 = vector.load %arg5[%swap3A, %swap3A_22] : memref<400x64xf32, #tpu.memory_space<vmem>>, vector<400x64xf32>
    tpu.vector_store %arg5[%swap3A, %swap3A_22], %add3A_21 {strides = array<i32>} : memref<400x64xf32, #tpu.memory_space<vmem>>, vector<400x64xf32>,
    return
  }
  func.func @transform_0(%arg0: i32) -> (i32, i32, i32) {
    %c0_i32 = arith.constant 0 : i32
    %c0_i32_0 = arith.constant 0 : i32
    %c0_i32_1 = arith.constant 0 : i32
    return %c0_i32, %arg0, %c0_i32_0 : i32, i32, i32
  }
  func.func @transform_1(%arg0: i32) -> (i32, i32) {
    %c0_i32 = arith.constant 0 : i32
    %c0_i32_0 = arith.constant 0 : i32
    return %arg0, %c0_i32 : i32, i32
  }
  func.func @transform_2(%arg0: i32) -> (i32, i32) {
    %c0_i32 = arith.constant 0 : i32
    %c0_i32_0 = arith.constant 0 : i32
    return %arg0, %c0_i32 : i32, i32
  }
  func.func @transform_3(%arg0: i32) -> (i32, i32) {
    %c0_i32 = arith.constant 0 : i32
    %c0_i32_0 = arith.constant 0 : i32
    %c0_i32_1 = arith.constant 0 : i32
    return %c0_i32, %c0_i32_0 : i32, i32
  }
  func.func @transform_4(%arg0: i32) -> (i32, i32) {
    %c0_i32 = arith.constant 0 : i32
    %c0_i32_0 = arith.constant 0 : i32
    return %arg0, %c0_i32 : i32, i32
  }
}

</mosaic_0001>

<sc_bundles>
// kernel: kernel.10.cloned.1.call-start
scs
__scs_entry_jumppad:
0x0: {  	(pc) =	sbr.rel $0x88, $3  }
0x1: {  	(tag) =	ssettag $0x0;
	lr =	simm.s32 $0x1  }
0x2: {  	[smem:$0x3F99] =	sst lr;
	_ =	strace $0xD0000000  }
0x3: {  	_ = 	snop  }
0x4: {  	_ = 	snop  }
0x5: {  	_ = 	snop  }
0x6: {  	_ = 	snop  }
0x7: {  	_ = 	snop  }
__scs_overlays_trampoline_lowered:
0x8: {  	[smem:$0x3FA8] =	sst s0  }
0x9: {  	[smem:$0x3FA9] =	sst s1  }
0xa: {  	[smem:$0x3FAA] =	sst s2  }
0xb: {  	[smem:$0x3FAB] =	sst s3  }
0xc: {  	[smem:$0x3FAC] =	sst s4  }
0xd: {  	[smem:$0x3FAD] =	sst s5  }
0xe: {  	[smem:$0x3FAE] =	sst s6  }
0xf: {  	[smem:$0x3FAF] =	sst s7  }
0x10: {  	[smem:$0x3FB0] =	sst s8  }
0x11: {  	[smem:$0x3FB1] =	sst s9;
	s0 =	simm.s32 @!p0 $0x0  }
0x12: {  	s1 =	sld [smem:$0x3F97];
	s0 =	simm.s32 @p0 $0x1  }
0x13: {  	[smem:$0x3FB2] =	sst s0;
	s0 =	simm.s32 @!p1 $0x0  }
0x14: {  	s2 =	sld [smem:$0x3F96];
	s0 =	simm.s32 @p1 $0x1  }
0x15: {  	[smem:$0x3FB3] =	sst s0;
	s0 =	simm.s32 @!p2 $0x0  }
0x16: {  	s3 =	sld [smem:$0x3FDB];
	s0 =	simm.s32 @p2 $0x1  }
0x17: {  	s4 =	simm.s32 $0x1BF5;
	[smem:$0x3FB5] =	sst s0  }
0x18: {  	s0 =	sld [smem:$0x3F98];
	_ =	swait.ge [sflag:s4], $0x0  }
0x19: {  	s7 =	sld [smem:$0x3F99]  }
0x1a: {  	s8 =	sadd.s32 $0xFFFFE003, lr  }
0x1b: {  	s9 =	sadd.s32 $0xFFFFFEF7, lr;
	s5 =	simm.s32 $0xFFFFFFFF;
	p2 =	slt.u32 s8, $0xFFFFF086  }
0x1c: {  	p1 =	slt.u32 s9, $0xF7A;
	s5 =	simm.s32 @!p2 $0x0  }
0x1d: {  	s5 =	simm.s32 @p1 $0x1;
	p0 =	seq.s32 s7, s2  }
0x1e: {  	s7 =	smul.u32 @!p0 $0xF7A, s2;
	p2 =	seq.s32 @!p0 s5, $0x0  }
0x1f: {  	s9 =	smul.u32 $0xF7A, s1;
	s8 =	simm.s32 @!p0 $0x1BF5;
	p2 =	por !p2, p0  }
0x20: {  	[sflag:s8] =	ssyncset.s32 @!p0 $0xFFFFF086;
	s6 =	sadd.s32 @!p0 s3, s7;
	s7 =	simm.s32 @!p0 $0x108  }
0x21: {  	s3 =	sadd.s32 s3, s9;
	s6 =	sadd.s32 @!p0 $0x88, s6;
	s7 =	simm.s32 @p2 $0x1082  }
0x22: {  	[simem:s7], [sflag:s8] =	dma.local @!p0 [hbm:s6], $0xF7A  }
0x23: {  	s9 =	sor.u32 $0xD0000000, s2;
	s6 =	simm.s32 $0x108;
	_ =	swait.ge @!p0 [sflag:s8], $0x0  }
0x24: {  	s3 =	sadd.s32 $0x88, s3;
	s6 =	simm.s32 @!p1 $0x1082;
	[sflag:s4] =	ssyncset.s32 $0xFFFFF086  }
0x25: {  	[simem:s6], [sflag:s4] =	dma.local [hbm:s3], $0xF7A  }
0x26: {  	[smem:$0x3F99] =	sst s1;
	(tag) =	ssettag s2;
	_ =	strace s9  }
0x27: {  	s1 =	sld [smem:$0x3FA9]  }
0x28: {  	s2 =	sld [smem:$0x3FAA]  }
0x29: {  	s4 =	sld [smem:$0x3FAC]  }
0x2a: {  	p0 =	seq.s32 s5, $0x0;
	s5 =	sld [smem:$0x3FAD]  }
0x2b: {  	s6 =	sld [smem:$0x3FAE]  }
0x2c: {  	s7 =	sld [smem:$0x3FAF]  }
0x2d: {  	s3 =	simm.s32 $0x108;
	s8 =	sld [smem:$0x3FB0]  }
0x2e: {  	s3 =	simm.s32 @!p0 $0x1082;
	s9 =	sld [smem:$0x3FB1]  }
0x2f: {  	lr =	sadd.s32 s0, s3;
	s0 =	sld [smem:$0x3FA8]  }
0x30: {  	s3 =	sld [smem:$0x3FAB]  }
0x31: {  	[smem:$0x3FB4] =	sst s10  }
0x32: {  	s10 =	sld [smem:$0x3FB2];
	_ =	sdelay $0x3  }
0x33: {  	p0 =	seq.s32 s10, $0x1;
	s10 =	sld [smem:$0x3FB4];
	_ =	sdelay $0x3  }
0x34: {  	[smem:$0x3FB4] =	sst s10  }
0x35: {  	s10 =	sld [smem:$0x3FB3];
	_ =	sdelay $0x3  }
0x36: {  	p1 =	seq.s32 s10, $0x1;
	s10 =	sld [smem:$0x3FB4];
	_ =	sdelay $0x3  }
0x37: {  	[smem:$0x3FB4] =	sst s10  }
0x38: {  	s10 =	sld [smem:$0x3FB5]  }
0x39: {  	_ = 	snop;
	(pc) =	sbr.ind lr, $3  }
0x3a: {  	_ = 	snop  }
0x3b: {  	_ = 	snop  }
0x3c: {  	p2 =	seq.s32 s10, $0x1;
	s10 =	sld [smem:$0x3FB4]  }
0x3d: {  	_ =	shalt  }
0x3e: {  	_ =	shalt  }
0x3f: {  	_ =	shalt  }
0x40: {  	_ =	shalt  }
0x41: {  	_ =	shalt  }
0x42: {  	_ =	shalt  }
0x43: {  	_ =	shalt  }
0x44: {  	_ =	shalt  }
0x45: {  	_ =	shalt  }
0x46: {  	_ =	shalt  }
0x47: {  	_ =	shalt  }
0x48: {  	_ =	shalt  }
0x49: {  	_ =	shalt  }
0x4a: {  	_ =	shalt  }
0x4b: {  	_ =	shalt  }
0x4c: {  	_ =	shalt  }
0x4d: {  	_ =	shalt  }
0x4e: {  	_ =	shalt  }
0x4f: {  	_ =	shalt  }
0x50: {  	_ =	shalt  }
0x51: {  	_ =	shalt  }
0x52: {  	_ =	shalt  }
0x53: {  	_ =	shalt  }
0x54: {  	_ =	shalt  }
0x55: {  	_ =	shalt  }
0x56: {  	_ =	shalt  }
0x57: {  	_ =	shalt  }
0x58: {  	_ =	shalt  }
0x59: {  	_ =	shalt  }
0x5a: {  	_ =	shalt  }
0x5b: {  	_ =	shalt  }
0x5c: {  	_ =	shalt  }
0x5d: {  	_ =	shalt  }
0x5e: {  	_ =	shalt  }
0x5f: {  	_ =	shalt  }
0x60: {  	_ =	shalt  }
0x61: {  	_ =	shalt  }
0x62: {  	_ =	shalt  }
0x63: {  	_ =	shalt  }
0x64: {  	_ =	shalt  }
0x65: {  	_ =	shalt  }
0x66: {  	_ =	shalt  }
0x67: {  	_ =	shalt  }
0x68: {  	_ =	shalt  }
0x69: {  	_ =	shalt  }
0x6a: {  	_ =	shalt  }
0x6b: {  	_ =	shalt  }
0x6c: {  	_ =	shalt  }
0x6d: {  	_ =	shalt  }
0x6e: {  	_ =	shalt  }
0x6f: {  	_ =	shalt  }
0x70: {  	_ =	shalt  }
0x71: {  	_ =	shalt  }
0x72: {  	_ =	shalt  }
0x73: {  	_ =	shalt  }
0x74: {  	_ =	shalt  }
0x75: {  	_ =	shalt  }
0x76: {  	_ =	shalt  }
0x77: {  	_ =	shalt  }
0x78: {  	_ =	shalt  }
0x79: {  	_ =	shalt  }
0x7a: {  	_ =	shalt  }
0x7b: {  	_ =	shalt  }
0x7c: {  	_ =	shalt  }
0x7d: {  	_ =	shalt  }
0x7e: {  	_ =	shalt  }
0x7f: {  	_ =	shalt  }
0x80: {  	_ =	shalt  }
0x81: {  	_ =	shalt  }
0x82: {  	_ =	shalt  }
0x83: {  	_ =	shalt  }
0x84: {  	_ =	shalt  }
0x85: {  	_ =	shalt  }
0x86: {  	_ =	shalt  }
0x87: {  	_ =	shalt  }
.Lfunc_end0:
.L_simem_size_0:
called_computation_lowered:
.L_overlay_start_0:
0x88: {  	s2 =	sld [smem:$0x3FD9]  }
0x89: {  	s3 =	sld [smem:$0x3FFE];
	_ =	sdelay $0x1  }
0x8a: {  	s1 =	srdreg.scid  }
0x8b: {  	s0 =	sand.u32 $0x1, s1  }
0x8c: {  	s17 =	sshll.u32 s0, $0xA;
	s2 =	sadd.s32 s3, s2  }
0x8d: {  	s2 =	sadd.s32 s2, s17  }
0x8e: {  	[smem:$0x3FC0] =	sst s2  }
0x8f: {  	_ = 	snop  }
0x90: {  	s2 =	sld [smem:$0x3FD0];
	(tm) =	ssettm $0x1  }
0x91: {  	s18 =	sld [smem:$0x3FFB];
	_ =	sdelay $0x3  }
0x92: {  	_ =	strace s18  }
0x93: {  	s3 =	sld [smem:$0x3FFC];
	_ =	sdelay $0x3  }
0x94: {  	_ =	strace s3  }
0x95: {  	s3 =	sld [smem:$0x3FFD];
	_ =	sdelay $0x3  }
0x96: {  	_ =	strace s3  }
0x97: {  	_ =	strace $0x8FFFFFFF  }
0x98: {  	s19 =	sld [smem:$0x3FDB];
	_ =	sdelay $0x1  }
0x99: {  	s4 =	simm.s32 $_scs_section_size  }
0x9a: {  	s5 =	simm.s32 $_size__tile_overlayer_lowered;
	s6 =	simm.s32 $_tile_overlayer_lowered  }
0x9b: {  	s22 =	simm.s32 $0x1BFF;
	s21 =	sshll.u32 s6, $0x1;
	s3 =	sadd.s32 s4, s19  }
0x9c: {  	s7 =	simm.s32 $0x0;
	s20 =	sshll.u32 s5, $0x1;
	s5 =	sadd.s32 s21, s3  }
0x9d: {  	[timem:s7], [sflag:s22] =	dma.local [hbm:s5], s20  }
0x9e: {  	_ =	swait.ge [sflag:s22], s20  }
0x9f: {  	s4 =	ssub.s32 $0x0, s20;
	[sflag:s22] =	ssyncset.done $0x0  }
0xa0: {  	[sflag:s22] =	ssyncadd.s32 s4;
	_ =	sdelay $0x1  }
0xa1: {  	s23 =	simm.s32 $0x1B8B  }
0xa2: {  	_ =	swait.ge [sflag:s23], $0x1  }
0xa3: {  	[sflag:s23] =	ssyncset.done $0x0  }
0xa4: {  	s25 =	simm.s32 $0x1B8E;
	s24 =	sld [smem:$0x3FFE];
	[sflag:s23] =	ssyncadd.s32 $0xFFFFFFFF  }
0xa5: {  	s26 =	simm.s32 $execute0_lowered;
	[smem:$0x3FD2] =	sst s25  }
0xa6: {  	s5 =	sshll.u32 s26, $0x1;
	_ =	strace $0x80000046;
	[dreg:$0x1] =	wrdreg $0xFFFFFFFF  }
0xa7: {  	s28 =	simm.s32 $_size_execute0_lowered;
	s3 =	sadd.s32 s3, s5;
	[dreg:$0x0] =	wrdreg $0x0  }
0xa8: {  	s5 =	sshll.u32 s28, $0x1;
	[dreg:$0x2] =	wrdreg s3  }
0xa9: {  	[dreg:$0x3] =	wrdreg s5  }
0xaa: {  	[dreg:$0x4] =	wrdreg $0xC0  }
0xab: {  	_ =	task [dreg:s7], $0x5FFFF  }
0xac: {  	[dreg:$0x1] =	wrdreg $0xFFFFFFFF  }
0xad: {  	[dreg:$0x0] =	wrdreg $0x60  }
0xae: {  	[dreg:$0x2] =	wrdreg s24  }
0xaf: {  	[dreg:$0x3] =	wrdreg s2  }
0xb0: {  	[dreg:$0x4] =	wrdreg $0x18000  }
0xb1: {  	[dreg:$0x5] =	wrdreg $0x9  }
0xb2: {  	_ =	task.clear_ibuf [dreg:s7], $0x6FFFF;
	_ =	strace $0x90000046  }
0xb3: {  	s29 =	simm.s32 $0x9;
	_ =	strace $0x80000048  }
0xb4: {  	_ =	swait.ge [sflag:s29], $0x1  }
0xb5: {  	[sflag:s29] =	ssyncadd.s32 $0xFFFFFFFF  }
0xb6: {  	_ =	strace $0x90000048  }
0xb7: {  	_ =	sfence  }
0xb8: {  	s30 =	sld [smem:$0x0];
	_ =	sdelay $0x2  }
0xb9: {  	s31 =	sshll.u32 s1, $0xD;
	s1 =	sshrl.u32 s1, $0x2  }
0xba: {  	s3 =	sand.u32 $0x4000, s31;
	s1 =	sadd.s32 s1, s30  }
0xbb: {  	s0 =	sor.u32 s3, s0;
	s1 =	sshll.u32 s1, $0x11  }
0xbc: {  	s0 =	sor.u32 s1, s0  }
0xbd: {  	s0 =	sadd.s32 $0x8F2B, s0  }
0xbe: {  	[sflag:s0] =	ssyncadd.remote.s32 $0x1  }
0xbf: {  	_ =	sfence.sel $0xFFFF  }
0xc0: {  	[dreg:$0x0] =	wrdreg $0xFFFFFFFF;
	(pc) =	sbr.abs _section_cstart, $3  }
0xc1: {  	[dreg:$0x1] =	wrdreg $0xFFFFFFFF  }
0xc2: {  	_ =	task.clear_ibuf [dreg:s7], $0x2FFFF;
	_ =	strace $0x9FFFFFFF  }
0xc3: {  	(tm) =	ssettm $0x7FFFFFFF  }
tec
execute0_lowered:
.L_overlay_start_1:
0x0: {  	(tag) =	ssettag $0x1  }
0x1: {  	s6 =	rddreg [dreg:$0x0]  }
0x2: {  	s9 =	rddreg [dreg:$0x1]  }
0x3: {  	s1 =	rddreg [dreg:$0x2]  }
0x4: {  	s0 =	rddreg [dreg:$0x3];
	s2 =	simm.s32 $0x0;
	s5 =	srdreg.scid  }
0x5: {  	s3 =	stileid.u32;
	s16 =	simm.s32 $0x1;
	s17 =	simm.s32 $0x0  }
0x6: {  	[smem:$0x7FF] =	sst s2;
	s4 =	sadd.s32 $0x2E00, s6;
	s8 =	sand.u32 $0x1, s5  }
0x7: {  	s5 =	sadd.s32 $0x17800, s6;
	s10 =	smul.u32 $0x4F00, s3;
	s6 =	sadd.s32 $0x16E00, s6  }
0x8: {  	s30 =	sshll.u32 s3, $0x6;
	s14 =	smul.u32 $0x2800, s3;
	_ =	strace $0x80000047  }
0x9: {  	s7 =	sshll.u32 s8, $0x4;
	s11 =	ssub.s32 $0x2, s8;
	s12 =	smul.u32 $0x4F000, s8  }
0xa: {  	s29 =	smul.u32 $0x28000, s8;
	s8 =	sor.u32 $0x1C02, s30;
	s7 =	sor.u32 s3, s7  }
.Ltmp0:
0xb: {  	s13 =	sshrl.u32 s11, $0x1;
	s15 =	sadd.s32 s10, s1;
	(pc) =	sbr.rel .LBB2_1-.Ltmp0, $4  }
0xc: {  	s7 =	smul.u32 $0x500, s7;
	s11 =	ssub.s32 s11, s13;
	s12 =	sadd.s32 s10, s12  }
0xd: {  	s31 =	sadd.s32 s14, s29;
	s13 =	sshrl.u32 s15, $0x3;
	s14 =	simm.s32 $0x2  }
0xe: {  	s15 =	simm.s32 $0x800;
	s12 =	sshrl.u32 s12, $0x3;
	s10 =	smax.u32 s11, $0x1  }
0xf: {  	s9 =	sadd.s32 s9, s12;
	s11 =	sor.u32 $0x80, s7;
	s12 =	sshrl.u32 s31, $0x3  }
.LBB2_8:
0x10: {  	_ =	swait.ge [sflag:s16], $0x1000  }
0x11: {  	[sflag:s16] =	ssyncset.done $0x0  }
0x12: {  	[sflag:s16] =	ssyncadd.s32 $0xFFFFF000  }
0x13: {  	_ =	swait.ge [sflag:s16], $0x1000  }
0x14: {  	[sflag:s16] =	ssyncset.done $0x0  }
0x15: {  	[sflag:s16] =	ssyncadd.s32 $0xFFFFF000  }
0x16: {  	_ =	swait.ge [sflag:s16], $0x1000  }
0x17: {  	[sflag:s16] =	ssyncset.done $0x0  }
0x18: {  	[sflag:s16] =	ssyncadd.s32 $0xFFFFF000  }
0x19: {  	_ =	swait.ge [sflag:s16], $0x1000  }
0x1a: {  	[sflag:s16] =	ssyncset.done $0x0  }
0x1b: {  	[sflag:s16] =	ssyncadd.s32 $0xFFFFF000  }
0x1c: {  	_ =	swait.ge [sflag:s16], $0x1000  }
0x1d: {  	[sflag:s16] =	ssyncset.done $0x0  }
0x1e: {  	[sflag:s16] =	ssyncadd.s32 $0xFFFFF000  }
0x1f: {  	_ =	swait.ge [sflag:s16], $0x1000  }
0x20: {  	[sflag:s16] =	ssyncset.done $0x0  }
0x21: {  	[sflag:s16] =	ssyncadd.s32 $0xFFFFF000  }
0x22: {  	_ =	swait.ge [sflag:s16], $0x1000  }
0x23: {  	[sflag:s16] =	ssyncset.done $0x0  }
0x24: {  	[sflag:s16] =	ssyncadd.s32 $0xFFFFF000  }
0x25: {  	_ =	swait.ge [sflag:s16], $0x1000  }
0x26: {  	[sflag:s16] =	ssyncset.done $0x0  }
0x27: {  	[sflag:s16] =	ssyncadd.s32 $0xFFFFF000  }
0x28: {  	_ =	swait.ge [sflag:s16], $0x1000  }
0x29: {  	[sflag:s16] =	ssyncset.done $0x0  }
0x2a: {  	[sflag:s16] =	ssyncadd.s32 $0xFFFFF000  }
0x2b: {  	_ =	swait.ge [sflag:s16], $0x1000  }
0x2c: {  	[sflag:s16] =	ssyncset.done $0x0  }
0x2d: {  	[sflag:s16] =	ssyncadd.s32 $0xFFFFF000  }
0x2e: {  	_ =	swait.ge [sflag:s16], $0x1000  }
0x2f: {  	[sflag:s16] =	ssyncset.done $0x0  }
0x30: {  	[sflag:s16] =	ssyncadd.s32 $0xFFFFF000  }
0x31: {  	_ =	swait.ge [sflag:s16], $0x1000  }
0x32: {  	[sflag:s16] =	ssyncset.done $0x0  }
0x33: {  	[sflag:s16] =	ssyncadd.s32 $0xFFFFF000  }
0x34: {  	_ =	swait.ge [sflag:s16], $0x1000  }
0x35: {  	[sflag:s16] =	ssyncset.done $0x0  }
0x36: {  	[sflag:s16] =	ssyncadd.s32 $0xFFFFF000  }
0x37: {  	_ =	swait.ge [sflag:s16], $0x1000  }
0x38: {  	[sflag:s16] =	ssyncset.done $0x0  }
0x39: {  	[sflag:s16] =	ssyncadd.s32 $0xFFFFF000  }
0x3a: {  	_ =	swait.ge [sflag:s16], $0x1000  }
0x3b: {  	[sflag:s16] =	ssyncset.done $0x0  }
0x3c: {  	[sflag:s16] =	ssyncadd.s32 $0xFFFFF000  }
0x3d: {  	_ =	swait.ge [sflag:s16], $0x1000  }
0x3e: {  	s17 =	sadd.s32 $0x1, s17;
	[sflag:s16] =	ssyncset.done $0x0  }
0x3f: {  	p0 =	sne.s32 s17, s10;
	[sflag:s16] =	ssyncadd.s32 $0xFFFFF000  }
.Ltmp1:
0x40: {  	[bflag:$0x0] =	sbarrier.arrive $0xFFFF;
	(pc) =	sbr.rel @!p0 .LBB2_9-.Ltmp1, $4  }
0x41: {  	[hbm:s9], [sflag:s8] =	dma.local [spmem:s13], $0x9E0  }
0x42: {  	_ =	swait.ge [sflag:s14], $0x9E0  }
0x43: {  	[sflag:s14] =	ssyncset.done $0x0  }
0x44: {  	[sflag:s14] =	ssyncadd.s32 $0xFFFFF620  }
.LBB2_1:
0x45: {  	[spmem:s13], [sflag:s8] =	dma.local [hbm:s6], $0x9E0  }
0x46: {  	_ =	swait.ge [sflag:s14], $0x9E0  }
0x47: {  	[sflag:s14] =	ssyncset.done $0x0  }
0x48: {  	[sflag:s14] =	ssyncadd.s32 $0xFFFFF620  }
0x49: {  	[tilespmem:s15], [sflag:$0x2] =	stream.linear.gather [hbm4b:s5+s2], $0x1000, $0x38;
	[tilespmem:$0x6700] =	vst v63  }
.Ltmp2:
0x4a: {  	_ =	swait.ge [sflag:s14], $0x1000;
	(pc) =	sbr.rel .LBB2_2-.Ltmp2, $4  }
0x4b: {  	[sflag:s14] =	ssyncset.done $0x0  }
0x4c: {  	[sflag:s14] =	ssyncadd.s32 $0xFFFFF000  }
0x4d: {  	[bflag:$0x0] =	sbarrier.arrive $0xFFFF  }
0x4e: {  	s18 =	smov.u32 s12;
	s19 =	simm.s32 $0x0  }
.LBB2_3:
0x4f: {  	_ =	swait.ge [sflag:s16], $0x1000  }
0x50: {  	[sflag:s16] =	ssyncset.done $0x0  }
0x51: {  	[sflag:s16] =	ssyncadd.s32 $0xFFFFF000  }
0x52: {  	_ =	swait.ge [sflag:s16], $0x1000  }
0x53: {  	[sflag:s16] =	ssyncset.done $0x0  }
0x54: {  	[sflag:s16] =	ssyncadd.s32 $0xFFFFF000  }
0x55: {  	_ =	swait.ge [sflag:s16], $0x1000  }
0x56: {  	[sflag:s16] =	ssyncset.done $0x0  }
0x57: {  	[sflag:s16] =	ssyncadd.s32 $0xFFFFF000  }
0x58: {  	_ =	swait.ge [sflag:s16], $0x1000  }
0x59: {  	[sflag:s16] =	ssyncset.done $0x0  }
0x5a: {  	[sflag:s16] =	ssyncadd.s32 $0xFFFFF000  }
0x5b: {  	_ =	swait.ge [sflag:s16], $0x1000  }
0x5c: {  	[sflag:s16] =	ssyncset.done $0x0  }
0x5d: {  	[sflag:s16] =	ssyncadd.s32 $0xFFFFF000  }
0x5e: {  	_ =	swait.ge [sflag:s16], $0x1000  }
0x5f: {  	[sflag:s16] =	ssyncset.done $0x0  }
0x60: {  	[sflag:s16] =	ssyncadd.s32 $0xFFFFF000  }
0x61: {  	_ =	swait.ge [sflag:s16], $0x1000  }
0x62: {  	[sflag:s16] =	ssyncset.done $0x0  }
0x63: {  	[sflag:s16] =	ssyncadd.s32 $0xFFFFF000  }
0x64: {  	_ =	swait.ge [sflag:s16], $0x1000  }
0x65: {  	[sflag:s16] =	ssyncset.done $0x0  }
0x66: {  	s21 =	simm.s32 $0x400;
	s22 =	smov.u32 s18;
	[sflag:s16] =	ssyncadd.s32 $0xFFFFF000  }
.LBB2_6:
0x67: {  	s22 =	sadd.s32 s4, s22  }
0x68: {  	[tilespmem:s21], [sflag:$0x2] =	stream.linear.gather [hbm4b:s22+s2], $0x400, $0x38;
	[tilespmem:$0x6700] =	vst v63  }
0x69: {  	_ =	swait.ge [sflag:s14], $0x400  }
0x6a: {  	[sflag:s14] =	ssyncset.done $0x0  }
0x6b: {  	[sflag:s14] =	ssyncadd.s32 $0xFFFFFC00  }
.LBB2_7:
0x6c: {  	p1 =	sne.s32 s20, $0x0  }
0x6d: {  	s20 =	simm.s32 @!p1 $0x80;
	s21 =	simm.s32 @!p1 $0x0;
	s22 =	simm.s32 @!p1 $0x800  }
0x6e: {  	[spmem:s1] =	stream.indirect.scatter.add.f32 @!p1 [tilespmem:s22], [sflag:$0x1], $0x20, s21, s20, $0xb8;
	[tilespmem:$0x6700] =	vst v63  }
0x6f: {  	_ = 	snop  }
0x70: {  	[spmem:s1] =	stream.indirect.scatter.add.f32 @!p1 [tilespmem:s22], [sflag:$0x1], $0x20, s20, s20, $0xb8;
	[tilespmem:$0x6700] =	vst v63  }
0x71: {  	s21 =	simm.s32 @!p1 $0x100  }
0x72: {  	[spmem:s1] =	stream.indirect.scatter.add.f32 @!p1 [tilespmem:s22], [sflag:$0x1], $0x20, s21, s20, $0xb8;
	[tilespmem:$0x6700] =	vst v63  }
0x73: {  	s21 =	simm.s32 @!p1 $0x180  }
0x74: {  	[spmem:s1] =	stream.indirect.scatter.add.f32 @!p1 [tilespmem:s22], [sflag:$0x1], $0x20, s21, s20, $0xb8;
	[tilespmem:$0x6700] =	vst v63  }
0x75: {  	s21 =	simm.s32 @!p1 $0x200  }
0x76: {  	[spmem:s1] =	stream.indirect.scatter.add.f32 @!p1 [tilespmem:s22], [sflag:$0x1], $0x20, s21, s20, $0xb8;
	[tilespmem:$0x6700] =	vst v63  }
0x77: {  	s21 =	simm.s32 @!p1 $0x280  }
0x78: {  	[spmem:s1] =	stream.indirect.scatter.add.f32 @!p1 [tilespmem:s22], [sflag:$0x1], $0x20, s21, s20, $0xb8;
	[tilespmem:$0x6700] =	vst v63  }
0x79: {  	s21 =	simm.s32 @!p1 $0x300  }
0x7a: {  	[spmem:s1] =	stream.indirect.scatter.add.f32 @!p1 [tilespmem:s22], [sflag:$0x1], $0x20, s21, s20, $0xb8;
	[tilespmem:$0x6700] =	vst v63  }
0x7b: {  	s21 =	simm.s32 @!p1 $0x380  }
0x7c: {  	[spmem:s1] =	stream.indirect.scatter.add.f32 @!p1 [tilespmem:s22], [sflag:$0x1], $0x20, s21, s20, $0xb8;
	[tilespmem:$0x6700] =	vst v63  }
0x7d: {  	s20 =	simm.s32 @p0 $0x80;
	s21 =	simm.s32 @p0 $0x400;
	s22 =	simm.s32 @p0 $0x800  }
0x7e: {  	[spmem:s1] =	stream.indirect.scatter.add.f32 @p0 [tilespmem:s22], [sflag:$0x1], $0x20, s21, s20, $0xb8;
	[tilespmem:$0x6700] =	vst v63  }
0x7f: {  	s21 =	simm.s32 @p0 $0x480  }
0x80: {  	[spmem:s1] =	stream.indirect.scatter.add.f32 @p0 [tilespmem:s22], [sflag:$0x1], $0x20, s21, s20, $0xb8;
	[tilespmem:$0x6700] =	vst v63  }
0x81: {  	s21 =	simm.s32 @p0 $0x500  }
0x82: {  	[spmem:s1] =	stream.indirect.scatter.add.f32 @p0 [tilespmem:s22], [sflag:$0x1], $0x20, s21, s20, $0xb8;
	[tilespmem:$0x6700] =	vst v63  }
0x83: {  	s21 =	simm.s32 @p0 $0x580  }
0x84: {  	[spmem:s1] =	stream.indirect.scatter.add.f32 @p0 [tilespmem:s22], [sflag:$0x1], $0x20, s21, s20, $0xb8;
	[tilespmem:$0x6700] =	vst v63  }
0x85: {  	s21 =	simm.s32 @p0 $0x600  }
0x86: {  	[spmem:s1] =	stream.indirect.scatter.add.f32 @p0 [tilespmem:s22], [sflag:$0x1], $0x20, s21, s20, $0xb8;
	[tilespmem:$0x6700] =	vst v63  }
0x87: {  	s21 =	simm.s32 @p0 $0x680  }
0x88: {  	[spmem:s1] =	stream.indirect.scatter.add.f32 @p0 [tilespmem:s22], [sflag:$0x1], $0x20, s21, s20, $0xb8;
	[tilespmem:$0x6700] =	vst v63  }
0x89: {  	s21 =	simm.s32 @p0 $0x700  }
0x8a: {  	[spmem:s1] =	stream.indirect.scatter.add.f32 @p0 [tilespmem:s22], [sflag:$0x1], $0x20, s21, s20, $0xb8;
	[tilespmem:$0x6700] =	vst v63  }
0x8b: {  	s19 =	sadd.s32 $0x1, s19;
	s21 =	simm.s32 @p0 $0x780  }
0x8c: {  	[spmem:s1] =	stream.indirect.scatter.add.f32 @p0 [tilespmem:s22], [sflag:$0x1], $0x20, s21, s20, $0xb8;
	[tilespmem:$0x6700] =	vst v63  }
0x8d: {  	p0 =	sne.s32 s19, $0xA  }
.Ltmp3:
0x8e: {  	_ = 	snop;
	(pc) =	sbr.rel @!p0 .LBB2_8-.Ltmp3, $2  }
0x8f: {  	_ =	sdelay $0x2  }
0x90: {  	s18 =	sadd.s32 $0x80, s18  }
.LBB2_2:
0x91: {  	p1 =	slt.u32 s19, $0x2;
	s20 =	sand.u32 $0x1, s19  }
0x92: {  	p0 =	sne.s32 @!p1 s20, $0x0  }
0x93: {  	p2 =	por p0, p1  }
0x94: {  	s21 =	simm.s32 @!p2 $0x1  }
0x95: {  	_ =	swait.ge @!p2 [sflag:s21], $0x1000  }
0x96: {  	[sflag:s21] =	ssyncset.done @!p2 $0x0  }
0x97: {  	[sflag:s21] =	ssyncadd.s32 @!p2 $0xFFFFF000  }
0x98: {  	_ =	swait.ge @!p2 [sflag:s21], $0x1000  }
0x99: {  	[sflag:s21] =	ssyncset.done @!p2 $0x0  }
0x9a: {  	[sflag:s21] =	ssyncadd.s32 @!p2 $0xFFFFF000  }
0x9b: {  	_ =	swait.ge @!p2 [sflag:s21], $0x1000  }
0x9c: {  	[sflag:s21] =	ssyncset.done @!p2 $0x0  }
0x9d: {  	[sflag:s21] =	ssyncadd.s32 @!p2 $0xFFFFF000  }
0x9e: {  	_ =	swait.ge @!p2 [sflag:s21], $0x1000  }
0x9f: {  	[sflag:s21] =	ssyncset.done @!p2 $0x0  }
0xa0: {  	[sflag:s21] =	ssyncadd.s32 @!p2 $0xFFFFF000  }
0xa1: {  	_ =	swait.ge @!p2 [sflag:s21], $0x1000  }
0xa2: {  	[sflag:s21] =	ssyncset.done @!p2 $0x0  }
0xa3: {  	[sflag:s21] =	ssyncadd.s32 @!p2 $0xFFFFF000  }
0xa4: {  	_ =	swait.ge @!p2 [sflag:s21], $0x1000  }
0xa5: {  	[sflag:s21] =	ssyncset.done @!p2 $0x0  }
0xa6: {  	[sflag:s21] =	ssyncadd.s32 @!p2 $0xFFFFF000  }
0xa7: {  	_ =	swait.ge @!p2 [sflag:s21], $0x1000  }
0xa8: {  	[sflag:s21] =	ssyncset.done @!p2 $0x0  }
0xa9: {  	[sflag:s21] =	ssyncadd.s32 @!p2 $0xFFFFF000  }
0xaa: {  	_ =	swait.ge @!p2 [sflag:s21], $0x1000  }
0xab: {  	p0 =	seq.s32 s20, $0x1;
	s22 =	simm.s32 @!p2 $0x0;
	[sflag:s21] =	ssyncset.done @!p2 $0x0  }
0xac: {  	p1 =	por p1, !p0;
	[sflag:s21] =	ssyncadd.s32 @!p2 $0xFFFFF000;
	s21 =	sadd.s32 @!p2 s18, s4  }
0xad: {  	[tilespmem:s22], [sflag:$0x2] =	stream.linear.gather @!p2 [hbm4b:s21+s22], $0x400, $0x38;
	[tilespmem:$0x6700] =	vst v63  }
.Ltmp4:
0xae: {  	_ = 	snop;
	(pc) =	sbr.rel @!p1 .LBB2_3-.Ltmp4, $4  }
0xaf: {  	s21 =	simm.s32 @!p2 $0x2  }
0xb0: {  	_ =	swait.ge @!p2 [sflag:s21], $0x400  }
0xb1: {  	[sflag:s21] =	ssyncset.done @!p2 $0x0  }
0xb2: {  	[sflag:s21] =	ssyncadd.s32 @!p2 $0xFFFFFC00  }
0xb3: {  	p1 =	sgt.u32 s19, $0x1  }
.Ltmp5:
0xb4: {  	_ = 	snop;
	(pc) =	sbr.rel @p1 .LBB2_7-.Ltmp5, $1  }
0xb5: {  	_ =	sdelay $0x3  }
.Ltmp6:
0xb6: {  	(pc) =	sbr.rel .LBB2_6-.Ltmp6, $3  }
0xb7: {  	_ =	sdelay $0x1  }
0xb8: {  	s22 =	smov.u32 s7;
	s21 =	simm.s32 $0x400  }
0xb9: {  	s22 =	smov.u32 @p0 s11;
	s21 =	simm.s32 @!p0 $0x0  }
.LBB2_9:
0xba: {  	_ =	sfence.sel $0x180000  }
0xbb: {  	[bflag:$0x0] =	sbarrier.arrive $0xFFFF  }
0xbc: {  	p0 =	sne.s32 s3, $0x0;
	_ =	strace $0x90000047  }
0xbd: {  	s0 =	sadd.s32 @!p0 $0x100000, s0;
	[bflag:$0x2] =	sbarrier.arrive $0xFFFF  }
0xbe: {  	[sflag:s0] =	ssyncadd.tile.s32 @!p0 $0x1;
	_ =	shalt  }
.Lfunc_end2:
_tile_overlayer_lowered:
.L_overlay_start_2:
0xbf: {  	(tag) =	ssettag $0x2  }
0xc0: {  	s0 =	rddreg [dreg:$0x0];
	s2 =	stileid.u32  }
0xc1: {  	s1 =	rddreg [dreg:$0x1];
	p0 =	sne.s32 s2, $0x0  }
0xc2: {  	s3 =	rddreg [dreg:$0x2];
	[bflag:$0x3] =	sbarrier.arrive $0xFFFF;
	s2 =	simm.s32 @!p0 $0x1C02  }
0xc3: {  	[timem:s3], [sflag:s2] =	dma.local @!p0 [hbm:s0], s1  }
0xc4: {  	s0 =	simm.s32 @!p0 $0x2  }
0xc5: {  	_ =	swait.ge @!p0 [sflag:s0], s1  }
0xc6: {  	s1 =	ssub.s32 @!p0 $0x0, s1;
	[sflag:s0] =	ssyncset.done @!p0 $0x0  }
0xc7: {  	[sflag:s0] =	ssyncadd.s32 @!p0 s1  }
0xc8: {  	[bflag:$0x3] =	sbarrier.arrive $0xFFFF  }
0xc9: {  	_ =	shalt  }

// kernel: kernel.13.cloned.1.call-start
scs
__scs_entry_jumppad:
0x0: {  	(pc) =	sbr.rel $0x88, $3  }
0x1: {  	(tag) =	ssettag $0x0;
	lr =	simm.s32 $0x1  }
0x2: {  	[smem:$0x3F99] =	sst lr;
	_ =	strace $0xD0000000  }
0x3: {  	_ = 	snop  }
0x4: {  	_ = 	snop  }
0x5: {  	_ = 	snop  }
0x6: {  	_ = 	snop  }
0x7: {  	_ = 	snop  }
__scs_overlays_trampoline_lowered:
0x8: {  	[smem:$0x3FA8] =	sst s0  }
0x9: {  	[smem:$0x3FA9] =	sst s1  }
0xa: {  	[smem:$0x3FAA] =	sst s2  }
0xb: {  	[smem:$0x3FAB] =	sst s3  }
0xc: {  	[smem:$0x3FAC] =	sst s4  }
0xd: {  	[smem:$0x3FAD] =	sst s5  }
0xe: {  	[smem:$0x3FAE] =	sst s6  }
0xf: {  	[smem:$0x3FAF] =	sst s7  }
0x10: {  	[smem:$0x3FB0] =	sst s8  }
0x11: {  	[smem:$0x3FB1] =	sst s9;
	s0 =	simm.s32 @!p0 $0x0  }
0x12: {  	s1 =	sld [smem:$0x3F97];
	s0 =	simm.s32 @p0 $0x1  }
0x13: {  	[smem:$0x3FB2] =	sst s0;
	s0 =	simm.s32 @!p1 $0x0  }
0x14: {  	s2 =	sld [smem:$0x3F96];
	s0 =	simm.s32 @p1 $0x1  }
0x15: {  	[smem:$0x3FB3] =	sst s0;
	s0 =	simm.s32 @!p2 $0x0  }
0x16: {  	s3 =	sld [smem:$0x3FDB];
	s0 =	simm.s32 @p2 $0x1  }
0x17: {  	s4 =	simm.s32 $0x1BF5;
	[smem:$0x3FB5] =	sst s0  }
0x18: {  	s0 =	sld [smem:$0x3F98];
	_ =	swait.ge [sflag:s4], $0x0  }
0x19: {  	s7 =	sld [smem:$0x3F99]  }
0x1a: {  	s8 =	sadd.s32 $0xFFFFE003, lr  }
0x1b: {  	s9 =	sadd.s32 $0xFFFFFEF7, lr;
	s5 =	simm.s32 $0xFFFFFFFF;
	p2 =	slt.u32 s8, $0xFFFFF086  }
0x1c: {  	p1 =	slt.u32 s9, $0xF7A;
	s5 =	simm.s32 @!p2 $0x0  }
0x1d: {  	s5 =	simm.s32 @p1 $0x1;
	p0 =	seq.s32 s7, s2  }
0x1e: {  	s7 =	smul.u32 @!p0 $0xF7A, s2;
	p2 =	seq.s32 @!p0 s5, $0x0  }
0x1f: {  	s9 =	smul.u32 $0xF7A, s1;
	s8 =	simm.s32 @!p0 $0x1BF5;
	p2 =	por !p2, p0  }
0x20: {  	[sflag:s8] =	ssyncset.s32 @!p0 $0xFFFFF086;
	s6 =	sadd.s32 @!p0 s3, s7;
	s7 =	simm.s32 @!p0 $0x108  }
0x21: {  	s3 =	sadd.s32 s3, s9;
	s6 =	sadd.s32 @!p0 $0x88, s6;
	s7 =	simm.s32 @p2 $0x1082  }
0x22: {  	[simem:s7], [sflag:s8] =	dma.local @!p0 [hbm:s6], $0xF7A  }
0x23: {  	s9 =	sor.u32 $0xD0000000, s2;
	s6 =	simm.s32 $0x108;
	_ =	swait.ge @!p0 [sflag:s8], $0x0  }
0x24: {  	s3 =	sadd.s32 $0x88, s3;
	s6 =	simm.s32 @!p1 $0x1082;
	[sflag:s4] =	ssyncset.s32 $0xFFFFF086  }
0x25: {  	[simem:s6], [sflag:s4] =	dma.local [hbm:s3], $0xF7A  }
0x26: {  	[smem:$0x3F99] =	sst s1;
	(tag) =	ssettag s2;
	_ =	strace s9  }
0x27: {  	s1 =	sld [smem:$0x3FA9]  }
0x28: {  	s2 =	sld [smem:$0x3FAA]  }
0x29: {  	s4 =	sld [smem:$0x3FAC]  }
0x2a: {  	p0 =	seq.s32 s5, $0x0;
	s5 =	sld [smem:$0x3FAD]  }
0x2b: {  	s6 =	sld [smem:$0x3FAE]  }
0x2c: {  	s7 =	sld [smem:$0x3FAF]  }
0x2d: {  	s3 =	simm.s32 $0x108;
	s8 =	sld [smem:$0x3FB0]  }
0x2e: {  	s3 =	simm.s32 @!p0 $0x1082;
	s9 =	sld [smem:$0x3FB1]  }
0x2f: {  	lr =	sadd.s32 s0, s3;
	s0 =	sld [smem:$0x3FA8]  }
0x30: {  	s3 =	sld [smem:$0x3FAB]  }
0x31: {  	[smem:$0x3FB4] =	sst s10  }
0x32: {  	s10 =	sld [smem:$0x3FB2];
	_ =	sdelay $0x3  }
0x33: {  	p0 =	seq.s32 s10, $0x1;
	s10 =	sld [smem:$0x3FB4];
	_ =	sdelay $0x3  }
0x34: {  	[smem:$0x3FB4] =	sst s10  }
0x35: {  	s10 =	sld [smem:$0x3FB3];
	_ =	sdelay $0x3  }
0x36: {  	p1 =	seq.s32 s10, $0x1;
	s10 =	sld [smem:$0x3FB4];
	_ =	sdelay $0x3  }
0x37: {  	[smem:$0x3FB4] =	sst s10  }
0x38: {  	s10 =	sld [smem:$0x3FB5]  }
0x39: {  	_ = 	snop;
	(pc) =	sbr.ind lr, $3  }
0x3a: {  	_ = 	snop  }
0x3b: {  	_ = 	snop  }
0x3c: {  	p2 =	seq.s32 s10, $0x1;
	s10 =	sld [smem:$0x3FB4]  }
0x3d: {  	_ =	shalt  }
0x3e: {  	_ =	shalt  }
0x3f: {  	_ =	shalt  }
0x40: {  	_ =	shalt  }
0x41: {  	_ =	shalt  }
0x42: {  	_ =	shalt  }
0x43: {  	_ =	shalt  }
0x44: {  	_ =	shalt  }
0x45: {  	_ =	shalt  }
0x46: {  	_ =	shalt  }
0x47: {  	_ =	shalt  }
0x48: {  	_ =	shalt  }
0x49: {  	_ =	shalt  }
0x4a: {  	_ =	shalt  }
0x4b: {  	_ =	shalt  }
0x4c: {  	_ =	shalt  }
0x4d: {  	_ =	shalt  }
0x4e: {  	_ =	shalt  }
0x4f: {  	_ =	shalt  }
0x50: {  	_ =	shalt  }
0x51: {  	_ =	shalt  }
0x52: {  	_ =	shalt  }
0x53: {  	_ =	shalt  }
0x54: {  	_ =	shalt  }
0x55: {  	_ =	shalt  }
0x56: {  	_ =	shalt  }
0x57: {  	_ =	shalt  }
0x58: {  	_ =	shalt  }
0x59: {  	_ =	shalt  }
0x5a: {  	_ =	shalt  }
0x5b: {  	_ =	shalt  }
0x5c: {  	_ =	shalt  }
0x5d: {  	_ =	shalt  }
0x5e: {  	_ =	shalt  }
0x5f: {  	_ =	shalt  }
0x60: {  	_ =	shalt  }
0x61: {  	_ =	shalt  }
0x62: {  	_ =	shalt  }
0x63: {  	_ =	shalt  }
0x64: {  	_ =	shalt  }
0x65: {  	_ =	shalt  }
0x66: {  	_ =	shalt  }
0x67: {  	_ =	shalt  }
0x68: {  	_ =	shalt  }
0x69: {  	_ =	shalt  }
0x6a: {  	_ =	shalt  }
0x6b: {  	_ =	shalt  }
0x6c: {  	_ =	shalt  }
0x6d: {  	_ =	shalt  }
0x6e: {  	_ =	shalt  }
0x6f: {  	_ =	shalt  }
0x70: {  	_ =	shalt  }
0x71: {  	_ =	shalt  }
0x72: {  	_ =	shalt  }
0x73: {  	_ =	shalt  }
0x74: {  	_ =	shalt  }
0x75: {  	_ =	shalt  }
0x76: {  	_ =	shalt  }
0x77: {  	_ =	shalt  }
0x78: {  	_ =	shalt  }
0x79: {  	_ =	shalt  }
0x7a: {  	_ =	shalt  }
0x7b: {  	_ =	shalt  }
0x7c: {  	_ =	shalt  }
0x7d: {  	_ =	shalt  }
0x7e: {  	_ =	shalt  }
0x7f: {  	_ =	shalt  }
0x80: {  	_ =	shalt  }
0x81: {  	_ =	shalt  }
0x82: {  	_ =	shalt  }
0x83: {  	_ =	shalt  }
0x84: {  	_ =	shalt  }
0x85: {  	_ =	shalt  }
0x86: {  	_ =	shalt  }
0x87: {  	_ =	shalt  }
.Lfunc_end0:
.L_simem_size_0:
called_computation.1_lowered:
.L_overlay_start_0:
0x88: {  	s2 =	sld [smem:$0x3FD9]  }
0x89: {  	s3 =	sld [smem:$0x3FFE];
	_ =	sdelay $0x1  }
0x8a: {  	s1 =	srdreg.scid  }
0x8b: {  	s0 =	sand.u32 $0x1, s1  }
0x8c: {  	s17 =	sshll.u32 s0, $0xA;
	s2 =	sadd.s32 s3, s2  }
0x8d: {  	s2 =	sadd.s32 s2, s17  }
0x8e: {  	[smem:$0x3FC0] =	sst s2  }
0x8f: {  	_ = 	snop  }
0x90: {  	s2 =	sld [smem:$0x3FD0];
	(tm) =	ssettm $0x1  }
0x91: {  	s18 =	sld [smem:$0x3FFB];
	_ =	sdelay $0x3  }
0x92: {  	_ =	strace s18  }
0x93: {  	s3 =	sld [smem:$0x3FFC];
	_ =	sdelay $0x3  }
0x94: {  	_ =	strace s3  }
0x95: {  	s3 =	sld [smem:$0x3FFD];
	_ =	sdelay $0x3  }
0x96: {  	_ =	strace s3  }
0x97: {  	_ =	strace $0x8FFFFFFF  }
0x98: {  	s19 =	sld [smem:$0x3FDB];
	_ =	sdelay $0x1  }
0x99: {  	s4 =	simm.s32 $_scs_section_size  }
0x9a: {  	s5 =	simm.s32 $_size__tile_overlayer_lowered;
	s6 =	simm.s32 $_tile_overlayer_lowered  }
0x9b: {  	s22 =	simm.s32 $0x1BFF;
	s21 =	sshll.u32 s6, $0x1;
	s3 =	sadd.s32 s4, s19  }
0x9c: {  	s7 =	simm.s32 $0x0;
	s20 =	sshll.u32 s5, $0x1;
	s5 =	sadd.s32 s21, s3  }
0x9d: {  	[timem:s7], [sflag:s22] =	dma.local [hbm:s5], s20  }
0x9e: {  	_ =	swait.ge [sflag:s22], s20  }
0x9f: {  	s4 =	ssub.s32 $0x0, s20;
	[sflag:s22] =	ssyncset.done $0x0  }
0xa0: {  	[sflag:s22] =	ssyncadd.s32 s4;
	_ =	sdelay $0x1  }
0xa1: {  	s23 =	simm.s32 $0x1B8B  }
0xa2: {  	_ =	swait.ge [sflag:s23], $0x1  }
0xa3: {  	[sflag:s23] =	ssyncset.done $0x0  }
0xa4: {  	s25 =	simm.s32 $0x1B8E;
	s24 =	sld [smem:$0x3FFE];
	[sflag:s23] =	ssyncadd.s32 $0xFFFFFFFF  }
0xa5: {  	s26 =	simm.s32 $execute0_lowered;
	[smem:$0x3FD2] =	sst s25  }
0xa6: {  	s5 =	sshll.u32 s26, $0x1;
	_ =	strace $0x80000049;
	[dreg:$0x1] =	wrdreg $0xFFFFFFFF  }
0xa7: {  	s28 =	simm.s32 $_size_execute0_lowered;
	s3 =	sadd.s32 s3, s5;
	[dreg:$0x0] =	wrdreg $0x0  }
0xa8: {  	s5 =	sshll.u32 s28, $0x1;
	[dreg:$0x2] =	wrdreg s3  }
0xa9: {  	[dreg:$0x3] =	wrdreg s5  }
0xaa: {  	[dreg:$0x4] =	wrdreg $0xC0  }
0xab: {  	_ =	task [dreg:s7], $0x5FFFF  }
0xac: {  	[dreg:$0x1] =	wrdreg $0xFFFFFFFF  }
0xad: {  	[dreg:$0x0] =	wrdreg $0x60  }
0xae: {  	[dreg:$0x2] =	wrdreg s24  }
0xaf: {  	[dreg:$0x3] =	wrdreg s2  }
0xb0: {  	[dreg:$0x4] =	wrdreg $0x88000  }
0xb1: {  	[dreg:$0x5] =	wrdreg $0x9  }
0xb2: {  	_ =	task.clear_ibuf [dreg:s7], $0x6FFFF;
	_ =	strace $0x90000049  }
0xb3: {  	s29 =	simm.s32 $0x9;
	_ =	strace $0x8000004B  }
0xb4: {  	_ =	swait.ge [sflag:s29], $0x1  }
0xb5: {  	[sflag:s29] =	ssyncadd.s32 $0xFFFFFFFF  }
0xb6: {  	_ =	strace $0x9000004B  }
0xb7: {  	_ =	sfence  }
0xb8: {  	s30 =	sld [smem:$0x0];
	_ =	sdelay $0x2  }
0xb9: {  	s31 =	sshll.u32 s1, $0xD;
	s1 =	sshrl.u32 s1, $0x2  }
0xba: {  	s3 =	sand.u32 $0x4000, s31;
	s1 =	sadd.s32 s1, s30  }
0xbb: {  	s0 =	sor.u32 s3, s0;
	s1 =	sshll.u32 s1, $0x11  }
0xbc: {  	s0 =	sor.u32 s1, s0  }
0xbd: {  	s0 =	sadd.s32 $0x8F2B, s0  }
0xbe: {  	[sflag:s0] =	ssyncadd.remote.s32 $0x1  }
0xbf: {  	_ =	sfence.sel $0xFFFF  }
0xc0: {  	[dreg:$0x0] =	wrdreg $0xFFFFFFFF;
	(pc) =	sbr.abs _section_cstart, $3  }
0xc1: {  	[dreg:$0x1] =	wrdreg $0xFFFFFFFF  }
0xc2: {  	_ =	task.clear_ibuf [dreg:s7], $0x2FFFF;
	_ =	strace $0x9FFFFFFF  }
0xc3: {  	(tm) =	ssettm $0x7FFFFFFF  }
tec
execute0_lowered:
.L_overlay_start_1:
0x0: {  	(tag) =	ssettag $0x1  }
0x1: {  	s6 =	rddreg [dreg:$0x0];
	s0 =	srdreg.scid  }
0x2: {  	s24 =	stileid.u32;
	s3 =	rddreg [dreg:$0x2];
	s4 =	simm.s32 $0x0  }
0x3: {  	s13 =	simm.s32 $0x4800;
	s14 =	simm.s32 $0x1;
	s16 =	simm.s32 $0x480  }
0x4: {  	s15 =	simm.s32 $0x800;
	s17 =	simm.s32 $0x100;
	s18 =	simm.s32 $0x180  }
0x5: {  	s19 =	simm.s32 $0x500;
	s20 =	simm.s32 $0x200;
	s21 =	simm.s32 $0x280  }
0x6: {  	s22 =	simm.s32 $0x600;
	s23 =	simm.s32 $0x680;
	s28 =	simm.s32 $0x780  }
0x7: {  	s29 =	simm.s32 $0x0;
	s7 =	sand.u32 $0x1, s0;
	s9 =	smul.u32 $0x2800, s24  }
0x8: {  	s10 =	smul.u32 $0x13C00, s24;
	[smem:$0x7FF] =	sst s4;
	s5 =	sadd.s32 $0x16E00, s6  }
0x9: {  	s30 =	sshll.u32 s24, $0x6;
	s24 =	simm.s32 $0x300;
	s8 =	smul.u32 $0x28000, s7  }
0xa: {  	s11 =	smul.u32 $0x13C000, s7;
	_ =	strace $0x8000004A;
	[dreg:$0x6] =	wrdreg s16  }
0xb: {  	s7 =	ssub.s32 $0x2, s7;
	s16 =	simm.s32 $0x2;
	[dreg:$0x7] =	wrdreg s17  }
0xc: {  	s17 =	simm.s32 $0x3;
	[dreg:$0x8] =	wrdreg s18;
	s18 =	simm.s32 $0x4  }
0xd: {  	[dreg:$0x9] =	wrdreg s19;
	s19 =	simm.s32 $0x580;
	s26 =	sshrl.u32 s7, $0x1  }
0xe: {  	s8 =	sadd.s32 s9, s8;
	s25 =	sadd.s32 s10, s11;
	s11 =	ssub.s32 s7, s26  }
0xf: {  	s10 =	sadd.s32 s10, s3;
	s26 =	simm.s32 $0x700;
	s8 =	sshrl.u32 s8, $0x3  }
0x10: {  	s9 =	sshrl.u32 s25, $0x3;
	s25 =	simm.s32 $0x380;
	s8 =	sadd.s32 s8, s6  }
0x11: {  	s9 =	sadd.s32 s9, s6;
	s6 =	sor.u32 $0x1C05, s30;
	s12 =	sadd.s32 $0x2E00, s8  }
0x12: {  	s7 =	sadd.s32 $0x3E000, s9;
	s31 =	sadd.s32 $0xCE00, s8;
	s8 =	smax.u32 s11, $0x1  }
0x13: {  	s9 =	sshrl.u32 s10, $0x3;
	s10 =	simm.s32 $0x5;
	[dreg:$0x4] =	wrdreg s12  }
0x14: {  	s11 =	simm.s32 $0x400;
	[dreg:$0x5] =	wrdreg s31;
	s12 =	simm.s32 $0x80  }
.LBB2_1:
0x15: {  	s0 =	rddreg [dreg:$0x1]  }
0x16: {  	[spmem:s9], [sflag:s6] =	dma.local [hbm:s0], $0x2780  }
0x17: {  	_ =	swait.ge [sflag:s10], $0x2780  }
0x18: {  	[sflag:s10] =	ssyncset.done $0x0  }
0x19: {  	[sflag:s10] =	ssyncadd.s32 $0xFFFFD880  }
0x1a: {  	[bflag:$0x0] =	sbarrier.arrive $0xFFFF  }
0x1b: {  	s30 =	rddreg [dreg:$0x5]  }
0x1c: {  	s30 =	sadd.s32 $0x0, s30  }
0x1d: {  	[tilespmem:s4], [sflag:$0x5] =	stream.linear.gather [hbm4b:s30+s4], $0x400, $0x38;
	[tilespmem:$0x1C400] =	vst v63  }
0x1e: {  	_ =	swait.ge [sflag:s10], $0x400  }
0x1f: {  	s30 =	rddreg [dreg:$0x4];
	[sflag:s10] =	ssyncset.done $0x0  }
0x20: {  	[sflag:s10] =	ssyncadd.s32 $0xFFFFFC00;
	s30 =	sadd.s32 $0x0, s30  }
0x21: {  	[tilespmem:s11], [sflag:$0x5] =	stream.linear.gather [hbm4b:s30+s4], $0x400, $0x38;
	[tilespmem:$0x1C400] =	vst v63  }
0x22: {  	p0 =	por $0x1, $0x1;
	_ =	swait.ge [sflag:s10], $0x400  }
0x23: {  	s31 =	simm.s32 @p0 $0x0;
	[sflag:s10] =	ssyncset.done $0x0  }
0x24: {  	s1 =	simm.s32 @p0 $0x800;
	s30 =	simm.s32 @p0 $0x80;
	[sflag:s10] =	ssyncadd.s32 $0xFFFFFC00  }
0x25: {  	[tilespmem:s1], [sflag:$0x1] =	stream.indirect.gather @p0 [hbm4b:s5+s30], $0x80, s31, s30, $0xb8;
	[tilespmem:$0x1C400] =	vst v63  }
0x26: {  	s1 =	simm.s32 @!p0 $0x3  }
0x27: {  	_ =	swait.ge @!p0 [sflag:s1], $0x4000  }
0x28: {  	s30 =	simm.s32 @!p0 $0x800;
	[sflag:s1] =	ssyncset.done @!p0 $0x0  }
0x29: {  	s31 =	simm.s32 @!p0 $0x0;
	[sflag:s1] =	ssyncadd.s32 @!p0 $0xFFFFC000;
	s1 =	simm.s32 @!p0 $0x80  }
0x2a: {  	[tilespmem:s30], [sflag:$0x1] =	stream.indirect.gather @!p0 [hbm4b:s5+s1], $0x80, s31, s1, $0xb8;
	[tilespmem:$0x1C400] =	vst v63  }
0x2b: {  	s1 =	simm.s32 @!p0 $0x4  }
0x2c: {  	_ =	swait.ge @!p0 [sflag:s1], $0x4000  }
0x2d: {  	[sflag:s1] =	ssyncset.done @!p0 $0x0  }
0x2e: {  	[sflag:s1] =	ssyncadd.s32 @!p0 $0xFFFFC000  }
0x2f: {  	[tilespmem:s13], [sflag:$0x2] =	stream.indirect.gather [hbm4b:s5+s12], $0x80, s12, s12, $0xb8;
	[tilespmem:$0x1C400] =	vst v63  }
0x30: {  	_ =	swait.ge [sflag:s14], $0x4000  }
0x31: {  	[sflag:s14] =	ssyncset.done $0x0  }
0x32: {  	[sflag:s14] =	ssyncadd.s32 $0xFFFFC000  }
0x33: {  	[spmem:s3] =	stream.indirect.scatter.add.f32 [tilespmem:s15], [sflag:$0x3], $0x80, s11, s12, $0xb8;
	[tilespmem:$0x1C400] =	vst v63  }
0x34: {  	_ =	swait.ge [sflag:s16], $0x4000  }
0x35: {  	[sflag:s16] =	ssyncset.done $0x0  }
0x36: {  	s31 =	rddreg [dreg:$0x6];
	[sflag:s16] =	ssyncadd.s32 $0xFFFFC000  }
0x37: {  	[spmem:s3] =	stream.indirect.scatter.add.f32 [tilespmem:s13], [sflag:$0x4], $0x80, s31, s12, $0xb8;
	[tilespmem:$0x1C400] =	vst v63  }
0x38: {  	_ =	swait.ge [sflag:s17], $0x4000  }
0x39: {  	[sflag:s17] =	ssyncset.done $0x0  }
0x3a: {  	s0 =	rddreg [dreg:$0x7];
	[sflag:s17] =	ssyncadd.s32 $0xFFFFC000  }
0x3b: {  	[tilespmem:s15], [sflag:$0x1] =	stream.indirect.gather [hbm4b:s5+s12], $0x80, s0, s12, $0xb8;
	[tilespmem:$0x1C400] =	vst v63  }
0x3c: {  	_ =	swait.ge [sflag:s18], $0x4000  }
0x3d: {  	[sflag:s18] =	ssyncset.done $0x0  }
0x3e: {  	s2 =	rddreg [dreg:$0x8];
	[sflag:s18] =	ssyncadd.s32 $0xFFFFC000  }
0x3f: {  	[tilespmem:s13], [sflag:$0x2] =	stream.indirect.gather [hbm4b:s5+s12], $0x80, s2, s12, $0xb8;
	[tilespmem:$0x1C400] =	vst v63  }
0x40: {  	_ =	swait.ge [sflag:s14], $0x4000  }
0x41: {  	[sflag:s14] =	ssyncset.done $0x0  }
0x42: {  	s31 =	rddreg [dreg:$0x9];
	[sflag:s14] =	ssyncadd.s32 $0xFFFFC000  }
0x43: {  	[spmem:s3] =	stream.indirect.scatter.add.f32 [tilespmem:s15], [sflag:$0x3], $0x80, s31, s12, $0xb8;
	[tilespmem:$0x1C400] =	vst v63  }
0x44: {  	_ =	swait.ge [sflag:s16], $0x4000  }
0x45: {  	[sflag:s16] =	ssyncset.done $0x0  }
0x46: {  	[sflag:s16] =	ssyncadd.s32 $0xFFFFC000  }
0x47: {  	[spmem:s3] =	stream.indirect.scatter.add.f32 [tilespmem:s13], [sflag:$0x4], $0x80, s19, s12, $0xb8;
	[tilespmem:$0x1C400] =	vst v63  }
0x48: {  	_ =	swait.ge [sflag:s17], $0x4000  }
0x49: {  	[sflag:s17] =	ssyncset.done $0x0  }
0x4a: {  	[sflag:s17] =	ssyncadd.s32 $0xFFFFC000  }
0x4b: {  	[tilespmem:s15], [sflag:$0x1] =	stream.indirect.gather [hbm4b:s5+s12], $0x80, s20, s12, $0xb8;
	[tilespmem:$0x1C400] =	vst v63  }
0x4c: {  	_ =	swait.ge [sflag:s18], $0x4000  }
0x4d: {  	[sflag:s18] =	ssyncset.done $0x0  }
0x4e: {  	[sflag:s18] =	ssyncadd.s32 $0xFFFFC000  }
0x4f: {  	[tilespmem:s13], [sflag:$0x2] =	stream.indirect.gather [hbm4b:s5+s12], $0x80, s21, s12, $0xb8;
	[tilespmem:$0x1C400] =	vst v63  }
0x50: {  	_ =	swait.ge [sflag:s14], $0x4000  }
0x51: {  	[sflag:s14] =	ssyncset.done $0x0  }
0x52: {  	[sflag:s14] =	ssyncadd.s32 $0xFFFFC000  }
0x53: {  	[spmem:s3] =	stream.indirect.scatter.add.f32 [tilespmem:s15], [sflag:$0x3], $0x80, s22, s12, $0xb8;
	[tilespmem:$0x1C400] =	vst v63  }
0x54: {  	_ =	swait.ge [sflag:s16], $0x4000  }
0x55: {  	[sflag:s16] =	ssyncset.done $0x0  }
0x56: {  	[sflag:s16] =	ssyncadd.s32 $0xFFFFC000  }
0x57: {  	[spmem:s3] =	stream.indirect.scatter.add.f32 [tilespmem:s13], [sflag:$0x4], $0x80, s23, s12, $0xb8;
	[tilespmem:$0x1C400] =	vst v63  }
0x58: {  	_ =	swait.ge [sflag:s17], $0x4000  }
0x59: {  	[sflag:s17] =	ssyncset.done $0x0  }
0x5a: {  	[sflag:s17] =	ssyncadd.s32 $0xFFFFC000  }
0x5b: {  	[tilespmem:s15], [sflag:$0x1] =	stream.indirect.gather [hbm4b:s5+s12], $0x80, s24, s12, $0xb8;
	[tilespmem:$0x1C400] =	vst v63  }
0x5c: {  	_ =	swait.ge [sflag:s18], $0x4000  }
0x5d: {  	[sflag:s18] =	ssyncset.done $0x0  }
0x5e: {  	[sflag:s18] =	ssyncadd.s32 $0xFFFFC000  }
0x5f: {  	[tilespmem:s13], [sflag:$0x2] =	stream.indirect.gather [hbm4b:s5+s12], $0x80, s25, s12, $0xb8;
	[tilespmem:$0x1C400] =	vst v63  }
0x60: {  	_ =	swait.ge [sflag:s14], $0x4000  }
0x61: {  	[sflag:s14] =	ssyncset.done $0x0  }
0x62: {  	[sflag:s14] =	ssyncadd.s32 $0xFFFFC000  }
0x63: {  	[spmem:s3] =	stream.indirect.scatter.add.f32 [tilespmem:s15], [sflag:$0x3], $0x80, s26, s12, $0xb8;
	[tilespmem:$0x1C400] =	vst v63  }
0x64: {  	s30 =	simm.s32 $0x80;
	_ =	swait.ge [sflag:s16], $0x4000  }
.LBB2_2:
0x65: {  	[sflag:s16] =	ssyncset.done $0x0  }
0x66: {  	s1 =	rddreg [dreg:$0x5];
	s31 =	smov.u32 s30;
	[sflag:s16] =	ssyncadd.s32 $0xFFFFC000  }
0x67: {  	[spmem:s3] =	stream.indirect.scatter.add.f32 [tilespmem:s13], [sflag:$0x4], $0x80, s28, s12, $0xb8;
	[tilespmem:$0x1C400] =	vst v63  }
0x68: {  	s1 =	sadd.s32 s31, s1  }
0x69: {  	[tilespmem:s4], [sflag:$0x5] =	stream.linear.gather [hbm4b:s1+s4], $0x400, $0x38;
	[tilespmem:$0x1C400] =	vst v63  }
0x6a: {  	_ =	swait.ge [sflag:s10], $0x400  }
0x6b: {  	s2 =	rddreg [dreg:$0x4];
	[sflag:s10] =	ssyncset.done $0x0  }
0x6c: {  	[sflag:s10] =	ssyncadd.s32 $0xFFFFFC00;
	s1 =	sadd.s32 s31, s2  }
0x6d: {  	[tilespmem:s11], [sflag:$0x5] =	stream.linear.gather [hbm4b:s1+s4], $0x400, $0x38;
	[tilespmem:$0x1C400] =	vst v63  }
0x6e: {  	p1 =	seq.s32 s31, $0x0;
	_ =	swait.ge [sflag:s10], $0x400  }
0x6f: {  	s0 =	simm.s32 @p1 $0x800;
	s31 =	simm.s32 @p1 $0x0;
	[sflag:s10] =	ssyncset.done $0x0  }
0x70: {  	s2 =	simm.s32 @!p1 $0x3;
	s1 =	simm.s32 @p1 $0x80;
	[sflag:s10] =	ssyncadd.s32 $0xFFFFFC00  }
0x71: {  	[tilespmem:s0], [sflag:$0x1] =	stream.indirect.gather @p1 [hbm4b:s5+s1], $0x80, s31, s1, $0xb8;
	[tilespmem:$0x1C400] =	vst v63  }
0x72: {  	_ =	swait.ge @!p1 [sflag:s2], $0x4000  }
0x73: {  	s0 =	simm.s32 @!p1 $0x800;
	s1 =	simm.s32 @!p1 $0x4;
	[sflag:s2] =	ssyncset.done @!p1 $0x0  }
0x74: {  	s31 =	simm.s32 @!p1 $0x0;
	[sflag:s2] =	ssyncadd.s32 @!p1 $0xFFFFC000;
	s2 =	simm.s32 @!p1 $0x80  }
0x75: {  	[tilespmem:s0], [sflag:$0x1] =	stream.indirect.gather @!p1 [hbm4b:s5+s2], $0x80, s31, s2, $0xb8;
	[tilespmem:$0x1C400] =	vst v63  }
0x76: {  	_ =	swait.ge @!p1 [sflag:s1], $0x4000  }
0x77: {  	[sflag:s1] =	ssyncset.done @!p1 $0x0  }
0x78: {  	[sflag:s1] =	ssyncadd.s32 @!p1 $0xFFFFC000  }
0x79: {  	[tilespmem:s13], [sflag:$0x2] =	stream.indirect.gather [hbm4b:s5+s12], $0x80, s12, s12, $0xb8;
	[tilespmem:$0x1C400] =	vst v63  }
0x7a: {  	_ =	swait.ge [sflag:s14], $0x4000  }
0x7b: {  	[sflag:s14] =	ssyncset.done $0x0  }
0x7c: {  	[sflag:s14] =	ssyncadd.s32 $0xFFFFC000  }
0x7d: {  	[spmem:s3] =	stream.indirect.scatter.add.f32 [tilespmem:s15], [sflag:$0x3], $0x80, s11, s12, $0xb8;
	[tilespmem:$0x1C400] =	vst v63  }
0x7e: {  	_ =	swait.ge [sflag:s16], $0x4000  }
0x7f: {  	[sflag:s16] =	ssyncset.done $0x0  }
0x80: {  	s31 =	rddreg [dreg:$0x6];
	[sflag:s16] =	ssyncadd.s32 $0xFFFFC000  }
0x81: {  	[spmem:s3] =	stream.indirect.scatter.add.f32 [tilespmem:s13], [sflag:$0x4], $0x80, s31, s12, $0xb8;
	[tilespmem:$0x1C400] =	vst v63  }
0x82: {  	_ =	swait.ge [sflag:s17], $0x4000  }
0x83: {  	[sflag:s17] =	ssyncset.done $0x0  }
0x84: {  	s1 =	rddreg [dreg:$0x7];
	[sflag:s17] =	ssyncadd.s32 $0xFFFFC000  }
0x85: {  	[tilespmem:s15], [sflag:$0x1] =	stream.indirect.gather [hbm4b:s5+s12], $0x80, s1, s12, $0xb8;
	[tilespmem:$0x1C400] =	vst v63  }
0x86: {  	_ =	swait.ge [sflag:s18], $0x4000  }
0x87: {  	[sflag:s18] =	ssyncset.done $0x0  }
0x88: {  	s2 =	rddreg [dreg:$0x8];
	[sflag:s18] =	ssyncadd.s32 $0xFFFFC000  }
0x89: {  	[tilespmem:s13], [sflag:$0x2] =	stream.indirect.gather [hbm4b:s5+s12], $0x80, s2, s12, $0xb8;
	[tilespmem:$0x1C400] =	vst v63  }
0x8a: {  	_ =	swait.ge [sflag:s14], $0x4000  }
0x8b: {  	[sflag:s14] =	ssyncset.done $0x0  }
0x8c: {  	s31 =	rddreg [dreg:$0x9];
	[sflag:s14] =	ssyncadd.s32 $0xFFFFC000  }
0x8d: {  	[spmem:s3] =	stream.indirect.scatter.add.f32 [tilespmem:s15], [sflag:$0x3], $0x80, s31, s12, $0xb8;
	[tilespmem:$0x1C400] =	vst v63  }
0x8e: {  	_ =	swait.ge [sflag:s16], $0x4000  }
0x8f: {  	[sflag:s16] =	ssyncset.done $0x0  }
0x90: {  	[sflag:s16] =	ssyncadd.s32 $0xFFFFC000  }
0x91: {  	[spmem:s3] =	stream.indirect.scatter.add.f32 [tilespmem:s13], [sflag:$0x4], $0x80, s19, s12, $0xb8;
	[tilespmem:$0x1C400] =	vst v63  }
0x92: {  	_ =	swait.ge [sflag:s17], $0x4000  }
0x93: {  	[sflag:s17] =	ssyncset.done $0x0  }
0x94: {  	[sflag:s17] =	ssyncadd.s32 $0xFFFFC000  }
0x95: {  	[tilespmem:s15], [sflag:$0x1] =	stream.indirect.gather [hbm4b:s5+s12], $0x80, s20, s12, $0xb8;
	[tilespmem:$0x1C400] =	vst v63  }
0x96: {  	_ =	swait.ge [sflag:s18], $0x4000  }
0x97: {  	[sflag:s18] =	ssyncset.done $0x0  }
0x98: {  	[sflag:s18] =	ssyncadd.s32 $0xFFFFC000  }
0x99: {  	[tilespmem:s13], [sflag:$0x2] =	stream.indirect.gather [hbm4b:s5+s12], $0x80, s21, s12, $0xb8;
	[tilespmem:$0x1C400] =	vst v63  }
0x9a: {  	_ =	swait.ge [sflag:s14], $0x4000  }
0x9b: {  	[sflag:s14] =	ssyncset.done $0x0  }
0x9c: {  	[sflag:s14] =	ssyncadd.s32 $0xFFFFC000  }
0x9d: {  	[spmem:s3] =	stream.indirect.scatter.add.f32 [tilespmem:s15], [sflag:$0x3], $0x80, s22, s12, $0xb8;
	[tilespmem:$0x1C400] =	vst v63  }
0x9e: {  	_ =	swait.ge [sflag:s16], $0x4000  }
0x9f: {  	[sflag:s16] =	ssyncset.done $0x0  }
0xa0: {  	[sflag:s16] =	ssyncadd.s32 $0xFFFFC000  }
0xa1: {  	[spmem:s3] =	stream.indirect.scatter.add.f32 [tilespmem:s13], [sflag:$0x4], $0x80, s23, s12, $0xb8;
	[tilespmem:$0x1C400] =	vst v63  }
0xa2: {  	_ =	swait.ge [sflag:s17], $0x4000  }
0xa3: {  	[sflag:s17] =	ssyncset.done $0x0  }
0xa4: {  	[sflag:s17] =	ssyncadd.s32 $0xFFFFC000  }
0xa5: {  	[tilespmem:s15], [sflag:$0x1] =	stream.indirect.gather [hbm4b:s5+s12], $0x80, s24, s12, $0xb8;
	[tilespmem:$0x1C400] =	vst v63  }
0xa6: {  	_ =	swait.ge [sflag:s18], $0x4000  }
0xa7: {  	s30 =	sadd.s32 $0x80, s30;
	[sflag:s18] =	ssyncset.done $0x0  }
0xa8: {  	p0 =	sne.s32 s30, $0x500;
	[sflag:s18] =	ssyncadd.s32 $0xFFFFC000  }
0xa9: {  	[tilespmem:s13], [sflag:$0x2] =	stream.indirect.gather [hbm4b:s5+s12], $0x80, s25, s12, $0xb8;
	[tilespmem:$0x1C400] =	vst v63  }
.Ltmp0:
0xaa: {  	_ =	swait.ge [sflag:s14], $0x4000;
	(pc) =	sbr.rel @p0 .LBB2_2-.Ltmp0, $4  }
0xab: {  	[sflag:s14] =	ssyncset.done $0x0  }
0xac: {  	[sflag:s14] =	ssyncadd.s32 $0xFFFFC000  }
0xad: {  	[spmem:s3] =	stream.indirect.scatter.add.f32 [tilespmem:s15], [sflag:$0x3], $0x80, s26, s12, $0xb8;
	[tilespmem:$0x1C400] =	vst v63  }
0xae: {  	_ =	swait.ge [sflag:s16], $0x4000  }
0xaf: {  	[sflag:s16] =	ssyncset.done $0x0  }
0xb0: {  	[sflag:s16] =	ssyncadd.s32 $0xFFFFC000  }
0xb1: {  	[spmem:s3] =	stream.indirect.scatter.add.f32 [tilespmem:s13], [sflag:$0x4], $0x80, s28, s12, $0xb8;
	[tilespmem:$0x1C400] =	vst v63  }
0xb2: {  	_ =	swait.ge [sflag:s17], $0x4000  }
0xb3: {  	[sflag:s17] =	ssyncset.done $0x0  }
0xb4: {  	[sflag:s17] =	ssyncadd.s32 $0xFFFFC000  }
0xb5: {  	_ =	swait.ge [sflag:s18], $0x4000  }
0xb6: {  	s29 =	sadd.s32 $0x1, s29;
	[sflag:s18] =	ssyncset.done $0x0  }
0xb7: {  	p0 =	sne.s32 s29, s8;
	[sflag:s18] =	ssyncadd.s32 $0xFFFFC000  }
.Ltmp1:
0xb8: {  	[bflag:$0x0] =	sbarrier.arrive $0xFFFF;
	(pc) =	sbr.rel @p0 .LBB2_1-.Ltmp1, $4  }
0xb9: {  	[hbm:s7], [sflag:s6] =	dma.local [spmem:s9], $0x2780  }
0xba: {  	_ =	swait.ge [sflag:s10], $0x2780  }
0xbb: {  	[sflag:s10] =	ssyncset.done $0x0  }
0xbc: {  	[sflag:s10] =	ssyncadd.s32 $0xFFFFD880  }
0xbd: {  	_ =	sfence.sel $0x180000  }
0xbe: {  	[bflag:$0x0] =	sbarrier.arrive $0xFFFF  }
0xbf: {  	_ =	strace $0x9000004A  }
0xc0: {  	s0 =	stileid.u32;
	[bflag:$0x2] =	sbarrier.arrive $0xFFFF  }
0xc1: {  	p0 =	sne.s32 s0, $0x0;
	s0 =	rddreg [dreg:$0x3]  }
0xc2: {  	s0 =	sadd.s32 @!p0 $0x100000, s0  }
0xc3: {  	[sflag:s0] =	ssyncadd.tile.s32 @!p0 $0x1;
	_ =	shalt  }
.Lfunc_end2:
_tile_overlayer_lowered:
.L_overlay_start_2:
0xc4: {  	(tag) =	ssettag $0x2  }
0xc5: {  	s0 =	rddreg [dreg:$0x0];
	s2 =	stileid.u32  }
0xc6: {  	s1 =	rddreg [dreg:$0x1];
	p0 =	sne.s32 s2, $0x0  }
0xc7: {  	s3 =	rddreg [dreg:$0x2];
	[bflag:$0x3] =	sbarrier.arrive $0xFFFF;
	s2 =	simm.s32 @!p0 $0x1C05  }
0xc8: {  	[timem:s3], [sflag:s2] =	dma.local @!p0 [hbm:s0], s1  }
0xc9: {  	s0 =	simm.s32 @!p0 $0x5  }
0xca: {  	_ =	swait.ge @!p0 [sflag:s0], s1  }
0xcb: {  	s1 =	ssub.s32 @!p0 $0x0, s1;
	[sflag:s0] =	ssyncset.done @!p0 $0x0  }
0xcc: {  	[sflag:s0] =	ssyncadd.s32 @!p0 s1  }
0xcd: {  	[bflag:$0x3] =	sbarrier.arrive $0xFFFF  }
0xce: {  	_ =	shalt  }

// kernel: kernel.16.cloned.1.call-start
scs
__scs_entry_jumppad:
0x0: {  	(pc) =	sbr.rel $0x88, $3  }
0x1: {  	(tag) =	ssettag $0x0;
	lr =	simm.s32 $0x1  }
0x2: {  	[smem:$0x3F99] =	sst lr;
	_ =	strace $0xD0000000  }
0x3: {  	_ = 	snop  }
0x4: {  	_ = 	snop  }
0x5: {  	_ = 	snop  }
0x6: {  	_ = 	snop  }
0x7: {  	_ = 	snop  }
__scs_overlays_trampoline_lowered:
0x8: {  	[smem:$0x3FA8] =	sst s0  }
0x9: {  	[smem:$0x3FA9] =	sst s1  }
0xa: {  	[smem:$0x3FAA] =	sst s2  }
0xb: {  	[smem:$0x3FAB] =	sst s3  }
0xc: {  	[smem:$0x3FAC] =	sst s4  }
0xd: {  	[smem:$0x3FAD] =	sst s5  }
0xe: {  	[smem:$0x3FAE] =	sst s6  }
0xf: {  	[smem:$0x3FAF] =	sst s7  }
0x10: {  	[smem:$0x3FB0] =	sst s8  }
0x11: {  	[smem:$0x3FB1] =	sst s9;
	s0 =	simm.s32 @!p0 $0x0  }
0x12: {  	s1 =	sld [smem:$0x3F97];
	s0 =	simm.s32 @p0 $0x1  }
0x13: {  	[smem:$0x3FB2] =	sst s0;
	s0 =	simm.s32 @!p1 $0x0  }
0x14: {  	s2 =	sld [smem:$0x3F96];
	s0 =	simm.s32 @p1 $0x1  }
0x15: {  	[smem:$0x3FB3] =	sst s0;
	s0 =	simm.s32 @!p2 $0x0  }
0x16: {  	s3 =	sld [smem:$0x3FDB];
	s0 =	simm.s32 @p2 $0x1  }
0x17: {  	s4 =	simm.s32 $0x1BF5;
	[smem:$0x3FB5] =	sst s0  }
0x18: {  	s0 =	sld [smem:$0x3F98];
	_ =	swait.ge [sflag:s4], $0x0  }
0x19: {  	s7 =	sld [smem:$0x3F99]  }
0x1a: {  	s8 =	sadd.s32 $0xFFFFE003, lr  }
0x1b: {  	s9 =	sadd.s32 $0xFFFFFEF7, lr;
	s5 =	simm.s32 $0xFFFFFFFF;
	p2 =	slt.u32 s8, $0xFFFFF086  }
0x1c: {  	p1 =	slt.u32 s9, $0xF7A;
	s5 =	simm.s32 @!p2 $0x0  }
0x1d: {  	s5 =	simm.s32 @p1 $0x1;
	p0 =	seq.s32 s7, s2  }
0x1e: {  	s7 =	smul.u32 @!p0 $0xF7A, s2;
	p2 =	seq.s32 @!p0 s5, $0x0  }
0x1f: {  	s9 =	smul.u32 $0xF7A, s1;
	s8 =	simm.s32 @!p0 $0x1BF5;
	p2 =	por !p2, p0  }
0x20: {  	[sflag:s8] =	ssyncset.s32 @!p0 $0xFFFFF086;
	s6 =	sadd.s32 @!p0 s3, s7;
	s7 =	simm.s32 @!p0 $0x108  }
0x21: {  	s3 =	sadd.s32 s3, s9;
	s6 =	sadd.s32 @!p0 $0x88, s6;
	s7 =	simm.s32 @p2 $0x1082  }
0x22: {  	[simem:s7], [sflag:s8] =	dma.local @!p0 [hbm:s6], $0xF7A  }
0x23: {  	s9 =	sor.u32 $0xD0000000, s2;
	s6 =	simm.s32 $0x108;
	_ =	swait.ge @!p0 [sflag:s8], $0x0  }
0x24: {  	s3 =	sadd.s32 $0x88, s3;
	s6 =	simm.s32 @!p1 $0x1082;
	[sflag:s4] =	ssyncset.s32 $0xFFFFF086  }
0x25: {  	[simem:s6], [sflag:s4] =	dma.local [hbm:s3], $0xF7A  }
0x26: {  	[smem:$0x3F99] =	sst s1;
	(tag) =	ssettag s2;
	_ =	strace s9  }
0x27: {  	s1 =	sld [smem:$0x3FA9]  }
0x28: {  	s2 =	sld [smem:$0x3FAA]  }
0x29: {  	s4 =	sld [smem:$0x3FAC]  }
0x2a: {  	p0 =	seq.s32 s5, $0x0;
	s5 =	sld [smem:$0x3FAD]  }
0x2b: {  	s6 =	sld [smem:$0x3FAE]  }
0x2c: {  	s7 =	sld [smem:$0x3FAF]  }
0x2d: {  	s3 =	simm.s32 $0x108;
	s8 =	sld [smem:$0x3FB0]  }
0x2e: {  	s3 =	simm.s32 @!p0 $0x1082;
	s9 =	sld [smem:$0x3FB1]  }
0x2f: {  	lr =	sadd.s32 s0, s3;
	s0 =	sld [smem:$0x3FA8]  }
0x30: {  	s3 =	sld [smem:$0x3FAB]  }
0x31: {  	[smem:$0x3FB4] =	sst s10  }
0x32: {  	s10 =	sld [smem:$0x3FB2];
	_ =	sdelay $0x3  }
0x33: {  	p0 =	seq.s32 s10, $0x1;
	s10 =	sld [smem:$0x3FB4];
	_ =	sdelay $0x3  }
0x34: {  	[smem:$0x3FB4] =	sst s10  }
0x35: {  	s10 =	sld [smem:$0x3FB3];
	_ =	sdelay $0x3  }
0x36: {  	p1 =	seq.s32 s10, $0x1;
	s10 =	sld [smem:$0x3FB4];
	_ =	sdelay $0x3  }
0x37: {  	[smem:$0x3FB4] =	sst s10  }
0x38: {  	s10 =	sld [smem:$0x3FB5]  }
0x39: {  	_ = 	snop;
	(pc) =	sbr.ind lr, $3  }
0x3a: {  	_ = 	snop  }
0x3b: {  	_ = 	snop  }
0x3c: {  	p2 =	seq.s32 s10, $0x1;
	s10 =	sld [smem:$0x3FB4]  }
0x3d: {  	_ =	shalt  }
0x3e: {  	_ =	shalt  }
0x3f: {  	_ =	shalt  }
0x40: {  	_ =	shalt  }
0x41: {  	_ =	shalt  }
0x42: {  	_ =	shalt  }
0x43: {  	_ =	shalt  }
0x44: {  	_ =	shalt  }
0x45: {  	_ =	shalt  }
0x46: {  	_ =	shalt  }
0x47: {  	_ =	shalt  }
0x48: {  	_ =	shalt  }
0x49: {  	_ =	shalt  }
0x4a: {  	_ =	shalt  }
0x4b: {  	_ =	shalt  }
0x4c: {  	_ =	shalt  }
0x4d: {  	_ =	shalt  }
0x4e: {  	_ =	shalt  }
0x4f: {  	_ =	shalt  }
0x50: {  	_ =	shalt  }
0x51: {  	_ =	shalt  }
0x52: {  	_ =	shalt  }
0x53: {  	_ =	shalt  }
0x54: {  	_ =	shalt  }
0x55: {  	_ =	shalt  }
0x56: {  	_ =	shalt  }
0x57: {  	_ =	shalt  }
0x58: {  	_ =	shalt  }
0x59: {  	_ =	shalt  }
0x5a: {  	_ =	shalt  }
0x5b: {  	_ =	shalt  }
0x5c: {  	_ =	shalt  }
0x5d: {  	_ =	shalt  }
0x5e: {  	_ =	shalt  }
0x5f: {  	_ =	shalt  }
0x60: {  	_ =	shalt  }
0x61: {  	_ =	shalt  }
0x62: {  	_ =	shalt  }
0x63: {  	_ =	shalt  }
0x64: {  	_ =	shalt  }
0x65: {  	_ =	shalt  }
0x66: {  	_ =	shalt  }
0x67: {  	_ =	shalt  }
0x68: {  	_ =	shalt  }
0x69: {  	_ =	shalt  }
0x6a: {  	_ =	shalt  }
0x6b: {  	_ =	shalt  }
0x6c: {  	_ =	shalt  }
0x6d: {  	_ =	shalt  }
0x6e: {  	_ =	shalt  }
0x6f: {  	_ =	shalt  }
0x70: {  	_ =	shalt  }
0x71: {  	_ =	shalt  }
0x72: {  	_ =	shalt  }
0x73: {  	_ =	shalt  }
0x74: {  	_ =	shalt  }
0x75: {  	_ =	shalt  }
0x76: {  	_ =	shalt  }
0x77: {  	_ =	shalt  }
0x78: {  	_ =	shalt  }
0x79: {  	_ =	shalt  }
0x7a: {  	_ =	shalt  }
0x7b: {  	_ =	shalt  }
0x7c: {  	_ =	shalt  }
0x7d: {  	_ =	shalt  }
0x7e: {  	_ =	shalt  }
0x7f: {  	_ =	shalt  }
0x80: {  	_ =	shalt  }
0x81: {  	_ =	shalt  }
0x82: {  	_ =	shalt  }
0x83: {  	_ =	shalt  }
0x84: {  	_ =	shalt  }
0x85: {  	_ =	shalt  }
0x86: {  	_ =	shalt  }
0x87: {  	_ =	shalt  }
.Lfunc_end0:
.L_simem_size_0:
called_computation.2_lowered:
.L_overlay_start_0:
0x88: {  	s2 =	sld [smem:$0x3FD9]  }
0x89: {  	s3 =	sld [smem:$0x3FFE];
	_ =	sdelay $0x1  }
0x8a: {  	s1 =	srdreg.scid  }
0x8b: {  	s0 =	sand.u32 $0x1, s1  }
0x8c: {  	s17 =	sshll.u32 s0, $0xA;
	s2 =	sadd.s32 s3, s2  }
0x8d: {  	s2 =	sadd.s32 s2, s17  }
0x8e: {  	[smem:$0x3FC0] =	sst s2  }
0x8f: {  	_ = 	snop  }
0x90: {  	s2 =	sld [smem:$0x3FD0];
	(tm) =	ssettm $0x1  }
0x91: {  	s18 =	sld [smem:$0x3FFB];
	_ =	sdelay $0x3  }
0x92: {  	_ =	strace s18  }
0x93: {  	s3 =	sld [smem:$0x3FFC];
	_ =	sdelay $0x3  }
0x94: {  	_ =	strace s3  }
0x95: {  	s3 =	sld [smem:$0x3FFD];
	_ =	sdelay $0x3  }
0x96: {  	_ =	strace s3  }
0x97: {  	_ =	strace $0x8FFFFFFF  }
0x98: {  	s19 =	sld [smem:$0x3FDB];
	_ =	sdelay $0x1  }
0x99: {  	s4 =	simm.s32 $_scs_section_size  }
0x9a: {  	s5 =	simm.s32 $_size__tile_overlayer_lowered;
	s6 =	simm.s32 $_tile_overlayer_lowered  }
0x9b: {  	s22 =	simm.s32 $0x1BFF;
	s21 =	sshll.u32 s6, $0x1;
	s3 =	sadd.s32 s4, s19  }
0x9c: {  	s7 =	simm.s32 $0x0;
	s20 =	sshll.u32 s5, $0x1;
	s5 =	sadd.s32 s21, s3  }
0x9d: {  	[timem:s7], [sflag:s22] =	dma.local [hbm:s5], s20  }
0x9e: {  	_ =	swait.ge [sflag:s22], s20  }
0x9f: {  	s4 =	ssub.s32 $0x0, s20;
	[sflag:s22] =	ssyncset.done $0x0  }
0xa0: {  	[sflag:s22] =	ssyncadd.s32 s4;
	_ =	sdelay $0x1  }
0xa1: {  	s23 =	simm.s32 $0x1B8B  }
0xa2: {  	_ =	swait.ge [sflag:s23], $0x1  }
0xa3: {  	[sflag:s23] =	ssyncset.done $0x0  }
0xa4: {  	s25 =	simm.s32 $0x1B8E;
	s24 =	sld [smem:$0x3FFE];
	[sflag:s23] =	ssyncadd.s32 $0xFFFFFFFF  }
0xa5: {  	s26 =	simm.s32 $execute0_lowered;
	[smem:$0x3FD2] =	sst s25  }
0xa6: {  	s5 =	sshll.u32 s26, $0x1;
	_ =	strace $0x8000004C;
	[dreg:$0x1] =	wrdreg $0xFFFFFFFF  }
0xa7: {  	s28 =	simm.s32 $_size_execute0_lowered;
	s3 =	sadd.s32 s3, s5;
	[dreg:$0x0] =	wrdreg $0x0  }
0xa8: {  	s5 =	sshll.u32 s28, $0x1;
	[dreg:$0x2] =	wrdreg s3  }
0xa9: {  	[dreg:$0x3] =	wrdreg s5  }
0xaa: {  	[dreg:$0x4] =	wrdreg $0xC0  }
0xab: {  	_ =	task [dreg:s7], $0x5FFFF  }
0xac: {  	[dreg:$0x1] =	wrdreg $0xFFFFFFFF  }
0xad: {  	[dreg:$0x0] =	wrdreg $0x60  }
0xae: {  	[dreg:$0x2] =	wrdreg s24  }
0xaf: {  	[dreg:$0x3] =	wrdreg s2  }
0xb0: {  	[dreg:$0x4] =	wrdreg $0x88000  }
0xb1: {  	[dreg:$0x5] =	wrdreg $0x9  }
0xb2: {  	_ =	task.clear_ibuf [dreg:s7], $0x6FFFF;
	_ =	strace $0x9000004C  }
0xb3: {  	s29 =	simm.s32 $0x9;
	_ =	strace $0x8000004E  }
0xb4: {  	_ =	swait.ge [sflag:s29], $0x1  }
0xb5: {  	[sflag:s29] =	ssyncadd.s32 $0xFFFFFFFF  }
0xb6: {  	_ =	strace $0x9000004E  }
0xb7: {  	_ =	sfence  }
0xb8: {  	s30 =	sld [smem:$0x0];
	_ =	sdelay $0x2  }
0xb9: {  	s31 =	sshll.u32 s1, $0xD;
	s1 =	sshrl.u32 s1, $0x2  }
0xba: {  	s3 =	sand.u32 $0x4000, s31;
	s1 =	sadd.s32 s1, s30  }
0xbb: {  	s0 =	sor.u32 s3, s0;
	s1 =	sshll.u32 s1, $0x11  }
0xbc: {  	s0 =	sor.u32 s1, s0  }
0xbd: {  	s0 =	sadd.s32 $0x8F2B, s0  }
0xbe: {  	[sflag:s0] =	ssyncadd.remote.s32 $0x1  }
0xbf: {  	_ =	sfence.sel $0xFFFF  }
0xc0: {  	[dreg:$0x0] =	wrdreg $0xFFFFFFFF;
	(pc) =	sbr.abs _section_cstart, $3  }
0xc1: {  	[dreg:$0x1] =	wrdreg $0xFFFFFFFF  }
0xc2: {  	_ =	task.clear_ibuf [dreg:s7], $0x2FFFF;
	_ =	strace $0x9FFFFFFF  }
0xc3: {  	(tm) =	ssettm $0x7FFFFFFF  }
tec
execute0_lowered:
.L_overlay_start_1:
0x0: {  	(tag) =	ssettag $0x1  }
0x1: {  	s6 =	rddreg [dreg:$0x0];
	s0 =	srdreg.scid  }
0x2: {  	s24 =	stileid.u32;
	s3 =	rddreg [dreg:$0x2];
	s4 =	simm.s32 $0x0  }
0x3: {  	s13 =	simm.s32 $0x4800;
	s14 =	simm.s32 $0x1;
	s16 =	simm.s32 $0x480  }
0x4: {  	s15 =	simm.s32 $0x800;
	s17 =	simm.s32 $0x100;
	s18 =	simm.s32 $0x180  }
0x5: {  	s19 =	simm.s32 $0x500;
	s20 =	simm.s32 $0x200;
	s21 =	simm.s32 $0x280  }
0x6: {  	s22 =	simm.s32 $0x600;
	s23 =	simm.s32 $0x680;
	s28 =	simm.s32 $0x780  }
0x7: {  	s29 =	simm.s32 $0x0;
	s7 =	sand.u32 $0x1, s0;
	s9 =	smul.u32 $0x2800, s24  }
0x8: {  	s10 =	smul.u32 $0x13C00, s24;
	[smem:$0x7FF] =	sst s4;
	s5 =	sadd.s32 $0x16E00, s6  }
0x9: {  	s30 =	sshll.u32 s24, $0x6;
	s24 =	simm.s32 $0x300;
	s8 =	smul.u32 $0x28000, s7  }
0xa: {  	s11 =	smul.u32 $0x13C000, s7;
	_ =	strace $0x8000004D;
	[dreg:$0x6] =	wrdreg s16  }
0xb: {  	s7 =	ssub.s32 $0x2, s7;
	s16 =	simm.s32 $0x2;
	[dreg:$0x7] =	wrdreg s17  }
0xc: {  	s17 =	simm.s32 $0x3;
	[dreg:$0x8] =	wrdreg s18;
	s18 =	simm.s32 $0x4  }
0xd: {  	[dreg:$0x9] =	wrdreg s19;
	s19 =	simm.s32 $0x580;
	s26 =	sshrl.u32 s7, $0x1  }
0xe: {  	s8 =	sadd.s32 s9, s8;
	s25 =	sadd.s32 s10, s11;
	s11 =	ssub.s32 s7, s26  }
0xf: {  	s10 =	sadd.s32 s10, s3;
	s26 =	simm.s32 $0x700;
	s8 =	sshrl.u32 s8, $0x3  }
0x10: {  	s9 =	sshrl.u32 s25, $0x3;
	s25 =	simm.s32 $0x380;
	s8 =	sadd.s32 s8, s6  }
0x11: {  	s9 =	sadd.s32 s9, s6;
	s6 =	sor.u32 $0x1C05, s30;
	s12 =	sadd.s32 $0x2E00, s8  }
0x12: {  	s7 =	sadd.s32 $0x3E000, s9;
	s31 =	sadd.s32 $0xCE00, s8;
	s8 =	smax.u32 s11, $0x1  }
0x13: {  	s9 =	sshrl.u32 s10, $0x3;
	s10 =	simm.s32 $0x5;
	[dreg:$0x4] =	wrdreg s12  }
0x14: {  	s11 =	simm.s32 $0x400;
	[dreg:$0x5] =	wrdreg s31;
	s12 =	simm.s32 $0x80  }
.LBB2_1:
0x15: {  	s0 =	rddreg [dreg:$0x1]  }
0x16: {  	[spmem:s9], [sflag:s6] =	dma.local [hbm:s0], $0x2780  }
0x17: {  	_ =	swait.ge [sflag:s10], $0x2780  }
0x18: {  	[sflag:s10] =	ssyncset.done $0x0  }
0x19: {  	[sflag:s10] =	ssyncadd.s32 $0xFFFFD880  }
0x1a: {  	[bflag:$0x0] =	sbarrier.arrive $0xFFFF  }
0x1b: {  	s30 =	rddreg [dreg:$0x5]  }
0x1c: {  	s30 =	sadd.s32 $0x0, s30  }
0x1d: {  	[tilespmem:s4], [sflag:$0x5] =	stream.linear.gather [hbm4b:s30+s4], $0x400, $0x38;
	[tilespmem:$0x1C400] =	vst v63  }
0x1e: {  	_ =	swait.ge [sflag:s10], $0x400  }
0x1f: {  	s30 =	rddreg [dreg:$0x4];
	[sflag:s10] =	ssyncset.done $0x0  }
0x20: {  	[sflag:s10] =	ssyncadd.s32 $0xFFFFFC00;
	s30 =	sadd.s32 $0x0, s30  }
0x21: {  	[tilespmem:s11], [sflag:$0x5] =	stream.linear.gather [hbm4b:s30+s4], $0x400, $0x38;
	[tilespmem:$0x1C400] =	vst v63  }
0x22: {  	p0 =	por $0x1, $0x1;
	_ =	swait.ge [sflag:s10], $0x400  }
0x23: {  	s31 =	simm.s32 @p0 $0x0;
	[sflag:s10] =	ssyncset.done $0x0  }
0x24: {  	s1 =	simm.s32 @p0 $0x800;
	s30 =	simm.s32 @p0 $0x80;
	[sflag:s10] =	ssyncadd.s32 $0xFFFFFC00  }
0x25: {  	[tilespmem:s1], [sflag:$0x1] =	stream.indirect.gather @p0 [hbm4b:s5+s30], $0x80, s31, s30, $0xb8;
	[tilespmem:$0x1C400] =	vst v63  }
0x26: {  	s1 =	simm.s32 @!p0 $0x3  }
0x27: {  	_ =	swait.ge @!p0 [sflag:s1], $0x4000  }
0x28: {  	s30 =	simm.s32 @!p0 $0x800;
	[sflag:s1] =	ssyncset.done @!p0 $0x0  }
0x29: {  	s31 =	simm.s32 @!p0 $0x0;
	[sflag:s1] =	ssyncadd.s32 @!p0 $0xFFFFC000;
	s1 =	simm.s32 @!p0 $0x80  }
0x2a: {  	[tilespmem:s30], [sflag:$0x1] =	stream.indirect.gather @!p0 [hbm4b:s5+s1], $0x80, s31, s1, $0xb8;
	[tilespmem:$0x1C400] =	vst v63  }
0x2b: {  	s1 =	simm.s32 @!p0 $0x4  }
0x2c: {  	_ =	swait.ge @!p0 [sflag:s1], $0x4000  }
0x2d: {  	[sflag:s1] =	ssyncset.done @!p0 $0x0  }
0x2e: {  	[sflag:s1] =	ssyncadd.s32 @!p0 $0xFFFFC000  }
0x2f: {  	[tilespmem:s13], [sflag:$0x2] =	stream.indirect.gather [hbm4b:s5+s12], $0x80, s12, s12, $0xb8;
	[tilespmem:$0x1C400] =	vst v63  }
0x30: {  	_ =	swait.ge [sflag:s14], $0x4000  }
0x31: {  	[sflag:s14] =	ssyncset.done $0x0  }
0x32: {  	[sflag:s14] =	ssyncadd.s32 $0xFFFFC000  }
0x33: {  	[spmem:s3] =	stream.indirect.scatter.add.f32 [tilespmem:s15], [sflag:$0x3], $0x80, s11, s12, $0xb8;
	[tilespmem:$0x1C400] =	vst v63  }
0x34: {  	_ =	swait.ge [sflag:s16], $0x4000  }
0x35: {  	[sflag:s16] =	ssyncset.done $0x0  }
0x36: {  	s31 =	rddreg [dreg:$0x6];
	[sflag:s16] =	ssyncadd.s32 $0xFFFFC000  }
0x37: {  	[spmem:s3] =	stream.indirect.scatter.add.f32 [tilespmem:s13], [sflag:$0x4], $0x80, s31, s12, $0xb8;
	[tilespmem:$0x1C400] =	vst v63  }
0x38: {  	_ =	swait.ge [sflag:s17], $0x4000  }
0x39: {  	[sflag:s17] =	ssyncset.done $0x0  }
0x3a: {  	s0 =	rddreg [dreg:$0x7];
	[sflag:s17] =	ssyncadd.s32 $0xFFFFC000  }
0x3b: {  	[tilespmem:s15], [sflag:$0x1] =	stream.indirect.gather [hbm4b:s5+s12], $0x80, s0, s12, $0xb8;
	[tilespmem:$0x1C400] =	vst v63  }
0x3c: {  	_ =	swait.ge [sflag:s18], $0x4000  }
0x3d: {  	[sflag:s18] =	ssyncset.done $0x0  }
0x3e: {  	s2 =	rddreg [dreg:$0x8];
	[sflag:s18] =	ssyncadd.s32 $0xFFFFC000  }
0x3f: {  	[tilespmem:s13], [sflag:$0x2] =	stream.indirect.gather [hbm4b:s5+s12], $0x80, s2, s12, $0xb8;
	[tilespmem:$0x1C400] =	vst v63  }
0x40: {  	_ =	swait.ge [sflag:s14], $0x4000  }
0x41: {  	[sflag:s14] =	ssyncset.done $0x0  }
0x42: {  	s31 =	rddreg [dreg:$0x9];
	[sflag:s14] =	ssyncadd.s32 $0xFFFFC000  }
0x43: {  	[spmem:s3] =	stream.indirect.scatter.add.f32 [tilespmem:s15], [sflag:$0x3], $0x80, s31, s12, $0xb8;
	[tilespmem:$0x1C400] =	vst v63  }
0x44: {  	_ =	swait.ge [sflag:s16], $0x4000  }
0x45: {  	[sflag:s16] =	ssyncset.done $0x0  }
0x46: {  	[sflag:s16] =	ssyncadd.s32 $0xFFFFC000  }
0x47: {  	[spmem:s3] =	stream.indirect.scatter.add.f32 [tilespmem:s13], [sflag:$0x4], $0x80, s19, s12, $0xb8;
	[tilespmem:$0x1C400] =	vst v63  }
0x48: {  	_ =	swait.ge [sflag:s17], $0x4000  }
0x49: {  	[sflag:s17] =	ssyncset.done $0x0  }
0x4a: {  	[sflag:s17] =	ssyncadd.s32 $0xFFFFC000  }
0x4b: {  	[tilespmem:s15], [sflag:$0x1] =	stream.indirect.gather [hbm4b:s5+s12], $0x80, s20, s12, $0xb8;
	[tilespmem:$0x1C400] =	vst v63  }
0x4c: {  	_ =	swait.ge [sflag:s18], $0x4000  }
0x4d: {  	[sflag:s18] =	ssyncset.done $0x0  }
0x4e: {  	[sflag:s18] =	ssyncadd.s32 $0xFFFFC000  }
0x4f: {  	[tilespmem:s13], [sflag:$0x2] =	stream.indirect.gather [hbm4b:s5+s12], $0x80, s21, s12, $0xb8;
	[tilespmem:$0x1C400] =	vst v63  }
0x50: {  	_ =	swait.ge [sflag:s14], $0x4000  }
0x51: {  	[sflag:s14] =	ssyncset.done $0x0  }
0x52: {  	[sflag:s14] =	ssyncadd.s32 $0xFFFFC000  }
0x53: {  	[spmem:s3] =	stream.indirect.scatter.add.f32 [tilespmem:s15], [sflag:$0x3], $0x80, s22, s12, $0xb8;
	[tilespmem:$0x1C400] =	vst v63  }
0x54: {  	_ =	swait.ge [sflag:s16], $0x4000  }
0x55: {  	[sflag:s16] =	ssyncset.done $0x0  }
0x56: {  	[sflag:s16] =	ssyncadd.s32 $0xFFFFC000  }
0x57: {  	[spmem:s3] =	stream.indirect.scatter.add.f32 [tilespmem:s13], [sflag:$0x4], $0x80, s23, s12, $0xb8;
	[tilespmem:$0x1C400] =	vst v63  }
0x58: {  	_ =	swait.ge [sflag:s17], $0x4000  }
0x59: {  	[sflag:s17] =	ssyncset.done $0x0  }
0x5a: {  	[sflag:s17] =	ssyncadd.s32 $0xFFFFC000  }
0x5b: {  	[tilespmem:s15], [sflag:$0x1] =	stream.indirect.gather [hbm4b:s5+s12], $0x80, s24, s12, $0xb8;
	[tilespmem:$0x1C400] =	vst v63  }
0x5c: {  	_ =	swait.ge [sflag:s18], $0x4000  }
0x5d: {  	[sflag:s18] =	ssyncset.done $0x0  }
0x5e: {  	[sflag:s18] =	ssyncadd.s32 $0xFFFFC000  }
0x5f: {  	[tilespmem:s13], [sflag:$0x2] =	stream.indirect.gather [hbm4b:s5+s12], $0x80, s25, s12, $0xb8;
	[tilespmem:$0x1C400] =	vst v63  }
0x60: {  	_ =	swait.ge [sflag:s14], $0x4000  }
0x61: {  	[sflag:s14] =	ssyncset.done $0x0  }
0x62: {  	[sflag:s14] =	ssyncadd.s32 $0xFFFFC000  }
0x63: {  	[spmem:s3] =	stream.indirect.scatter.add.f32 [tilespmem:s15], [sflag:$0x3], $0x80, s26, s12, $0xb8;
	[tilespmem:$0x1C400] =	vst v63  }
0x64: {  	s30 =	simm.s32 $0x80;
	_ =	swait.ge [sflag:s16], $0x4000  }
.LBB2_2:
0x65: {  	[sflag:s16] =	ssyncset.done $0x0  }
0x66: {  	s1 =	rddreg [dreg:$0x5];
	s31 =	smov.u32 s30;
	[sflag:s16] =	ssyncadd.s32 $0xFFFFC000  }
0x67: {  	[spmem:s3] =	stream.indirect.scatter.add.f32 [tilespmem:s13], [sflag:$0x4], $0x80, s28, s12, $0xb8;
	[tilespmem:$0x1C400] =	vst v63  }
0x68: {  	s1 =	sadd.s32 s31, s1  }
0x69: {  	[tilespmem:s4], [sflag:$0x5] =	stream.linear.gather [hbm4b:s1+s4], $0x400, $0x38;
	[tilespmem:$0x1C400] =	vst v63  }
0x6a: {  	_ =	swait.ge [sflag:s10], $0x400  }
0x6b: {  	s2 =	rddreg [dreg:$0x4];
	[sflag:s10] =	ssyncset.done $0x0  }
0x6c: {  	[sflag:s10] =	ssyncadd.s32 $0xFFFFFC00;
	s1 =	sadd.s32 s31, s2  }
0x6d: {  	[tilespmem:s11], [sflag:$0x5] =	stream.linear.gather [hbm4b:s1+s4], $0x400, $0x38;
	[tilespmem:$0x1C400] =	vst v63  }
0x6e: {  	p1 =	seq.s32 s31, $0x0;
	_ =	swait.ge [sflag:s10], $0x400  }
0x6f: {  	s0 =	simm.s32 @p1 $0x800;
	s31 =	simm.s32 @p1 $0x0;
	[sflag:s10] =	ssyncset.done $0x0  }
0x70: {  	s2 =	simm.s32 @!p1 $0x3;
	s1 =	simm.s32 @p1 $0x80;
	[sflag:s10] =	ssyncadd.s32 $0xFFFFFC00  }
0x71: {  	[tilespmem:s0], [sflag:$0x1] =	stream.indirect.gather @p1 [hbm4b:s5+s1], $0x80, s31, s1, $0xb8;
	[tilespmem:$0x1C400] =	vst v63  }
0x72: {  	_ =	swait.ge @!p1 [sflag:s2], $0x4000  }
0x73: {  	s0 =	simm.s32 @!p1 $0x800;
	s1 =	simm.s32 @!p1 $0x4;
	[sflag:s2] =	ssyncset.done @!p1 $0x0  }
0x74: {  	s31 =	simm.s32 @!p1 $0x0;
	[sflag:s2] =	ssyncadd.s32 @!p1 $0xFFFFC000;
	s2 =	simm.s32 @!p1 $0x80  }
0x75: {  	[tilespmem:s0], [sflag:$0x1] =	stream.indirect.gather @!p1 [hbm4b:s5+s2], $0x80, s31, s2, $0xb8;
	[tilespmem:$0x1C400] =	vst v63  }
0x76: {  	_ =	swait.ge @!p1 [sflag:s1], $0x4000  }
0x77: {  	[sflag:s1] =	ssyncset.done @!p1 $0x0  }
0x78: {  	[sflag:s1] =	ssyncadd.s32 @!p1 $0xFFFFC000  }
0x79: {  	[tilespmem:s13], [sflag:$0x2] =	stream.indirect.gather [hbm4b:s5+s12], $0x80, s12, s12, $0xb8;
	[tilespmem:$0x1C400] =	vst v63  }
0x7a: {  	_ =	swait.ge [sflag:s14], $0x4000  }
0x7b: {  	[sflag:s14] =	ssyncset.done $0x0  }
0x7c: {  	[sflag:s14] =	ssyncadd.s32 $0xFFFFC000  }
0x7d: {  	[spmem:s3] =	stream.indirect.scatter.add.f32 [tilespmem:s15], [sflag:$0x3], $0x80, s11, s12, $0xb8;
	[tilespmem:$0x1C400] =	vst v63  }
0x7e: {  	_ =	swait.ge [sflag:s16], $0x4000  }
0x7f: {  	[sflag:s16] =	ssyncset.done $0x0  }
0x80: {  	s31 =	rddreg [dreg:$0x6];
	[sflag:s16] =	ssyncadd.s32 $0xFFFFC000  }
0x81: {  	[spmem:s3] =	stream.indirect.scatter.add.f32 [tilespmem:s13], [sflag:$0x4], $0x80, s31, s12, $0xb8;
	[tilespmem:$0x1C400] =	vst v63  }
0x82: {  	_ =	swait.ge [sflag:s17], $0x4000  }
0x83: {  	[sflag:s17] =	ssyncset.done $0x0  }
0x84: {  	s1 =	rddreg [dreg:$0x7];
	[sflag:s17] =	ssyncadd.s32 $0xFFFFC000  }
0x85: {  	[tilespmem:s15], [sflag:$0x1] =	stream.indirect.gather [hbm4b:s5+s12], $0x80, s1, s12, $0xb8;
	[tilespmem:$0x1C400] =	vst v63  }
0x86: {  	_ =	swait.ge [sflag:s18], $0x4000  }
0x87: {  	[sflag:s18] =	ssyncset.done $0x0  }
0x88: {  	s2 =	rddreg [dreg:$0x8];
	[sflag:s18] =	ssyncadd.s32 $0xFFFFC000  }
0x89: {  	[tilespmem:s13], [sflag:$0x2] =	stream.indirect.gather [hbm4b:s5+s12], $0x80, s2, s12, $0xb8;
	[tilespmem:$0x1C400] =	vst v63  }
0x8a: {  	_ =	swait.ge [sflag:s14], $0x4000  }
0x8b: {  	[sflag:s14] =	ssyncset.done $0x0  }
0x8c: {  	s31 =	rddreg [dreg:$0x9];
	[sflag:s14] =	ssyncadd.s32 $0xFFFFC000  }
0x8d: {  	[spmem:s3] =	stream.indirect.scatter.add.f32 [tilespmem:s15], [sflag:$0x3], $0x80, s31, s12, $0xb8;
	[tilespmem:$0x1C400] =	vst v63  }
0x8e: {  	_ =	swait.ge [sflag:s16], $0x4000  }
0x8f: {  	[sflag:s16] =	ssyncset.done $0x0  }
0x90: {  	[sflag:s16] =	ssyncadd.s32 $0xFFFFC000  }
0x91: {  	[spmem:s3] =	stream.indirect.scatter.add.f32 [tilespmem:s13], [sflag:$0x4], $0x80, s19, s12, $0xb8;
	[tilespmem:$0x1C400] =	vst v63  }
0x92: {  	_ =	swait.ge [sflag:s17], $0x4000  }
0x93: {  	[sflag:s17] =	ssyncset.done $0x0  }
0x94: {  	[sflag:s17] =	ssyncadd.s32 $0xFFFFC000  }
0x95: {  	[tilespmem:s15], [sflag:$0x1] =	stream.indirect.gather [hbm4b:s5+s12], $0x80, s20, s12, $0xb8;
	[tilespmem:$0x1C400] =	vst v63  }
0x96: {  	_ =	swait.ge [sflag:s18], $0x4000  }
0x97: {  	[sflag:s18] =	ssyncset.done $0x0  }
0x98: {  	[sflag:s18] =	ssyncadd.s32 $0xFFFFC000  }
0x99: {  	[tilespmem:s13], [sflag:$0x2] =	stream.indirect.gather [hbm4b:s5+s12], $0x80, s21, s12, $0xb8;
	[tilespmem:$0x1C400] =	vst v63  }
0x9a: {  	_ =	swait.ge [sflag:s14], $0x4000  }
0x9b: {  	[sflag:s14] =	ssyncset.done $0x0  }
0x9c: {  	[sflag:s14] =	ssyncadd.s32 $0xFFFFC000  }
0x9d: {  	[spmem:s3] =	stream.indirect.scatter.add.f32 [tilespmem:s15], [sflag:$0x3], $0x80, s22, s12, $0xb8;
	[tilespmem:$0x1C400] =	vst v63  }
0x9e: {  	_ =	swait.ge [sflag:s16], $0x4000  }
0x9f: {  	[sflag:s16] =	ssyncset.done $0x0  }
0xa0: {  	[sflag:s16] =	ssyncadd.s32 $0xFFFFC000  }
0xa1: {  	[spmem:s3] =	stream.indirect.scatter.add.f32 [tilespmem:s13], [sflag:$0x4], $0x80, s23, s12, $0xb8;
	[tilespmem:$0x1C400] =	vst v63  }
0xa2: {  	_ =	swait.ge [sflag:s17], $0x4000  }
0xa3: {  	[sflag:s17] =	ssyncset.done $0x0  }
0xa4: {  	[sflag:s17] =	ssyncadd.s32 $0xFFFFC000  }
0xa5: {  	[tilespmem:s15], [sflag:$0x1] =	stream.indirect.gather [hbm4b:s5+s12], $0x80, s24, s12, $0xb8;
	[tilespmem:$0x1C400] =	vst v63  }
0xa6: {  	_ =	swait.ge [sflag:s18], $0x4000  }
0xa7: {  	s30 =	sadd.s32 $0x80, s30;
	[sflag:s18] =	ssyncset.done $0x0  }
0xa8: {  	p0 =	sne.s32 s30, $0x500;
	[sflag:s18] =	ssyncadd.s32 $0xFFFFC000  }
0xa9: {  	[tilespmem:s13], [sflag:$0x2] =	stream.indirect.gather [hbm4b:s5+s12], $0x80, s25, s12, $0xb8;
	[tilespmem:$0x1C400] =	vst v63  }
.Ltmp0:
0xaa: {  	_ =	swait.ge [sflag:s14], $0x4000;
	(pc) =	sbr.rel @p0 .LBB2_2-.Ltmp0, $4  }
0xab: {  	[sflag:s14] =	ssyncset.done $0x0  }
0xac: {  	[sflag:s14] =	ssyncadd.s32 $0xFFFFC000  }
0xad: {  	[spmem:s3] =	stream.indirect.scatter.add.f32 [tilespmem:s15], [sflag:$0x3], $0x80, s26, s12, $0xb8;
	[tilespmem:$0x1C400] =	vst v63  }
0xae: {  	_ =	swait.ge [sflag:s16], $0x4000  }
0xaf: {  	[sflag:s16] =	ssyncset.done $0x0  }
0xb0: {  	[sflag:s16] =	ssyncadd.s32 $0xFFFFC000  }
0xb1: {  	[spmem:s3] =	stream.indirect.scatter.add.f32 [tilespmem:s13], [sflag:$0x4], $0x80, s28, s12, $0xb8;
	[tilespmem:$0x1C400] =	vst v63  }
0xb2: {  	_ =	swait.ge [sflag:s17], $0x4000  }
0xb3: {  	[sflag:s17] =	ssyncset.done $0x0  }
0xb4: {  	[sflag:s17] =	ssyncadd.s32 $0xFFFFC000  }
0xb5: {  	_ =	swait.ge [sflag:s18], $0x4000  }
0xb6: {  	s29 =	sadd.s32 $0x1, s29;
	[sflag:s18] =	ssyncset.done $0x0  }
0xb7: {  	p0 =	sne.s32 s29, s8;
	[sflag:s18] =	ssyncadd.s32 $0xFFFFC000  }
.Ltmp1:
0xb8: {  	[bflag:$0x0] =	sbarrier.arrive $0xFFFF;
	(pc) =	sbr.rel @p0 .LBB2_1-.Ltmp1, $4  }
0xb9: {  	[hbm:s7], [sflag:s6] =	dma.local [spmem:s9], $0x2780  }
0xba: {  	_ =	swait.ge [sflag:s10], $0x2780  }
0xbb: {  	[sflag:s10] =	ssyncset.done $0x0  }
0xbc: {  	[sflag:s10] =	ssyncadd.s32 $0xFFFFD880  }
0xbd: {  	_ =	sfence.sel $0x180000  }
0xbe: {  	[bflag:$0x0] =	sbarrier.arrive $0xFFFF  }
0xbf: {  	_ =	strace $0x9000004D  }
0xc0: {  	s0 =	stileid.u32;
	[bflag:$0x2] =	sbarrier.arrive $0xFFFF  }
0xc1: {  	p0 =	sne.s32 s0, $0x0;
	s0 =	rddreg [dreg:$0x3]  }
0xc2: {  	s0 =	sadd.s32 @!p0 $0x100000, s0  }
0xc3: {  	[sflag:s0] =	ssyncadd.tile.s32 @!p0 $0x1;
	_ =	shalt  }
.Lfunc_end2:
_tile_overlayer_lowered:
.L_overlay_start_2:
0xc4: {  	(tag) =	ssettag $0x2  }
0xc5: {  	s0 =	rddreg [dreg:$0x0];
	s2 =	stileid.u32  }
0xc6: {  	s1 =	rddreg [dreg:$0x1];
	p0 =	sne.s32 s2, $0x0  }
0xc7: {  	s3 =	rddreg [dreg:$0x2];
	[bflag:$0x3] =	sbarrier.arrive $0xFFFF;
	s2 =	simm.s32 @!p0 $0x1C05  }
0xc8: {  	[timem:s3], [sflag:s2] =	dma.local @!p0 [hbm:s0], s1  }
0xc9: {  	s0 =	simm.s32 @!p0 $0x5  }
0xca: {  	_ =	swait.ge @!p0 [sflag:s0], s1  }
0xcb: {  	s1 =	ssub.s32 @!p0 $0x0, s1;
	[sflag:s0] =	ssyncset.done @!p0 $0x0  }
0xcc: {  	[sflag:s0] =	ssyncadd.s32 @!p0 s1  }
0xcd: {  	[bflag:$0x3] =	sbarrier.arrive $0xFFFF  }
0xce: {  	_ =	shalt  }

// kernel: kernel.19.cloned.1.call-start
scs
__scs_entry_jumppad:
0x0: {  	(pc) =	sbr.rel $0x88, $3  }
0x1: {  	(tag) =	ssettag $0x0;
	lr =	simm.s32 $0x1  }
0x2: {  	[smem:$0x3F99] =	sst lr;
	_ =	strace $0xD0000000  }
0x3: {  	_ = 	snop  }
0x4: {  	_ = 	snop  }
0x5: {  	_ = 	snop  }
0x6: {  	_ = 	snop  }
0x7: {  	_ = 	snop  }
__scs_overlays_trampoline_lowered:
0x8: {  	[smem:$0x3FA8] =	sst s0  }
0x9: {  	[smem:$0x3FA9] =	sst s1  }
0xa: {  	[smem:$0x3FAA] =	sst s2  }
0xb: {  	[smem:$0x3FAB] =	sst s3  }
0xc: {  	[smem:$0x3FAC] =	sst s4  }
0xd: {  	[smem:$0x3FAD] =	sst s5  }
0xe: {  	[smem:$0x3FAE] =	sst s6  }
0xf: {  	[smem:$0x3FAF] =	sst s7  }
0x10: {  	[smem:$0x3FB0] =	sst s8  }
0x11: {  	[smem:$0x3FB1] =	sst s9;
	s0 =	simm.s32 @!p0 $0x0  }
0x12: {  	s1 =	sld [smem:$0x3F97];
	s0 =	simm.s32 @p0 $0x1  }
0x13: {  	[smem:$0x3FB2] =	sst s0;
	s0 =	simm.s32 @!p1 $0x0  }
0x14: {  	s2 =	sld [smem:$0x3F96];
	s0 =	simm.s32 @p1 $0x1  }
0x15: {  	[smem:$0x3FB3] =	sst s0;
	s0 =	simm.s32 @!p2 $0x0  }
0x16: {  	s3 =	sld [smem:$0x3FDB];
	s0 =	simm.s32 @p2 $0x1  }
0x17: {  	s4 =	simm.s32 $0x1BF5;
	[smem:$0x3FB5] =	sst s0  }
0x18: {  	s0 =	sld [smem:$0x3F98];
	_ =	swait.ge [sflag:s4], $0x0  }
0x19: {  	s7 =	sld [smem:$0x3F99]  }
0x1a: {  	s8 =	sadd.s32 $0xFFFFE003, lr  }
0x1b: {  	s9 =	sadd.s32 $0xFFFFFEF7, lr;
	s5 =	simm.s32 $0xFFFFFFFF;
	p2 =	slt.u32 s8, $0xFFFFF086  }
0x1c: {  	p1 =	slt.u32 s9, $0xF7A;
	s5 =	simm.s32 @!p2 $0x0  }
0x1d: {  	s5 =	simm.s32 @p1 $0x1;
	p0 =	seq.s32 s7, s2  }
0x1e: {  	s7 =	smul.u32 @!p0 $0xF7A, s2;
	p2 =	seq.s32 @!p0 s5, $0x0  }
0x1f: {  	s9 =	smul.u32 $0xF7A, s1;
	s8 =	simm.s32 @!p0 $0x1BF5;
	p2 =	por !p2, p0  }
0x20: {  	[sflag:s8] =	ssyncset.s32 @!p0 $0xFFFFF086;
	s6 =	sadd.s32 @!p0 s3, s7;
	s7 =	simm.s32 @!p0 $0x108  }
0x21: {  	s3 =	sadd.s32 s3, s9;
	s6 =	sadd.s32 @!p0 $0x88, s6;
	s7 =	simm.s32 @p2 $0x1082  }
0x22: {  	[simem:s7], [sflag:s8] =	dma.local @!p0 [hbm:s6], $0xF7A  }
0x23: {  	s9 =	sor.u32 $0xD0000000, s2;
	s6 =	simm.s32 $0x108;
	_ =	swait.ge @!p0 [sflag:s8], $0x0  }
0x24: {  	s3 =	sadd.s32 $0x88, s3;
	s6 =	simm.s32 @!p1 $0x1082;
	[sflag:s4] =	ssyncset.s32 $0xFFFFF086  }
0x25: {  	[simem:s6], [sflag:s4] =	dma.local [hbm:s3], $0xF7A  }
0x26: {  	[smem:$0x3F99] =	sst s1;
	(tag) =	ssettag s2;
	_ =	strace s9  }
0x27: {  	s1 =	sld [smem:$0x3FA9]  }
0x28: {  	s2 =	sld [smem:$0x3FAA]  }
0x29: {  	s4 =	sld [smem:$0x3FAC]  }
0x2a: {  	p0 =	seq.s32 s5, $0x0;
	s5 =	sld [smem:$0x3FAD]  }
0x2b: {  	s6 =	sld [smem:$0x3FAE]  }
0x2c: {  	s7 =	sld [smem:$0x3FAF]  }
0x2d: {  	s3 =	simm.s32 $0x108;
	s8 =	sld [smem:$0x3FB0]  }
0x2e: {  	s3 =	simm.s32 @!p0 $0x1082;
	s9 =	sld [smem:$0x3FB1]  }
0x2f: {  	lr =	sadd.s32 s0, s3;
	s0 =	sld [smem:$0x3FA8]  }
0x30: {  	s3 =	sld [smem:$0x3FAB]  }
0x31: {  	[smem:$0x3FB4] =	sst s10  }
0x32: {  	s10 =	sld [smem:$0x3FB2];
	_ =	sdelay $0x3  }
0x33: {  	p0 =	seq.s32 s10, $0x1;
	s10 =	sld [smem:$0x3FB4];
	_ =	sdelay $0x3  }
0x34: {  	[smem:$0x3FB4] =	sst s10  }
0x35: {  	s10 =	sld [smem:$0x3FB3];
	_ =	sdelay $0x3  }
0x36: {  	p1 =	seq.s32 s10, $0x1;
	s10 =	sld [smem:$0x3FB4];
	_ =	sdelay $0x3  }
0x37: {  	[smem:$0x3FB4] =	sst s10  }
0x38: {  	s10 =	sld [smem:$0x3FB5]  }
0x39: {  	_ = 	snop;
	(pc) =	sbr.ind lr, $3  }
0x3a: {  	_ = 	snop  }
0x3b: {  	_ = 	snop  }
0x3c: {  	p2 =	seq.s32 s10, $0x1;
	s10 =	sld [smem:$0x3FB4]  }
0x3d: {  	_ =	shalt  }
0x3e: {  	_ =	shalt  }
0x3f: {  	_ =	shalt  }
0x40: {  	_ =	shalt  }
0x41: {  	_ =	shalt  }
0x42: {  	_ =	shalt  }
0x43: {  	_ =	shalt  }
0x44: {  	_ =	shalt  }
0x45: {  	_ =	shalt  }
0x46: {  	_ =	shalt  }
0x47: {  	_ =	shalt  }
0x48: {  	_ =	shalt  }
0x49: {  	_ =	shalt  }
0x4a: {  	_ =	shalt  }
0x4b: {  	_ =	shalt  }
0x4c: {  	_ =	shalt  }
0x4d: {  	_ =	shalt  }
0x4e: {  	_ =	shalt  }
0x4f: {  	_ =	shalt  }
0x50: {  	_ =	shalt  }
0x51: {  	_ =	shalt  }
0x52: {  	_ =	shalt  }
0x53: {  	_ =	shalt  }
0x54: {  	_ =	shalt  }
0x55: {  	_ =	shalt  }
0x56: {  	_ =	shalt  }
0x57: {  	_ =	shalt  }
0x58: {  	_ =	shalt  }
0x59: {  	_ =	shalt  }
0x5a: {  	_ =	shalt  }
0x5b: {  	_ =	shalt  }
0x5c: {  	_ =	shalt  }
0x5d: {  	_ =	shalt  }
0x5e: {  	_ =	shalt  }
0x5f: {  	_ =	shalt  }
0x60: {  	_ =	shalt  }
0x61: {  	_ =	shalt  }
0x62: {  	_ =	shalt  }
0x63: {  	_ =	shalt  }
0x64: {  	_ =	shalt  }
0x65: {  	_ =	shalt  }
0x66: {  	_ =	shalt  }
0x67: {  	_ =	shalt  }
0x68: {  	_ =	shalt  }
0x69: {  	_ =	shalt  }
0x6a: {  	_ =	shalt  }
0x6b: {  	_ =	shalt  }
0x6c: {  	_ =	shalt  }
0x6d: {  	_ =	shalt  }
0x6e: {  	_ =	shalt  }
0x6f: {  	_ =	shalt  }
0x70: {  	_ =	shalt  }
0x71: {  	_ =	shalt  }
0x72: {  	_ =	shalt  }
0x73: {  	_ =	shalt  }
0x74: {  	_ =	shalt  }
0x75: {  	_ =	shalt  }
0x76: {  	_ =	shalt  }
0x77: {  	_ =	shalt  }
0x78: {  	_ =	shalt  }
0x79: {  	_ =	shalt  }
0x7a: {  	_ =	shalt  }
0x7b: {  	_ =	shalt  }
0x7c: {  	_ =	shalt  }
0x7d: {  	_ =	shalt  }
0x7e: {  	_ =	shalt  }
0x7f: {  	_ =	shalt  }
0x80: {  	_ =	shalt  }
0x81: {  	_ =	shalt  }
0x82: {  	_ =	shalt  }
0x83: {  	_ =	shalt  }
0x84: {  	_ =	shalt  }
0x85: {  	_ =	shalt  }
0x86: {  	_ =	shalt  }
0x87: {  	_ =	shalt  }
.Lfunc_end0:
.L_simem_size_0:
called_computation.3_lowered:
.L_overlay_start_0:
0x88: {  	s2 =	sld [smem:$0x3FD9]  }
0x89: {  	s3 =	sld [smem:$0x3FFE];
	_ =	sdelay $0x1  }
0x8a: {  	s1 =	srdreg.scid  }
0x8b: {  	s0 =	sand.u32 $0x1, s1  }
0x8c: {  	s17 =	sshll.u32 s0, $0xA;
	s2 =	sadd.s32 s3, s2  }
0x8d: {  	s2 =	sadd.s32 s2, s17  }
0x8e: {  	[smem:$0x3FC0] =	sst s2  }
0x8f: {  	_ = 	snop  }
0x90: {  	s2 =	sld [smem:$0x3FD0];
	(tm) =	ssettm $0x1  }
0x91: {  	s18 =	sld [smem:$0x3FFB];
	_ =	sdelay $0x3  }
0x92: {  	_ =	strace s18  }
0x93: {  	s3 =	sld [smem:$0x3FFC];
	_ =	sdelay $0x3  }
0x94: {  	_ =	strace s3  }
0x95: {  	s3 =	sld [smem:$0x3FFD];
	_ =	sdelay $0x3  }
0x96: {  	_ =	strace s3  }
0x97: {  	_ =	strace $0x8FFFFFFF  }
0x98: {  	s19 =	sld [smem:$0x3FDB];
	_ =	sdelay $0x1  }
0x99: {  	s4 =	simm.s32 $_scs_section_size  }
0x9a: {  	s5 =	simm.s32 $_size__tile_overlayer_lowered;
	s6 =	simm.s32 $_tile_overlayer_lowered  }
0x9b: {  	s22 =	simm.s32 $0x1BFF;
	s21 =	sshll.u32 s6, $0x1;
	s3 =	sadd.s32 s4, s19  }
0x9c: {  	s7 =	simm.s32 $0x0;
	s20 =	sshll.u32 s5, $0x1;
	s5 =	sadd.s32 s21, s3  }
0x9d: {  	[timem:s7], [sflag:s22] =	dma.local [hbm:s5], s20  }
0x9e: {  	_ =	swait.ge [sflag:s22], s20  }
0x9f: {  	s4 =	ssub.s32 $0x0, s20;
	[sflag:s22] =	ssyncset.done $0x0  }
0xa0: {  	[sflag:s22] =	ssyncadd.s32 s4;
	_ =	sdelay $0x1  }
0xa1: {  	s23 =	simm.s32 $0x1B8B  }
0xa2: {  	_ =	swait.ge [sflag:s23], $0x1  }
0xa3: {  	[sflag:s23] =	ssyncset.done $0x0  }
0xa4: {  	s25 =	simm.s32 $0x1B8E;
	s24 =	sld [smem:$0x3FFE];
	[sflag:s23] =	ssyncadd.s32 $0xFFFFFFFF  }
0xa5: {  	s26 =	simm.s32 $execute0_lowered;
	[smem:$0x3FD2] =	sst s25  }
0xa6: {  	s5 =	sshll.u32 s26, $0x1;
	_ =	strace $0x8000004F;
	[dreg:$0x1] =	wrdreg $0xFFFFFFFF  }
0xa7: {  	s28 =	simm.s32 $_size_execute0_lowered;
	s3 =	sadd.s32 s3, s5;
	[dreg:$0x0] =	wrdreg $0x0  }
0xa8: {  	s5 =	sshll.u32 s28, $0x1;
	[dreg:$0x2] =	wrdreg s3  }
0xa9: {  	[dreg:$0x3] =	wrdreg s5  }
0xaa: {  	[dreg:$0x4] =	wrdreg $0xC0  }
0xab: {  	_ =	task [dreg:s7], $0x5FFFF  }
0xac: {  	[dreg:$0x1] =	wrdreg $0xFFFFFFFF  }
0xad: {  	[dreg:$0x0] =	wrdreg $0x60  }
0xae: {  	[dreg:$0x2] =	wrdreg s2  }
0xaf: {  	[dreg:$0x3] =	wrdreg s24  }
0xb0: {  	[dreg:$0x4] =	wrdreg $0x48000  }
0xb1: {  	[dreg:$0x5] =	wrdreg $0x9  }
0xb2: {  	_ =	task.clear_ibuf [dreg:s7], $0x6FFFF;
	_ =	strace $0x9000004F  }
0xb3: {  	s29 =	simm.s32 $0x9;
	_ =	strace $0x80000051  }
0xb4: {  	_ =	swait.ge [sflag:s29], $0x1  }
0xb5: {  	[sflag:s29] =	ssyncadd.s32 $0xFFFFFFFF  }
0xb6: {  	_ =	strace $0x90000051  }
0xb7: {  	_ =	sfence  }
0xb8: {  	s30 =	sld [smem:$0x0];
	_ =	sdelay $0x2  }
0xb9: {  	s31 =	sshll.u32 s1, $0xD;
	s1 =	sshrl.u32 s1, $0x2  }
0xba: {  	s3 =	sand.u32 $0x4000, s31;
	s1 =	sadd.s32 s1, s30  }
0xbb: {  	s0 =	sor.u32 s3, s0;
	s1 =	sshll.u32 s1, $0x11  }
0xbc: {  	s0 =	sor.u32 s1, s0  }
0xbd: {  	s0 =	sadd.s32 $0x8F2B, s0  }
0xbe: {  	[sflag:s0] =	ssyncadd.remote.s32 $0x1  }
0xbf: {  	_ =	sfence.sel $0xFFFF  }
0xc0: {  	[dreg:$0x0] =	wrdreg $0xFFFFFFFF;
	(pc) =	sbr.abs _section_cstart, $3  }
0xc1: {  	[dreg:$0x1] =	wrdreg $0xFFFFFFFF  }
0xc2: {  	_ =	task.clear_ibuf [dreg:s7], $0x2FFFF;
	_ =	strace $0x9FFFFFFF  }
0xc3: {  	(tm) =	ssettm $0x7FFFFFFF  }
tec
execute0_lowered:
.L_overlay_start_1:
0x0: {  	(tag) =	ssettag $0x1  }
0x1: {  	s1 =	rddreg [dreg:$0x0];
	s0 =	srdreg.scid  }
0x2: {  	s6 =	rddreg [dreg:$0x1];
	s23 =	stileid.u32  }
0x3: {  	s3 =	rddreg [dreg:$0x2];
	s4 =	simm.s32 $0x0;
	s12 =	simm.s32 $0x80  }
0x4: {  	s13 =	simm.s32 $0x2800;
	s14 =	simm.s32 $0x1;
	s16 =	simm.s32 $0x480  }
0x5: {  	s15 =	simm.s32 $0x800;
	s17 =	simm.s32 $0x100;
	s18 =	simm.s32 $0x180  }
0x6: {  	s19 =	simm.s32 $0x500;
	s20 =	simm.s32 $0x200;
	s21 =	simm.s32 $0x280  }
0x7: {  	s22 =	simm.s32 $0x600;
	s28 =	simm.s32 $0x780;
	s8 =	smul.u32 $0x2800, s23  }
0x8: {  	s29 =	simm.s32 $0x0;
	s5 =	sand.u32 $0x1, s0;
	s9 =	smul.u32 $0x9E00, s23  }
0x9: {  	[smem:$0x7FF] =	sst s4;
	s2 =	sadd.s32 $0x16E00, s6;
	s30 =	sshll.u32 s23, $0x6  }
0xa: {  	s7 =	smul.u32 $0x28000, s5;
	_ =	strace $0x80000050;
	[dreg:$0xa] =	wrdreg s2  }
0xb: {  	s23 =	simm.s32 $0x680;
	s24 =	smul.u32 $0x9E000, s5;
	[dreg:$0x6] =	wrdreg s16  }
0xc: {  	s26 =	ssub.s32 $0x2, s5;
	s16 =	simm.s32 $0x2;
	[dreg:$0x7] =	wrdreg s17  }
0xd: {  	s17 =	simm.s32 $0x3;
	[dreg:$0x8] =	wrdreg s18;
	s18 =	simm.s32 $0x4  }
0xe: {  	[dreg:$0x9] =	wrdreg s19;
	s19 =	simm.s32 $0x580;
	s11 =	sshrl.u32 s26, $0x1  }
0xf: {  	s7 =	sadd.s32 s8, s7;
	s25 =	sadd.s32 s9, s24;
	s8 =	ssub.s32 s26, s11  }
0x10: {  	s9 =	sadd.s32 s9, s3;
	s11 =	simm.s32 $0x400;
	s24 =	simm.s32 $0x300  }
0x11: {  	s26 =	simm.s32 $0x700;
	s7 =	sshrl.u32 s7, $0x3;
	s8 =	smax.u32 s8, $0x1  }
0x12: {  	s9 =	sshrl.u32 s9, $0x3;
	s10 =	sadd.s32 s7, s6;
	s7 =	sshrl.u32 s25, $0x3  }
0x13: {  	s25 =	simm.s32 $0x380;
	s7 =	sadd.s32 s7, s6;
	s31 =	sadd.s32 $0x2E00, s10  }
0x14: {  	s6 =	sor.u32 $0x1C05, s30;
	s10 =	sadd.s32 $0xCE00, s10;
	[dreg:$0x4] =	wrdreg s31  }
0x15: {  	s7 =	sadd.s32 $0x18200, s7;
	[dreg:$0x5] =	wrdreg s10;
	s10 =	simm.s32 $0x5  }
.LBB2_1:
0x16: {  	s0 =	rddreg [dreg:$0xa]  }
0x17: {  	[spmem:s9], [sflag:s6] =	dma.local [hbm:s0], $0x13C0  }
0x18: {  	_ =	swait.ge [sflag:s10], $0x13C0  }
0x19: {  	[sflag:s10] =	ssyncset.done $0x0  }
0x1a: {  	[sflag:s10] =	ssyncadd.s32 $0xFFFFEC40  }
0x1b: {  	[bflag:$0x0] =	sbarrier.arrive $0xFFFF  }
0x1c: {  	s30 =	rddreg [dreg:$0x5]  }
0x1d: {  	s30 =	sadd.s32 $0x0, s30  }
0x1e: {  	[tilespmem:s4], [sflag:$0x5] =	stream.linear.gather [hbm4b:s30+s4], $0x400, $0x38;
	[tilespmem:$0xE600] =	vst v63  }
0x1f: {  	_ =	swait.ge [sflag:s10], $0x400  }
0x20: {  	s30 =	rddreg [dreg:$0x4];
	[sflag:s10] =	ssyncset.done $0x0  }
0x21: {  	[sflag:s10] =	ssyncadd.s32 $0xFFFFFC00;
	s30 =	sadd.s32 $0x0, s30  }
0x22: {  	[tilespmem:s11], [sflag:$0x5] =	stream.linear.gather [hbm4b:s30+s4], $0x400, $0x38;
	[tilespmem:$0xE600] =	vst v63  }
0x23: {  	p0 =	por $0x1, $0x1;
	_ =	swait.ge [sflag:s10], $0x400  }
0x24: {  	s31 =	simm.s32 @p0 $0x0;
	[sflag:s10] =	ssyncset.done $0x0  }
0x25: {  	s2 =	simm.s32 @p0 $0x800;
	s30 =	simm.s32 @p0 $0x80;
	[sflag:s10] =	ssyncadd.s32 $0xFFFFFC00  }
0x26: {  	[tilespmem:s2], [sflag:$0x1] =	stream.indirect.gather @p0 [hbm4b:s1+s30], $0x40, s31, s30, $0xb8;
	[tilespmem:$0xE600] =	vst v63  }
0x27: {  	s2 =	simm.s32 @!p0 $0x3  }
0x28: {  	_ =	swait.ge @!p0 [sflag:s2], $0x2000  }
0x29: {  	s30 =	simm.s32 @!p0 $0x800;
	[sflag:s2] =	ssyncset.done @!p0 $0x0  }
0x2a: {  	s31 =	simm.s32 @!p0 $0x0;
	[sflag:s2] =	ssyncadd.s32 @!p0 $0xFFFFE000;
	s2 =	simm.s32 @!p0 $0x80  }
0x2b: {  	[tilespmem:s30], [sflag:$0x1] =	stream.indirect.gather @!p0 [hbm4b:s1+s2], $0x40, s31, s2, $0xb8;
	[tilespmem:$0xE600] =	vst v63  }
0x2c: {  	s2 =	simm.s32 @!p0 $0x4  }
0x2d: {  	_ =	swait.ge @!p0 [sflag:s2], $0x2000  }
0x2e: {  	[sflag:s2] =	ssyncset.done @!p0 $0x0  }
0x2f: {  	[sflag:s2] =	ssyncadd.s32 @!p0 $0xFFFFE000  }
0x30: {  	[tilespmem:s13], [sflag:$0x2] =	stream.indirect.gather [hbm4b:s1+s12], $0x40, s12, s12, $0xb8;
	[tilespmem:$0xE600] =	vst v63  }
0x31: {  	_ =	swait.ge [sflag:s14], $0x2000  }
0x32: {  	[sflag:s14] =	ssyncset.done $0x0  }
0x33: {  	[sflag:s14] =	ssyncadd.s32 $0xFFFFE000  }
0x34: {  	[spmem:s3] =	stream.indirect.scatter.add.f32 [tilespmem:s15], [sflag:$0x3], $0x40, s11, s12, $0xb8;
	[tilespmem:$0xE600] =	vst v63  }
0x35: {  	_ =	swait.ge [sflag:s16], $0x2000  }
0x36: {  	[sflag:s16] =	ssyncset.done $0x0  }
0x37: {  	s31 =	rddreg [dreg:$0x6];
	[sflag:s16] =	ssyncadd.s32 $0xFFFFE000  }
0x38: {  	[spmem:s3] =	stream.indirect.scatter.add.f32 [tilespmem:s13], [sflag:$0x4], $0x40, s31, s12, $0xb8;
	[tilespmem:$0xE600] =	vst v63  }
0x39: {  	_ =	swait.ge [sflag:s17], $0x2000  }
0x3a: {  	[sflag:s17] =	ssyncset.done $0x0  }
0x3b: {  	s0 =	rddreg [dreg:$0x7];
	[sflag:s17] =	ssyncadd.s32 $0xFFFFE000  }
0x3c: {  	[tilespmem:s15], [sflag:$0x1] =	stream.indirect.gather [hbm4b:s1+s12], $0x40, s0, s12, $0xb8;
	[tilespmem:$0xE600] =	vst v63  }
0x3d: {  	_ =	swait.ge [sflag:s18], $0x2000  }
0x3e: {  	[sflag:s18] =	ssyncset.done $0x0  }
0x3f: {  	s5 =	rddreg [dreg:$0x8];
	[sflag:s18] =	ssyncadd.s32 $0xFFFFE000  }
0x40: {  	[tilespmem:s13], [sflag:$0x2] =	stream.indirect.gather [hbm4b:s1+s12], $0x40, s5, s12, $0xb8;
	[tilespmem:$0xE600] =	vst v63  }
0x41: {  	_ =	swait.ge [sflag:s14], $0x2000  }
0x42: {  	[sflag:s14] =	ssyncset.done $0x0  }
0x43: {  	s31 =	rddreg [dreg:$0x9];
	[sflag:s14] =	ssyncadd.s32 $0xFFFFE000  }
0x44: {  	[spmem:s3] =	stream.indirect.scatter.add.f32 [tilespmem:s15], [sflag:$0x3], $0x40, s31, s12, $0xb8;
	[tilespmem:$0xE600] =	vst v63  }
0x45: {  	_ =	swait.ge [sflag:s16], $0x2000  }
0x46: {  	[sflag:s16] =	ssyncset.done $0x0  }
0x47: {  	[sflag:s16] =	ssyncadd.s32 $0xFFFFE000  }
0x48: {  	[spmem:s3] =	stream.indirect.scatter.add.f32 [tilespmem:s13], [sflag:$0x4], $0x40, s19, s12, $0xb8;
	[tilespmem:$0xE600] =	vst v63  }
0x49: {  	_ =	swait.ge [sflag:s17], $0x2000  }
0x4a: {  	[sflag:s17] =	ssyncset.done $0x0  }
0x4b: {  	[sflag:s17] =	ssyncadd.s32 $0xFFFFE000  }
0x4c: {  	[tilespmem:s15], [sflag:$0x1] =	stream.indirect.gather [hbm4b:s1+s12], $0x40, s20, s12, $0xb8;
	[tilespmem:$0xE600] =	vst v63  }
0x4d: {  	_ =	swait.ge [sflag:s18], $0x2000  }
0x4e: {  	[sflag:s18] =	ssyncset.done $0x0  }
0x4f: {  	[sflag:s18] =	ssyncadd.s32 $0xFFFFE000  }
0x50: {  	[tilespmem:s13], [sflag:$0x2] =	stream.indirect.gather [hbm4b:s1+s12], $0x40, s21, s12, $0xb8;
	[tilespmem:$0xE600] =	vst v63  }
0x51: {  	_ =	swait.ge [sflag:s14], $0x2000  }
0x52: {  	[sflag:s14] =	ssyncset.done $0x0  }
0x53: {  	[sflag:s14] =	ssyncadd.s32 $0xFFFFE000  }
0x54: {  	[spmem:s3] =	stream.indirect.scatter.add.f32 [tilespmem:s15], [sflag:$0x3], $0x40, s22, s12, $0xb8;
	[tilespmem:$0xE600] =	vst v63  }
0x55: {  	_ =	swait.ge [sflag:s16], $0x2000  }
0x56: {  	[sflag:s16] =	ssyncset.done $0x0  }
0x57: {  	[sflag:s16] =	ssyncadd.s32 $0xFFFFE000  }
0x58: {  	[spmem:s3] =	stream.indirect.scatter.add.f32 [tilespmem:s13], [sflag:$0x4], $0x40, s23, s12, $0xb8;
	[tilespmem:$0xE600] =	vst v63  }
0x59: {  	_ =	swait.ge [sflag:s17], $0x2000  }
0x5a: {  	[sflag:s17] =	ssyncset.done $0x0  }
0x5b: {  	[sflag:s17] =	ssyncadd.s32 $0xFFFFE000  }
0x5c: {  	[tilespmem:s15], [sflag:$0x1] =	stream.indirect.gather [hbm4b:s1+s12], $0x40, s24, s12, $0xb8;
	[tilespmem:$0xE600] =	vst v63  }
0x5d: {  	_ =	swait.ge [sflag:s18], $0x2000  }
0x5e: {  	[sflag:s18] =	ssyncset.done $0x0  }
0x5f: {  	[sflag:s18] =	ssyncadd.s32 $0xFFFFE000  }
0x60: {  	[tilespmem:s13], [sflag:$0x2] =	stream.indirect.gather [hbm4b:s1+s12], $0x40, s25, s12, $0xb8;
	[tilespmem:$0xE600] =	vst v63  }
0x61: {  	_ =	swait.ge [sflag:s14], $0x2000  }
0x62: {  	[sflag:s14] =	ssyncset.done $0x0  }
0x63: {  	[sflag:s14] =	ssyncadd.s32 $0xFFFFE000  }
0x64: {  	[spmem:s3] =	stream.indirect.scatter.add.f32 [tilespmem:s15], [sflag:$0x3], $0x40, s26, s12, $0xb8;
	[tilespmem:$0xE600] =	vst v63  }
0x65: {  	s30 =	simm.s32 $0x80;
	_ =	swait.ge [sflag:s16], $0x2000  }
.LBB2_2:
0x66: {  	[sflag:s16] =	ssyncset.done $0x0  }
0x67: {  	s2 =	rddreg [dreg:$0x5];
	s31 =	smov.u32 s30;
	[sflag:s16] =	ssyncadd.s32 $0xFFFFE000  }
0x68: {  	[spmem:s3] =	stream.indirect.scatter.add.f32 [tilespmem:s13], [sflag:$0x4], $0x40, s28, s12, $0xb8;
	[tilespmem:$0xE600] =	vst v63  }
0x69: {  	s2 =	sadd.s32 s31, s2  }
0x6a: {  	[tilespmem:s4], [sflag:$0x5] =	stream.linear.gather [hbm4b:s2+s4], $0x400, $0x38;
	[tilespmem:$0xE600] =	vst v63  }
0x6b: {  	_ =	swait.ge [sflag:s10], $0x400  }
0x6c: {  	s5 =	rddreg [dreg:$0x4];
	[sflag:s10] =	ssyncset.done $0x0  }
0x6d: {  	[sflag:s10] =	ssyncadd.s32 $0xFFFFFC00;
	s2 =	sadd.s32 s31, s5  }
0x6e: {  	[tilespmem:s11], [sflag:$0x5] =	stream.linear.gather [hbm4b:s2+s4], $0x400, $0x38;
	[tilespmem:$0xE600] =	vst v63  }
0x6f: {  	p1 =	seq.s32 s31, $0x0;
	_ =	swait.ge [sflag:s10], $0x400  }
0x70: {  	s0 =	simm.s32 @p1 $0x800;
	s31 =	simm.s32 @p1 $0x0;
	[sflag:s10] =	ssyncset.done $0x0  }
0x71: {  	s5 =	simm.s32 @!p1 $0x3;
	s2 =	simm.s32 @p1 $0x80;
	[sflag:s10] =	ssyncadd.s32 $0xFFFFFC00  }
0x72: {  	[tilespmem:s0], [sflag:$0x1] =	stream.indirect.gather @p1 [hbm4b:s1+s2], $0x40, s31, s2, $0xb8;
	[tilespmem:$0xE600] =	vst v63  }
0x73: {  	_ =	swait.ge @!p1 [sflag:s5], $0x2000  }
0x74: {  	s0 =	simm.s32 @!p1 $0x800;
	s2 =	simm.s32 @!p1 $0x4;
	[sflag:s5] =	ssyncset.done @!p1 $0x0  }
0x75: {  	s31 =	simm.s32 @!p1 $0x0;
	[sflag:s5] =	ssyncadd.s32 @!p1 $0xFFFFE000;
	s5 =	simm.s32 @!p1 $0x80  }
0x76: {  	[tilespmem:s0], [sflag:$0x1] =	stream.indirect.gather @!p1 [hbm4b:s1+s5], $0x40, s31, s5, $0xb8;
	[tilespmem:$0xE600] =	vst v63  }
0x77: {  	_ =	swait.ge @!p1 [sflag:s2], $0x2000  }
0x78: {  	[sflag:s2] =	ssyncset.done @!p1 $0x0  }
0x79: {  	[sflag:s2] =	ssyncadd.s32 @!p1 $0xFFFFE000  }
0x7a: {  	[tilespmem:s13], [sflag:$0x2] =	stream.indirect.gather [hbm4b:s1+s12], $0x40, s12, s12, $0xb8;
	[tilespmem:$0xE600] =	vst v63  }
0x7b: {  	_ =	swait.ge [sflag:s14], $0x2000  }
0x7c: {  	[sflag:s14] =	ssyncset.done $0x0  }
0x7d: {  	[sflag:s14] =	ssyncadd.s32 $0xFFFFE000  }
0x7e: {  	[spmem:s3] =	stream.indirect.scatter.add.f32 [tilespmem:s15], [sflag:$0x3], $0x40, s11, s12, $0xb8;
	[tilespmem:$0xE600] =	vst v63  }
0x7f: {  	_ =	swait.ge [sflag:s16], $0x2000  }
0x80: {  	[sflag:s16] =	ssyncset.done $0x0  }
0x81: {  	s31 =	rddreg [dreg:$0x6];
	[sflag:s16] =	ssyncadd.s32 $0xFFFFE000  }
0x82: {  	[spmem:s3] =	stream.indirect.scatter.add.f32 [tilespmem:s13], [sflag:$0x4], $0x40, s31, s12, $0xb8;
	[tilespmem:$0xE600] =	vst v63  }
0x83: {  	_ =	swait.ge [sflag:s17], $0x2000  }
0x84: {  	[sflag:s17] =	ssyncset.done $0x0  }
0x85: {  	s2 =	rddreg [dreg:$0x7];
	[sflag:s17] =	ssyncadd.s32 $0xFFFFE000  }
0x86: {  	[tilespmem:s15], [sflag:$0x1] =	stream.indirect.gather [hbm4b:s1+s12], $0x40, s2, s12, $0xb8;
	[tilespmem:$0xE600] =	vst v63  }
0x87: {  	_ =	swait.ge [sflag:s18], $0x2000  }
0x88: {  	[sflag:s18] =	ssyncset.done $0x0  }
0x89: {  	s5 =	rddreg [dreg:$0x8];
	[sflag:s18] =	ssyncadd.s32 $0xFFFFE000  }
0x8a: {  	[tilespmem:s13], [sflag:$0x2] =	stream.indirect.gather [hbm4b:s1+s12], $0x40, s5, s12, $0xb8;
	[tilespmem:$0xE600] =	vst v63  }
0x8b: {  	_ =	swait.ge [sflag:s14], $0x2000  }
0x8c: {  	[sflag:s14] =	ssyncset.done $0x0  }
0x8d: {  	s31 =	rddreg [dreg:$0x9];
	[sflag:s14] =	ssyncadd.s32 $0xFFFFE000  }
0x8e: {  	[spmem:s3] =	stream.indirect.scatter.add.f32 [tilespmem:s15], [sflag:$0x3], $0x40, s31, s12, $0xb8;
	[tilespmem:$0xE600] =	vst v63  }
0x8f: {  	_ =	swait.ge [sflag:s16], $0x2000  }
0x90: {  	[sflag:s16] =	ssyncset.done $0x0  }
0x91: {  	[sflag:s16] =	ssyncadd.s32 $0xFFFFE000  }
0x92: {  	[spmem:s3] =	stream.indirect.scatter.add.f32 [tilespmem:s13], [sflag:$0x4], $0x40, s19, s12, $0xb8;
	[tilespmem:$0xE600] =	vst v63  }
0x93: {  	_ =	swait.ge [sflag:s17], $0x2000  }
0x94: {  	[sflag:s17] =	ssyncset.done $0x0  }
0x95: {  	[sflag:s17] =	ssyncadd.s32 $0xFFFFE000  }
0x96: {  	[tilespmem:s15], [sflag:$0x1] =	stream.indirect.gather [hbm4b:s1+s12], $0x40, s20, s12, $0xb8;
	[tilespmem:$0xE600] =	vst v63  }
0x97: {  	_ =	swait.ge [sflag:s18], $0x2000  }
0x98: {  	[sflag:s18] =	ssyncset.done $0x0  }
0x99: {  	[sflag:s18] =	ssyncadd.s32 $0xFFFFE000  }
0x9a: {  	[tilespmem:s13], [sflag:$0x2] =	stream.indirect.gather [hbm4b:s1+s12], $0x40, s21, s12, $0xb8;
	[tilespmem:$0xE600] =	vst v63  }
0x9b: {  	_ =	swait.ge [sflag:s14], $0x2000  }
0x9c: {  	[sflag:s14] =	ssyncset.done $0x0  }
0x9d: {  	[sflag:s14] =	ssyncadd.s32 $0xFFFFE000  }
0x9e: {  	[spmem:s3] =	stream.indirect.scatter.add.f32 [tilespmem:s15], [sflag:$0x3], $0x40, s22, s12, $0xb8;
	[tilespmem:$0xE600] =	vst v63  }
0x9f: {  	_ =	swait.ge [sflag:s16], $0x2000  }
0xa0: {  	[sflag:s16] =	ssyncset.done $0x0  }
0xa1: {  	[sflag:s16] =	ssyncadd.s32 $0xFFFFE000  }
0xa2: {  	[spmem:s3] =	stream.indirect.scatter.add.f32 [tilespmem:s13], [sflag:$0x4], $0x40, s23, s12, $0xb8;
	[tilespmem:$0xE600] =	vst v63  }
0xa3: {  	_ =	swait.ge [sflag:s17], $0x2000  }
0xa4: {  	[sflag:s17] =	ssyncset.done $0x0  }
0xa5: {  	[sflag:s17] =	ssyncadd.s32 $0xFFFFE000  }
0xa6: {  	[tilespmem:s15], [sflag:$0x1] =	stream.indirect.gather [hbm4b:s1+s12], $0x40, s24, s12, $0xb8;
	[tilespmem:$0xE600] =	vst v63  }
0xa7: {  	_ =	swait.ge [sflag:s18], $0x2000  }
0xa8: {  	s30 =	sadd.s32 $0x80, s30;
	[sflag:s18] =	ssyncset.done $0x0  }
0xa9: {  	p0 =	sne.s32 s30, $0x500;
	[sflag:s18] =	ssyncadd.s32 $0xFFFFE000  }
0xaa: {  	[tilespmem:s13], [sflag:$0x2] =	stream.indirect.gather [hbm4b:s1+s12], $0x40, s25, s12, $0xb8;
	[tilespmem:$0xE600] =	vst v63  }
.Ltmp0:
0xab: {  	_ =	swait.ge [sflag:s14], $0x2000;
	(pc) =	sbr.rel @p0 .LBB2_2-.Ltmp0, $4  }
0xac: {  	[sflag:s14] =	ssyncset.done $0x0  }
0xad: {  	[sflag:s14] =	ssyncadd.s32 $0xFFFFE000  }
0xae: {  	[spmem:s3] =	stream.indirect.scatter.add.f32 [tilespmem:s15], [sflag:$0x3], $0x40, s26, s12, $0xb8;
	[tilespmem:$0xE600] =	vst v63  }
0xaf: {  	_ =	swait.ge [sflag:s16], $0x2000  }
0xb0: {  	[sflag:s16] =	ssyncset.done $0x0  }
0xb1: {  	[sflag:s16] =	ssyncadd.s32 $0xFFFFE000  }
0xb2: {  	[spmem:s3] =	stream.indirect.scatter.add.f32 [tilespmem:s13], [sflag:$0x4], $0x40, s28, s12, $0xb8;
	[tilespmem:$0xE600] =	vst v63  }
0xb3: {  	_ =	swait.ge [sflag:s17], $0x2000  }
0xb4: {  	[sflag:s17] =	ssyncset.done $0x0  }
0xb5: {  	[sflag:s17] =	ssyncadd.s32 $0xFFFFE000  }
0xb6: {  	_ =	swait.ge [sflag:s18], $0x2000  }
0xb7: {  	s29 =	sadd.s32 $0x1, s29;
	[sflag:s18] =	ssyncset.done $0x0  }
0xb8: {  	p0 =	sne.s32 s29, s8;
	[sflag:s18] =	ssyncadd.s32 $0xFFFFE000  }
.Ltmp1:
0xb9: {  	[bflag:$0x0] =	sbarrier.arrive $0xFFFF;
	(pc) =	sbr.rel @p0 .LBB2_1-.Ltmp1, $4  }
0xba: {  	[hbm:s7], [sflag:s6] =	dma.local [spmem:s9], $0x13C0  }
0xbb: {  	_ =	swait.ge [sflag:s10], $0x13C0  }
0xbc: {  	[sflag:s10] =	ssyncset.done $0x0  }
0xbd: {  	[sflag:s10] =	ssyncadd.s32 $0xFFFFEC40  }
0xbe: {  	_ =	sfence.sel $0x180000  }
0xbf: {  	[bflag:$0x0] =	sbarrier.arrive $0xFFFF  }
0xc0: {  	_ =	strace $0x90000050  }
0xc1: {  	s0 =	stileid.u32;
	[bflag:$0x2] =	sbarrier.arrive $0xFFFF  }
0xc2: {  	p0 =	sne.s32 s0, $0x0;
	s0 =	rddreg [dreg:$0x3]  }
0xc3: {  	s0 =	sadd.s32 @!p0 $0x100000, s0  }
0xc4: {  	[sflag:s0] =	ssyncadd.tile.s32 @!p0 $0x1;
	_ =	shalt  }
.Lfunc_end2:
_tile_overlayer_lowered:
.L_overlay_start_2:
0xc5: {  	(tag) =	ssettag $0x2  }
0xc6: {  	s0 =	rddreg [dreg:$0x0];
	s2 =	stileid.u32  }
0xc7: {  	s1 =	rddreg [dreg:$0x1];
	p0 =	sne.s32 s2, $0x0  }
0xc8: {  	s3 =	rddreg [dreg:$0x2];
	[bflag:$0x3] =	sbarrier.arrive $0xFFFF;
	s2 =	simm.s32 @!p0 $0x1C05  }
0xc9: {  	[timem:s3], [sflag:s2] =	dma.local @!p0 [hbm:s0], s1  }
0xca: {  	s0 =	simm.s32 @!p0 $0x5  }
0xcb: {  	_ =	swait.ge @!p0 [sflag:s0], s1  }
0xcc: {  	s1 =	ssub.s32 @!p0 $0x0, s1;
	[sflag:s0] =	ssyncset.done @!p0 $0x0  }
0xcd: {  	[sflag:s0] =	ssyncadd.s32 @!p0 s1  }
0xce: {  	[bflag:$0x3] =	sbarrier.arrive $0xFFFF  }
0xcf: {  	_ =	shalt  }

</sc_bundles>
